<compile_context>
chip_gen: v7x
topology: tpu7x:2x2x1
jax: 0.10.2.dev20260603
libtpu: 0.0.44.dev20260713+nightly
codegen_flags: <defaults>
</compile_context>

<pallas_src>
import jax
import jax.numpy as jnp
from jax import lax
from jax.experimental import pallas as pl
from jax.experimental.pallas import tpu as pltpu
import jax.experimental.pallas.tpu_sc as plsc

N = 360
E = 11520
B = 512
BB = 8
BBC = 64
ROWS_PER_TILE = 12
NPAD = 368
F32 = jnp.float32



def _sc_body(ei_hbm, w_hbm, out_hbm,
             src_v, dst_v, w_v, deg16, dinv_v, slab16, slab_v):
    c = lax.axis_index("c")
    s = lax.axis_index("s")
    wid = s * 2 + c
    lo = wid * ROWS_PER_TILE

    pltpu.sync_copy(ei_hbm.at[0], src_v)
    pltpu.sync_copy(ei_hbm.at[1], dst_v)
    pltpu.sync_copy(w_hbm, w_v)

    lanes = lax.iota(jnp.int32, 16)
    zeros16 = jnp.zeros((16,), F32)

    def zero_deg(i, _):
        for u in range(8):
            deg16[pl.ds((i * 8 + u) * 16, 16)] = zeros16
        return 0
    lax.fori_loop(0, (16 * NPAD) // (16 * 8), zero_deg, 0)

    def zero_slab(i, _):
        for u in range(8):
            slab16[pl.ds((i * 8 + u) * 16, 16)] = zeros16
        return 0
    lax.fori_loop(0, (16 * ROWS_PER_TILE * N) // (16 * 8), zero_slab, 0)

    lane_deg = lanes * NPAD
    def deg_step(e, _):
        for u in range(4):
            sv = src_v[pl.ds((e * 4 + u) * 16, 16)]
            wv = w_v[pl.ds((e * 4 + u) * 16, 16)]
            plsc.addupdate_scatter(deg16, [lane_deg + sv], wv)
        return 0
    lax.fori_loop(0, E // 64, deg_step, 0)

    def dinv_step(k, _):
        acc = deg16[pl.ds(k * 16, 16)]
        for l in range(1, 16):
            acc = acc + deg16[pl.ds(l * NPAD + k * 16, 16)]
        bits = plsc.bitcast(acc, jnp.int32)
        y = plsc.bitcast(jnp.int32(0x5F3759DF) - (bits >> 1), F32)
        for _i in range(4):
            y = y * (1.5 - 0.5 * acc * y * y)
        dinv_v[pl.ds(k * 16, 16)] = jnp.where(acc > 0.0, y, 0.0)
        return 0
    lax.fori_loop(0, NPAD // 16, dinv_step, 0)

    lane_slab = lanes * (ROWS_PER_TILE * N)
    lo_v = jnp.full((16,), lo, jnp.int32)
    def edge_step(e, _):
        for u in range(4):
            sv = src_v[pl.ds((e * 4 + u) * 16, 16)]
            dv = dst_v[pl.ds((e * 4 + u) * 16, 16)]
            wv = w_v[pl.ds((e * 4 + u) * 16, 16)]
            rel = dv - lo_v
            m = (rel >= 0) & (rel < ROWS_PER_TILE)
            ds_ = plsc.load_gather(dinv_v, [sv])
            dd = plsc.load_gather(dinv_v, [dv])
            norm = -(ds_ * wv * dd)
            addr = lane_slab + rel * N + sv
            addr = jnp.where(m, addr, 0)
            plsc.addupdate_scatter(slab16, [addr], norm, mask=m)
        return 0
    lax.fori_loop(0, E // 64, edge_step, 0)

    def slab_step(k, _):
        acc = slab16[pl.ds(k * 16, 16)]
        for l in range(1, 16):
            acc = acc + slab16[pl.ds(l * (ROWS_PER_TILE * N) + k * 16, 16)]
        slab_v[pl.ds(k * 16, 16)] = acc
        return 0
    lax.fori_loop(0, (ROWS_PER_TILE * N) // 16, slab_step, 0)

    @pl.when(wid < N // ROWS_PER_TILE)
    def _():
        pltpu.sync_copy(slab_v, out_hbm.at[pl.ds(lo * N, ROWS_PER_TILE * N)])


def _build_lhat(ei, w):
    mesh = plsc.VectorSubcoreMesh(core_axis_name="c", subcore_axis_name="s")
    f = pl.kernel(
        _sc_body,
        out_type=jax.ShapeDtypeStruct((N * N,), F32),
        mesh=mesh,
        scratch_types=[
            pltpu.VMEM((E,), jnp.int32),
            pltpu.VMEM((E,), jnp.int32),
            pltpu.VMEM((E,), F32),
            pltpu.VMEM((16 * NPAD,), F32),
            pltpu.VMEM((NPAD,), F32),
            pltpu.VMEM((16 * ROWS_PER_TILE * N,), F32),
            pltpu.VMEM((ROWS_PER_TILE * N,), F32),
        ],
        compiler_params=pltpu.CompilerParams(needs_layout_passes=False),
        name="sc_build_lhat",
    )
    return f(ei, w).reshape(N, N)



def _st_core(x_ref, x_t, L, Wt1s, bt1s, KCe, cbe, Wt2e, bt2e, t_in):
    tm = t_in - 2
    to = t_in - 4
    xs = [x_t(t) for t in range(t_in)]
    h1 = []
    for t in range(tm):
        xwin = jnp.concatenate([xs[t], xs[t + 1], xs[t + 2]], axis=0)
        g = jnp.dot(Wt1s, xwin, preferred_element_type=F32) + bt1s
        h1.append(jnp.maximum(
            g[0:12 * BB] * jax.nn.sigmoid(g[12 * BB:24 * BB])
            + g[24 * BB:36 * BB], 0.0))
    h1_all = jnp.concatenate(h1, axis=0)
    b_all = lax.dot_general(h1_all, L, (((1,), (1,)), ((), ())),
                            preferred_element_type=F32)
    c1 = []
    cw = 12 * BB
    for t in range(tm):
        hb = jnp.concatenate([h1[t], b_all[t * cw:(t + 1) * cw]], axis=0)
        c1.append(jnp.maximum(
            jnp.dot(KCe, hb, preferred_element_type=F32) + cbe, 0.0))
    h2 = []
    for t in range(to):
        cwin = jnp.concatenate([c1[t], c1[t + 1], c1[t + 2]], axis=0)
        g2 = jnp.dot(Wt2e, cwin, preferred_element_type=F32) + bt2e
        h2.append(jnp.maximum(
            g2[0:BB] * jax.nn.sigmoid(g2[BB:2 * BB]) + g2[2 * BB:3 * BB],
            0.0))
    return h2


def _write_out(h2, t2_ref, stats_ref):
    s1 = None
    s2 = None
    for t, h in enumerate(h2):
        t2_ref[t] = h
        a = jnp.sum(h, axis=0)
        b = jnp.sum(h * h, axis=0)
        s1 = a if s1 is None else s1 + a
        s2 = b if s2 is None else s2 + b
    stats_ref[...] += jnp.stack([s1, s2])


def _bn_scale_shift(sin_ref, gam, bet, cnt):
    mean = sin_ref[0:1, :] / cnt
    var = sin_ref[1:2, :] / cnt - mean * mean
    scale = gam[...] * lax.rsqrt(var + 1e-5)
    shift = bet[...] - mean * scale
    return scale, shift


def _body_r1(x_ref, L_ref, Wt1e, bt1e, KCe, cbe, Wt2e, bt2e,
             t2_ref, stats_ref):
    @pl.when(pl.program_id(0) == 0)
    def _():
        stats_ref[...] = jnp.zeros_like(stats_ref)
    h2 = _st_core(x_ref, lambda t: x_ref[t], L_ref[...], Wt1e[...],
                  bt1e[...], KCe[...], cbe[...], Wt2e[...], bt2e[...], 12)
    _write_out(h2, t2_ref, stats_ref)


def _body_r2(x_ref, sin_ref, gam, bet, L_ref, Wt1e, bt1e, KCe, cbe, Wt2e,
             bt2e, t2_ref, stats_ref):
    @pl.when(pl.program_id(0) == 0)
    def _():
        stats_ref[...] = jnp.zeros_like(stats_ref)
    scale, shift = _bn_scale_shift(sin_ref, gam, bet, float(B * 8))

    def x_t(t):
        return jnp.maximum(x_ref[t] * scale + shift, 0.0)

    h2 = _st_core(x_ref, x_t, L_ref[...], Wt1e[...], bt1e[...], KCe[...],
                  cbe[...], Wt2e[...], bt2e[...], 8)
    _write_out(h2, t2_ref, stats_ref)


def _body_out(x_ref, sin_ref, gam, bet, lw_ref, lb_ref, out_ref):
    scale, shift = _bn_scale_shift(sin_ref, gam, bet, float(B * 4))
    h = jnp.maximum(x_ref[3] * scale + shift, 0.0)
    out = lax.dot_general(h, lw_ref[...], (((1,), (1,)), ((), ())),
                          preferred_element_type=F32)
    out_ref[...] = out + lb_ref[...]


def _full(shape):
    if len(shape) == 2:
        return pl.BlockSpec(shape, lambda i: (0, 0))
    return pl.BlockSpec(shape, lambda i: (0, 0, 0))


def _prep_block(p, pref):
    eye = jnp.eye(BB, dtype=F32)
    wt1e = jnp.kron(jnp.concatenate(
        [p[pref + '_t1_w%d' % j].reshape(12, 3) for j in (1, 2, 3)],
        axis=0), eye)
    bt1e = jnp.repeat(jnp.concatenate(
        [p[pref + '_t1_b%d' % j] for j in (1, 2, 3)]), BB).reshape(36 * BB, 1)
    kce = jnp.concatenate([jnp.kron(p[pref + '_cw0'], eye),
                           jnp.kron(p[pref + '_cw1'], eye)], axis=1)
    cbe = jnp.repeat(p[pref + '_cb'], BB).reshape(12 * BB, 1)
    w2s = [p[pref + '_t2_w%d' % j].reshape(12, 3) for j in (1, 2, 3)]
    w2flat = jnp.stack([w.T.reshape(36) for w in w2s], axis=0)
    wt2e = jnp.kron(w2flat, eye)
    bt2e = jnp.repeat(jnp.stack(
        [p[pref + '_t2_b%d' % j][0] for j in (1, 2, 3)]), BB).reshape(3 * BB, 1)
    return (wt1e, bt1e, kce, cbe, wt2e, bt2e)


def _param_specs():
    return [_full((36 * BB, 3 * BB)), _full((36 * BB, 1)),
            _full((12 * BB, 24 * BB)), _full((12 * BB, 1)),
            _full((3 * BB, 36 * BB)), _full((3 * BB, 1))]


def _dense_forward(L, x3, params):
    pr1 = _prep_block(params, 'r1')
    pr2 = _prep_block(params, 'r2')
    grid = (B // BB,)

    t2a, stats_a = pl.pallas_call(
        _body_r1,
        grid=grid,
        in_specs=[pl.BlockSpec((12, BB, N), lambda i: (0, i, 0)),
                  _full((N, N))] + _param_specs(),
        out_specs=[pl.BlockSpec((8, BB, N), lambda i: (0, i, 0)),
                   _full((2, N))],
        out_shape=[jax.ShapeDtypeStruct((8, B, N), F32),
                   jax.ShapeDtypeStruct((2, N), F32)],
    )(x3, L, *pr1)

    t2b, stats_b = pl.pallas_call(
        _body_r2,
        grid=grid,
        in_specs=[pl.BlockSpec((8, BB, N), lambda i: (0, i, 0)),
                  _full((2, N)), _full((1, N)), _full((1, N)),
                  _full((N, N))] + _param_specs(),
        out_specs=[pl.BlockSpec((4, BB, N), lambda i: (0, i, 0)),
                   _full((2, N))],
        out_shape=[jax.ShapeDtypeStruct((4, B, N), F32),
                   jax.ShapeDtypeStruct((2, N), F32)],
    )(t2a, stats_a, params['r1_bn_g'].reshape(1, N),
      params['r1_bn_b'].reshape(1, N), L, *pr2)

    out = pl.pallas_call(
        _body_out,
        grid=(B // BBC,),
        in_specs=[pl.BlockSpec((4, BBC, N), lambda i: (0, i, 0)),
                  _full((2, N)), _full((1, N)), _full((1, N)),
                  _full((N, N)), _full((1, N))],
        out_specs=pl.BlockSpec((BBC, N), lambda i: (i, 0)),
        out_shape=jax.ShapeDtypeStruct((B, N), F32),
    )(t2b, stats_b, params['r2_bn_g'].reshape(1, N),
      params['r2_bn_b'].reshape(1, N), params['lin_w'],
      params['lin_b'].reshape(1, N))
    return out


def kernel(x, edge_weight, params, edge_index):
    L = _build_lhat(edge_index.astype(jnp.int32), edge_weight.astype(F32))
    x3 = jnp.transpose(x[..., 0].astype(F32), (1, 0, 2))
    return _dense_forward(L, x3, params)

# --- scband reference (transcript-rebuilt; emitter-appended) ---
"""Pipeline reference for scband-stgcn-12111807775397 (READ-ONLY COPY).

The authoritative reference and input builder live on the scoring server;
editing this copy changes nothing except your own understanding.
"""

import jax, jax.numpy as jnp
import numpy as np

N_NODES = 360


def _conv2d_1xk(Xp, W, b):
    # Xp: (B, C_in, N, T); W: (C_out, C_in, 1, k) -- torch nn.Conv2d semantics
    out = jax.lax.conv_general_dilated(Xp, W, window_strides=(1, 1), padding='VALID',
                                       dimension_numbers=('NCHW', 'OIHW', 'NCHW'))
    return out + b[None, :, None, None]


def temporal_conv(X, p, prefix):
    # torch_geometric_temporal TemporalConv: gated temporal conv, kernel (1, 3)
    # X: (B, T, N, C_in) -> (B, T-2, N, C_out)
    Xp = jnp.transpose(X, (0, 3, 2, 1))  # (B, C, N, T)
    P = _conv2d_1xk(Xp, p[prefix + '_w1'], p[prefix + '_b1'])
    Q = jax.nn.sigmoid(_conv2d_1xk(Xp, p[prefix + '_w2'], p[prefix + '_b2']))
    R = _conv2d_1xk(Xp, p[prefix + '_w3'], p[prefix + '_b3'])
    H = jax.nn.relu(P * Q + R)
    return jnp.transpose(H, (0, 3, 2, 1))


def cheb_conv(x, edge_index, edge_weight, W0, W1, bias):
    # PyG ChebConv, K=2, normalization='sym', default lambda_max=2.0:
    # T_hat = 2L/lambda_max - I = -D^{-1/2} A D^{-1/2} (added self-loops get weight 0)
    # out = Tx_0 @ W0^T + (T_hat @ Tx_0) @ W1^T + bias
    src, dst = edge_index[0], edge_index[1]
    deg = jnp.zeros((N_NODES,), x.dtype).at[src].add(edge_weight)  # scatter-add degree
    dinv = jnp.where(deg > 0, 1.0 / jnp.sqrt(deg), 0.0)
    norm = -dinv[src] * edge_weight * dinv[dst]
    # scatter-build the 360x360 scaled-Laplacian operator (duplicate edges summed,
    # exactly matching per-edge scatter-add aggregation at dst over x[src])
    L_hat = jnp.zeros((N_NODES, N_NODES), x.dtype).at[dst, src].add(norm)
    Tx0 = x  # (B, T, N, C)
    Tx1 = jnp.einsum('ij,btjc->btic', L_hat, x)
    return Tx0 @ W0.T + Tx1 @ W1.T + bias


def batch_norm_nodes(T, gamma, beta, eps=1e-5):
    # torch permutes to (B, N, T, C) and applies BatchNorm2d(num_nodes) in training
    # mode: per-node batch statistics over (batch, time, channel) dims
    mean = T.mean(axis=(0, 1, 3), keepdims=True)
    var = T.var(axis=(0, 1, 3), keepdims=True)
    return (T - mean) / jnp.sqrt(var + eps) * gamma[None, None, :, None] + beta[None, None, :, None]


def st_conv(x, edge_index, edge_weight, p, prefix):
    T0 = temporal_conv(x, p, prefix + '_t1')
    T1 = jax.nn.relu(cheb_conv(T0, edge_index, edge_weight,
                               p[prefix + '_cw0'], p[prefix + '_cw1'], p[prefix + '_cb']))
    T2 = temporal_conv(T1, p, prefix + '_t2')
    return batch_norm_nodes(T2, p[prefix + '_bn_g'], p[prefix + '_bn_b'])


def _forward(x, edge_weight, params, edge_index):
    h = jax.nn.relu(st_conv(x, edge_index, edge_weight, params, 'r1'))
    h = jax.nn.relu(st_conv(h, edge_index, edge_weight, params, 'r2'))
    h = h[:, -1, :, 0]  # x[:, -1, ...].squeeze(-1) -> (B, 360)
    return h @ params['lin_w'].T + params['lin_b']


def setup_inputs(seed: int = 0):
    key = jax.random.key(seed)
    ks = jax.random.split(key, 32)
    B, T, N, E = 512, 12, N_NODES, 11520
    x = jax.random.normal(ks[0], (B, T, N, 1), jnp.float32)
    edge_index = jax.random.randint(ks[1], (2, E), 0, N)
    edge_weight = jax.random.uniform(ks[2], (E,), jnp.float32)
    p = {}
    idx = 3
    for pref in ('r1', 'r2'):
        for tname, ci, co in (('_t1', 1, 12), ('_t2', 12, 1)):
            for j in (1, 2, 3):
                p[pref + tname + '_w%d' % j] = jax.random.normal(ks[idx], (co, ci, 1, 3), jnp.float32) * 0.1
                p[pref + tname + '_b%d' % j] = jnp.zeros((co,), jnp.float32)
                idx += 1
        p[pref + '_cw0'] = jax.random.normal(ks[idx], (12, 12), jnp.float32) * 0.1; idx += 1
        p[pref + '_cw1'] = jax.random.normal(ks[idx], (12, 12), jnp.float32) * 0.1; idx += 1
        p[pref + '_cb'] = jnp.zeros((12,), jnp.float32)
        p[pref + '_bn_g'] = jnp.ones((N,), jnp.float32)
        p[pref + '_bn_b'] = jnp.zeros((N,), jnp.float32)
    p['lin_w'] = jax.random.normal(ks[idx], (N, N), jnp.float32) * 0.05; idx += 1
    p['lin_b'] = jnp.zeros((N,), jnp.float32)
    return {'x': x, 'edge_weight': edge_weight, 'params': p, 'edge_index': edge_index}


def reference(x, edge_weight, params, edge_index):
    return _forward(x, edge_weight, params, edge_index)

if __name__ == "__main__":
    import jax
    _d = setup_inputs()
    print(jax.jit(kernel)(*tuple(_d.values())))

</pallas_src>

<mosaic_0001>
#map = affine_map<(d0, d1) -> (0, 0)>
#map1 = affine_map<(d0, d1) -> (0)>
module attributes {stable_mosaic.version = 14 : i64} {
  func.func @sc_build_lhat(%arg0: i32, %arg1: i32, %arg2: memref<2x11520xi32, #tpu.memory_space<hbm>>, %arg3: memref<11520xf32, #tpu.memory_space<hbm>>, %arg4: memref<129600xf32, #tpu.memory_space<hbm>>, %arg5: memref<11520xi32, #tpu.memory_space<vmem>>, %arg6: memref<11520xi32, #tpu.memory_space<vmem>>, %arg7: memref<11520xf32, #tpu.memory_space<vmem>>, %arg8: memref<5888xf32, #tpu.memory_space<vmem>>, %arg9: memref<368xf32, #tpu.memory_space<vmem>>, %arg10: memref<69120xf32, #tpu.memory_space<vmem>>, %arg11: memref<4320xf32, #tpu.memory_space<vmem>>) attributes {dimension_semantics = [#tpu.dimension_semantics<core_parallel>, #tpu.dimension_semantics<subcore_parallel>], iteration_bounds = array<i64: 2, 16>, scalar_prefetch = 0 : i64, scratch_operands = 7 : i64, tpu.core_type = #tpu.core_type<sc_vector_subcore>, window_params = [{transform_indices = #map}, {transform_indices = #map1}, {transform_indices = #map1}]} {
    %mul3A = arith.constant 2 : i32
    %mul3A_0 = arith.muli %arg1, %mul3A : i32
    %add3A = arith.addi %mul3A_0, %arg0 : i32
    %mul3A_1 = arith.constant 12 : i32
    %mul3A_2 = arith.muli %add3A, %mul3A_1 : i32
    %run_scoped3A = arith.constant 0 : i32
    "tpu.region"() ({
      %run_scoped3A_55 = tpu.sem_alloc : memref<!tpu.dma_semaphore, #tpu.memory_space<semaphore_mem>>
      %dma_start3A = arith.constant 0 : i32
      %dma_start3A_56 = tpu.memref_slice %arg2[%run_scoped3A, %dma_start3A] : memref<2x11520xi32, #tpu.memory_space<hbm>> -> memref<1x11520xi32, #tpu.memory_space<hbm>>
      %dma_start3A_57 = tpu.memref_squeeze %dma_start3A_56 : memref<1x11520xi32, #tpu.memory_space<hbm>> -> memref<11520xi32, #tpu.memory_space<hbm>>
      %dma_start3A_58 = arith.constant 0 : i32
      %dma_start3A_59 = tpu.memref_slice %arg2[%run_scoped3A, %dma_start3A_58] : memref<2x11520xi32, #tpu.memory_space<hbm>> -> memref<1x11520xi32, #tpu.memory_space<hbm>>
      %dma_start3A_60 = tpu.memref_squeeze %dma_start3A_59 : memref<1x11520xi32, #tpu.memory_space<hbm>> -> memref<11520xi32, #tpu.memory_space<hbm>>
      tpu.enqueue_dma source(%dma_start3A_60 : memref<11520xi32, #tpu.memory_space<hbm>>) target(%arg5 : memref<11520xi32, #tpu.memory_space<vmem>>) target_semaphore(%run_scoped3A_55 : memref<!tpu.dma_semaphore, #tpu.memory_space<semaphore_mem>>)
      %dma_wait3A = arith.constant 0 : i32
      %dma_wait3A_61 = tpu.memref_slice %arg2[%run_scoped3A, %dma_wait3A] : memref<2x11520xi32, #tpu.memory_space<hbm>> -> memref<1x11520xi32, #tpu.memory_space<hbm>>
      %dma_wait3A_62 = tpu.memref_squeeze %dma_wait3A_61 : memref<1x11520xi32, #tpu.memory_space<hbm>> -> memref<11520xi32, #tpu.memory_space<hbm>>
      %dma_wait3A_63 = arith.constant 0 : i32
      %dma_wait3A_64 = tpu.memref_slice %arg2[%run_scoped3A, %dma_wait3A_63] : memref<2x11520xi32, #tpu.memory_space<hbm>> -> memref<1x11520xi32, #tpu.memory_space<hbm>>
      %dma_wait3A_65 = tpu.memref_squeeze %dma_wait3A_64 : memref<1x11520xi32, #tpu.memory_space<hbm>> -> memref<11520xi32, #tpu.memory_space<hbm>>
      tpu.wait_dma2 semaphore(%run_scoped3A_55 : memref<!tpu.dma_semaphore, #tpu.memory_space<semaphore_mem>>) src(%dma_wait3A_65 : memref<11520xi32, #tpu.memory_space<hbm>>) dst(%arg5 : memref<11520xi32, #tpu.memory_space<vmem>>)
      tpu.yield
    }) : () -> ()
    %run_scoped3A_3 = arith.constant 1 : i32
    "tpu.region"() ({
      %run_scoped3A_55 = tpu.sem_alloc : memref<!tpu.dma_semaphore, #tpu.memory_space<semaphore_mem>>
      %dma_start3A = arith.constant 0 : i32
      %dma_start3A_56 = tpu.memref_slice %arg2[%run_scoped3A_3, %dma_start3A] : memref<2x11520xi32, #tpu.memory_space<hbm>> -> memref<1x11520xi32, #tpu.memory_space<hbm>>
      %dma_start3A_57 = tpu.memref_squeeze %dma_start3A_56 : memref<1x11520xi32, #tpu.memory_space<hbm>> -> memref<11520xi32, #tpu.memory_space<hbm>>
      %dma_start3A_58 = arith.constant 0 : i32
      %dma_start3A_59 = tpu.memref_slice %arg2[%run_scoped3A_3, %dma_start3A_58] : memref<2x11520xi32, #tpu.memory_space<hbm>> -> memref<1x11520xi32, #tpu.memory_space<hbm>>
      %dma_start3A_60 = tpu.memref_squeeze %dma_start3A_59 : memref<1x11520xi32, #tpu.memory_space<hbm>> -> memref<11520xi32, #tpu.memory_space<hbm>>
      tpu.enqueue_dma source(%dma_start3A_60 : memref<11520xi32, #tpu.memory_space<hbm>>) target(%arg6 : memref<11520xi32, #tpu.memory_space<vmem>>) target_semaphore(%run_scoped3A_55 : memref<!tpu.dma_semaphore, #tpu.memory_space<semaphore_mem>>)
      %dma_wait3A = arith.constant 0 : i32
      %dma_wait3A_61 = tpu.memref_slice %arg2[%run_scoped3A_3, %dma_wait3A] : memref<2x11520xi32, #tpu.memory_space<hbm>> -> memref<1x11520xi32, #tpu.memory_space<hbm>>
      %dma_wait3A_62 = tpu.memref_squeeze %dma_wait3A_61 : memref<1x11520xi32, #tpu.memory_space<hbm>> -> memref<11520xi32, #tpu.memory_space<hbm>>
      %dma_wait3A_63 = arith.constant 0 : i32
      %dma_wait3A_64 = tpu.memref_slice %arg2[%run_scoped3A_3, %dma_wait3A_63] : memref<2x11520xi32, #tpu.memory_space<hbm>> -> memref<1x11520xi32, #tpu.memory_space<hbm>>
      %dma_wait3A_65 = tpu.memref_squeeze %dma_wait3A_64 : memref<1x11520xi32, #tpu.memory_space<hbm>> -> memref<11520xi32, #tpu.memory_space<hbm>>
      tpu.wait_dma2 semaphore(%run_scoped3A_55 : memref<!tpu.dma_semaphore, #tpu.memory_space<semaphore_mem>>) src(%dma_wait3A_65 : memref<11520xi32, #tpu.memory_space<hbm>>) dst(%arg6 : memref<11520xi32, #tpu.memory_space<vmem>>)
      tpu.yield
    }) : () -> ()
    "tpu.region"() ({
      %run_scoped3A_55 = tpu.sem_alloc : memref<!tpu.dma_semaphore, #tpu.memory_space<semaphore_mem>>
      tpu.enqueue_dma source(%arg3 : memref<11520xf32, #tpu.memory_space<hbm>>) target(%arg7 : memref<11520xf32, #tpu.memory_space<vmem>>) target_semaphore(%run_scoped3A_55 : memref<!tpu.dma_semaphore, #tpu.memory_space<semaphore_mem>>)
      tpu.wait_dma2 semaphore(%run_scoped3A_55 : memref<!tpu.dma_semaphore, #tpu.memory_space<semaphore_mem>>) src(%arg3 : memref<11520xf32, #tpu.memory_space<hbm>>) dst(%arg7 : memref<11520xf32, #tpu.memory_space<vmem>>)
      tpu.yield
    }) : () -> ()
    %iota3A = tpu.iota {dimensions = array<i32: 0>} : vector<16xi32>
    %broadcast_in_dim3A = arith.constant 0.000000e+00 : f32
    %broadcast_in_dim3A_4 = vector.broadcast %broadcast_in_dim3A : f32 to vector<16xf32>
    %scan3A = arith.constant 0 : i32
    %scan3A_5 = arith.constant 0 : i32
    %scan3A_6 = arith.constant 46 : i32
    %scan3A_7 = arith.addi %scan3A_5, %scan3A_6 : i32
    %scan3A_8 = arith.constant 1 : i32
    %scan3A_9 = scf.for %scan3A_55 = %scan3A_5 to %scan3A_7 step %scan3A_8 iter_args(%scan3A_56 = %scan3A) -> (i32)  : i32 {
      %mul3A_57 = arith.constant 8 : i32
      %mul3A_58 = arith.muli %scan3A_55, %mul3A_57 : i32
      %add3A_59 = arith.constant 0 : i32
      %add3A_60 = arith.addi %mul3A_58, %add3A_59 : i32
      %mul3A_61 = arith.constant 16 : i32
      %mul3A_62 = arith.muli %add3A_60, %mul3A_61 : i32
      %swap3A = arith.index_cast %mul3A_62 : i32 to index
      %swap3A_63 = tpu.vector_load %arg8[%swap3A] {strides = array<i32>} : memref<5888xf32, #tpu.memory_space<vmem>>, vector<16xf32>,
      tpu.vector_store %arg8[%swap3A], %broadcast_in_dim3A_4 {strides = array<i32>} : memref<5888xf32, #tpu.memory_space<vmem>>, vector<16xf32>,
      %mul3A_64 = arith.constant 8 : i32
      %mul3A_65 = arith.muli %scan3A_55, %mul3A_64 : i32
      %add3A_66 = arith.constant 1 : i32
      %add3A_67 = arith.addi %mul3A_65, %add3A_66 : i32
      %mul3A_68 = arith.constant 16 : i32
      %mul3A_69 = arith.muli %add3A_67, %mul3A_68 : i32
      %swap3A_70 = arith.index_cast %mul3A_69 : i32 to index
      %swap3A_71 = tpu.vector_load %arg8[%swap3A_70] {strides = array<i32>} : memref<5888xf32, #tpu.memory_space<vmem>>, vector<16xf32>,
      tpu.vector_store %arg8[%swap3A_70], %broadcast_in_dim3A_4 {strides = array<i32>} : memref<5888xf32, #tpu.memory_space<vmem>>, vector<16xf32>,
      %mul3A_72 = arith.constant 8 : i32
      %mul3A_73 = arith.muli %scan3A_55, %mul3A_72 : i32
      %add3A_74 = arith.constant 2 : i32
      %add3A_75 = arith.addi %mul3A_73, %add3A_74 : i32
      %mul3A_76 = arith.constant 16 : i32
      %mul3A_77 = arith.muli %add3A_75, %mul3A_76 : i32
      %swap3A_78 = arith.index_cast %mul3A_77 : i32 to index
      %swap3A_79 = tpu.vector_load %arg8[%swap3A_78] {strides = array<i32>} : memref<5888xf32, #tpu.memory_space<vmem>>, vector<16xf32>,
      tpu.vector_store %arg8[%swap3A_78], %broadcast_in_dim3A_4 {strides = array<i32>} : memref<5888xf32, #tpu.memory_space<vmem>>, vector<16xf32>,
      %mul3A_80 = arith.constant 8 : i32
      %mul3A_81 = arith.muli %scan3A_55, %mul3A_80 : i32
      %add3A_82 = arith.constant 3 : i32
      %add3A_83 = arith.addi %mul3A_81, %add3A_82 : i32
      %mul3A_84 = arith.constant 16 : i32
      %mul3A_85 = arith.muli %add3A_83, %mul3A_84 : i32
      %swap3A_86 = arith.index_cast %mul3A_85 : i32 to index
      %swap3A_87 = tpu.vector_load %arg8[%swap3A_86] {strides = array<i32>} : memref<5888xf32, #tpu.memory_space<vmem>>, vector<16xf32>,
      tpu.vector_store %arg8[%swap3A_86], %broadcast_in_dim3A_4 {strides = array<i32>} : memref<5888xf32, #tpu.memory_space<vmem>>, vector<16xf32>,
      %mul3A_88 = arith.constant 8 : i32
      %mul3A_89 = arith.muli %scan3A_55, %mul3A_88 : i32
      %add3A_90 = arith.constant 4 : i32
      %add3A_91 = arith.addi %mul3A_89, %add3A_90 : i32
      %mul3A_92 = arith.constant 16 : i32
      %mul3A_93 = arith.muli %add3A_91, %mul3A_92 : i32
      %swap3A_94 = arith.index_cast %mul3A_93 : i32 to index
      %swap3A_95 = tpu.vector_load %arg8[%swap3A_94] {strides = array<i32>} : memref<5888xf32, #tpu.memory_space<vmem>>, vector<16xf32>,
      tpu.vector_store %arg8[%swap3A_94], %broadcast_in_dim3A_4 {strides = array<i32>} : memref<5888xf32, #tpu.memory_space<vmem>>, vector<16xf32>,
      %mul3A_96 = arith.constant 8 : i32
      %mul3A_97 = arith.muli %scan3A_55, %mul3A_96 : i32
      %add3A_98 = arith.constant 5 : i32
      %add3A_99 = arith.addi %mul3A_97, %add3A_98 : i32
      %mul3A_100 = arith.constant 16 : i32
      %mul3A_101 = arith.muli %add3A_99, %mul3A_100 : i32
      %swap3A_102 = arith.index_cast %mul3A_101 : i32 to index
      %swap3A_103 = tpu.vector_load %arg8[%swap3A_102] {strides = array<i32>} : memref<5888xf32, #tpu.memory_space<vmem>>, vector<16xf32>,
      tpu.vector_store %arg8[%swap3A_102], %broadcast_in_dim3A_4 {strides = array<i32>} : memref<5888xf32, #tpu.memory_space<vmem>>, vector<16xf32>,
      %mul3A_104 = arith.constant 8 : i32
      %mul3A_105 = arith.muli %scan3A_55, %mul3A_104 : i32
      %add3A_106 = arith.constant 6 : i32
      %add3A_107 = arith.addi %mul3A_105, %add3A_106 : i32
      %mul3A_108 = arith.constant 16 : i32
      %mul3A_109 = arith.muli %add3A_107, %mul3A_108 : i32
      %swap3A_110 = arith.index_cast %mul3A_109 : i32 to index
      %swap3A_111 = tpu.vector_load %arg8[%swap3A_110] {strides = array<i32>} : memref<5888xf32, #tpu.memory_space<vmem>>, vector<16xf32>,
      tpu.vector_store %arg8[%swap3A_110], %broadcast_in_dim3A_4 {strides = array<i32>} : memref<5888xf32, #tpu.memory_space<vmem>>, vector<16xf32>,
      %mul3A_112 = arith.constant 8 : i32
      %mul3A_113 = arith.muli %scan3A_55, %mul3A_112 : i32
      %add3A_114 = arith.constant 7 : i32
      %add3A_115 = arith.addi %mul3A_113, %add3A_114 : i32
      %mul3A_116 = arith.constant 16 : i32
      %mul3A_117 = arith.muli %add3A_115, %mul3A_116 : i32
      %swap3A_118 = arith.index_cast %mul3A_117 : i32 to index
      %swap3A_119 = tpu.vector_load %arg8[%swap3A_118] {strides = array<i32>} : memref<5888xf32, #tpu.memory_space<vmem>>, vector<16xf32>,
      tpu.vector_store %arg8[%swap3A_118], %broadcast_in_dim3A_4 {strides = array<i32>} : memref<5888xf32, #tpu.memory_space<vmem>>, vector<16xf32>,
      %scan3A_120 = arith.constant 0 : i32
      scf.yield %scan3A_120 : i32
    }
    %scan3A_10 = arith.constant 46 : i32
    %scan3A_11 = arith.constant 0 : i32
    %scan3A_12 = arith.constant 0 : i32
    %scan3A_13 = arith.constant 540 : i32
    %scan3A_14 = arith.addi %scan3A_12, %scan3A_13 : i32
    %scan3A_15 = arith.constant 1 : i32
    %scan3A_16 = scf.for %scan3A_55 = %scan3A_12 to %scan3A_14 step %scan3A_15 iter_args(%scan3A_56 = %scan3A_11) -> (i32)  : i32 {
      %mul3A_57 = arith.constant 8 : i32
      %mul3A_58 = arith.muli %scan3A_55, %mul3A_57 : i32
      %add3A_59 = arith.constant 0 : i32
      %add3A_60 = arith.addi %mul3A_58, %add3A_59 : i32
      %mul3A_61 = arith.constant 16 : i32
      %mul3A_62 = arith.muli %add3A_60, %mul3A_61 : i32
      %swap3A = arith.index_cast %mul3A_62 : i32 to index
      %swap3A_63 = tpu.vector_load %arg10[%swap3A] {strides = array<i32>} : memref<69120xf32, #tpu.memory_space<vmem>>, vector<16xf32>,
      tpu.vector_store %arg10[%swap3A], %broadcast_in_dim3A_4 {strides = array<i32>} : memref<69120xf32, #tpu.memory_space<vmem>>, vector<16xf32>,
      %mul3A_64 = arith.constant 8 : i32
      %mul3A_65 = arith.muli %scan3A_55, %mul3A_64 : i32
      %add3A_66 = arith.constant 1 : i32
      %add3A_67 = arith.addi %mul3A_65, %add3A_66 : i32
      %mul3A_68 = arith.constant 16 : i32
      %mul3A_69 = arith.muli %add3A_67, %mul3A_68 : i32
      %swap3A_70 = arith.index_cast %mul3A_69 : i32 to index
      %swap3A_71 = tpu.vector_load %arg10[%swap3A_70] {strides = array<i32>} : memref<69120xf32, #tpu.memory_space<vmem>>, vector<16xf32>,
      tpu.vector_store %arg10[%swap3A_70], %broadcast_in_dim3A_4 {strides = array<i32>} : memref<69120xf32, #tpu.memory_space<vmem>>, vector<16xf32>,
      %mul3A_72 = arith.constant 8 : i32
      %mul3A_73 = arith.muli %scan3A_55, %mul3A_72 : i32
      %add3A_74 = arith.constant 2 : i32
      %add3A_75 = arith.addi %mul3A_73, %add3A_74 : i32
      %mul3A_76 = arith.constant 16 : i32
      %mul3A_77 = arith.muli %add3A_75, %mul3A_76 : i32
      %swap3A_78 = arith.index_cast %mul3A_77 : i32 to index
      %swap3A_79 = tpu.vector_load %arg10[%swap3A_78] {strides = array<i32>} : memref<69120xf32, #tpu.memory_space<vmem>>, vector<16xf32>,
      tpu.vector_store %arg10[%swap3A_78], %broadcast_in_dim3A_4 {strides = array<i32>} : memref<69120xf32, #tpu.memory_space<vmem>>, vector<16xf32>,
      %mul3A_80 = arith.constant 8 : i32
      %mul3A_81 = arith.muli %scan3A_55, %mul3A_80 : i32
      %add3A_82 = arith.constant 3 : i32
      %add3A_83 = arith.addi %mul3A_81, %add3A_82 : i32
      %mul3A_84 = arith.constant 16 : i32
      %mul3A_85 = arith.muli %add3A_83, %mul3A_84 : i32
      %swap3A_86 = arith.index_cast %mul3A_85 : i32 to index
      %swap3A_87 = tpu.vector_load %arg10[%swap3A_86] {strides = array<i32>} : memref<69120xf32, #tpu.memory_space<vmem>>, vector<16xf32>,
      tpu.vector_store %arg10[%swap3A_86], %broadcast_in_dim3A_4 {strides = array<i32>} : memref<69120xf32, #tpu.memory_space<vmem>>, vector<16xf32>,
      %mul3A_88 = arith.constant 8 : i32
      %mul3A_89 = arith.muli %scan3A_55, %mul3A_88 : i32
      %add3A_90 = arith.constant 4 : i32
      %add3A_91 = arith.addi %mul3A_89, %add3A_90 : i32
      %mul3A_92 = arith.constant 16 : i32
      %mul3A_93 = arith.muli %add3A_91, %mul3A_92 : i32
      %swap3A_94 = arith.index_cast %mul3A_93 : i32 to index
      %swap3A_95 = tpu.vector_load %arg10[%swap3A_94] {strides = array<i32>} : memref<69120xf32, #tpu.memory_space<vmem>>, vector<16xf32>,
      tpu.vector_store %arg10[%swap3A_94], %broadcast_in_dim3A_4 {strides = array<i32>} : memref<69120xf32, #tpu.memory_space<vmem>>, vector<16xf32>,
      %mul3A_96 = arith.constant 8 : i32
      %mul3A_97 = arith.muli %scan3A_55, %mul3A_96 : i32
      %add3A_98 = arith.constant 5 : i32
      %add3A_99 = arith.addi %mul3A_97, %add3A_98 : i32
      %mul3A_100 = arith.constant 16 : i32
      %mul3A_101 = arith.muli %add3A_99, %mul3A_100 : i32
      %swap3A_102 = arith.index_cast %mul3A_101 : i32 to index
      %swap3A_103 = tpu.vector_load %arg10[%swap3A_102] {strides = array<i32>} : memref<69120xf32, #tpu.memory_space<vmem>>, vector<16xf32>,
      tpu.vector_store %arg10[%swap3A_102], %broadcast_in_dim3A_4 {strides = array<i32>} : memref<69120xf32, #tpu.memory_space<vmem>>, vector<16xf32>,
      %mul3A_104 = arith.constant 8 : i32
      %mul3A_105 = arith.muli %scan3A_55, %mul3A_104 : i32
      %add3A_106 = arith.constant 6 : i32
      %add3A_107 = arith.addi %mul3A_105, %add3A_106 : i32
      %mul3A_108 = arith.constant 16 : i32
      %mul3A_109 = arith.muli %add3A_107, %mul3A_108 : i32
      %swap3A_110 = arith.index_cast %mul3A_109 : i32 to index
      %swap3A_111 = tpu.vector_load %arg10[%swap3A_110] {strides = array<i32>} : memref<69120xf32, #tpu.memory_space<vmem>>, vector<16xf32>,
      tpu.vector_store %arg10[%swap3A_110], %broadcast_in_dim3A_4 {strides = array<i32>} : memref<69120xf32, #tpu.memory_space<vmem>>, vector<16xf32>,
      %mul3A_112 = arith.constant 8 : i32
      %mul3A_113 = arith.muli %scan3A_55, %mul3A_112 : i32
      %add3A_114 = arith.constant 7 : i32
      %add3A_115 = arith.addi %mul3A_113, %add3A_114 : i32
      %mul3A_116 = arith.constant 16 : i32
      %mul3A_117 = arith.muli %add3A_115, %mul3A_116 : i32
      %swap3A_118 = arith.index_cast %mul3A_117 : i32 to index
      %swap3A_119 = tpu.vector_load %arg10[%swap3A_118] {strides = array<i32>} : memref<69120xf32, #tpu.memory_space<vmem>>, vector<16xf32>,
      tpu.vector_store %arg10[%swap3A_118], %broadcast_in_dim3A_4 {strides = array<i32>} : memref<69120xf32, #tpu.memory_space<vmem>>, vector<16xf32>,
      %scan3A_120 = arith.constant 0 : i32
      scf.yield %scan3A_120 : i32
    }
    %scan3A_17 = arith.constant 540 : i32
    %mul3A_18 = arith.constant 368 : i32
    %mul3A_19 = vector.broadcast %mul3A_18 : i32 to vector<16xi32>
    %mul3A_20 = arith.muli %iota3A, %mul3A_19 : vector<16xi32>
    %scan3A_21 = arith.constant 0 : i32
    %scan3A_22 = arith.constant 0 : i32
    %scan3A_23 = arith.constant 180 : i32
    %scan3A_24 = arith.addi %scan3A_22, %scan3A_23 : i32
    %scan3A_25 = arith.constant 1 : i32
    %scan3A_26 = scf.for %scan3A_55 = %scan3A_22 to %scan3A_24 step %scan3A_25 iter_args(%scan3A_56 = %scan3A_21) -> (i32)  : i32 {
      %mul3A_57 = arith.constant 4 : i32
      %mul3A_58 = arith.muli %scan3A_55, %mul3A_57 : i32
      %add3A_59 = arith.constant 0 : i32
      %add3A_60 = arith.addi %mul3A_58, %add3A_59 : i32
      %mul3A_61 = arith.constant 16 : i32
      %mul3A_62 = arith.muli %add3A_60, %mul3A_61 : i32
      %get3A = arith.index_cast %mul3A_62 : i32 to index
      %get3A_63 = tpu.vector_load %arg5[%get3A] {strides = array<i32>} : memref<11520xi32, #tpu.memory_space<vmem>>, vector<16xi32>,
      %mul3A_64 = arith.constant 4 : i32
      %mul3A_65 = arith.muli %scan3A_55, %mul3A_64 : i32
      %add3A_66 = arith.constant 0 : i32
      %add3A_67 = arith.addi %mul3A_65, %add3A_66 : i32
      %mul3A_68 = arith.constant 16 : i32
      %mul3A_69 = arith.muli %add3A_67, %mul3A_68 : i32
      %get3A_70 = arith.index_cast %mul3A_69 : i32 to index
      %get3A_71 = tpu.vector_load %arg7[%get3A_70] {strides = array<i32>} : memref<11520xf32, #tpu.memory_space<vmem>>, vector<16xf32>,
      %add3A_72 = arith.addi %mul3A_20, %get3A_63 : vector<16xi32>
      tpu.vector_store_idx %arg8[%add3A_72], %get3A_71 {add = true} : memref<5888xf32, #tpu.memory_space<vmem>>[vector<16xi32>], vector<16xf32>,
      %mul3A_73 = arith.constant 4 : i32
      %mul3A_74 = arith.muli %scan3A_55, %mul3A_73 : i32
      %add3A_75 = arith.constant 1 : i32
      %add3A_76 = arith.addi %mul3A_74, %add3A_75 : i32
      %mul3A_77 = arith.constant 16 : i32
      %mul3A_78 = arith.muli %add3A_76, %mul3A_77 : i32
      %get3A_79 = arith.index_cast %mul3A_78 : i32 to index
      %get3A_80 = tpu.vector_load %arg5[%get3A_79] {strides = array<i32>} : memref<11520xi32, #tpu.memory_space<vmem>>, vector<16xi32>,
      %mul3A_81 = arith.constant 4 : i32
      %mul3A_82 = arith.muli %scan3A_55, %mul3A_81 : i32
      %add3A_83 = arith.constant 1 : i32
      %add3A_84 = arith.addi %mul3A_82, %add3A_83 : i32
      %mul3A_85 = arith.constant 16 : i32
      %mul3A_86 = arith.muli %add3A_84, %mul3A_85 : i32
      %get3A_87 = arith.index_cast %mul3A_86 : i32 to index
      %get3A_88 = tpu.vector_load %arg7[%get3A_87] {strides = array<i32>} : memref<11520xf32, #tpu.memory_space<vmem>>, vector<16xf32>,
      %add3A_89 = arith.addi %mul3A_20, %get3A_80 : vector<16xi32>
      tpu.vector_store_idx %arg8[%add3A_89], %get3A_88 {add = true} : memref<5888xf32, #tpu.memory_space<vmem>>[vector<16xi32>], vector<16xf32>,
      %mul3A_90 = arith.constant 4 : i32
      %mul3A_91 = arith.muli %scan3A_55, %mul3A_90 : i32
      %add3A_92 = arith.constant 2 : i32
      %add3A_93 = arith.addi %mul3A_91, %add3A_92 : i32
      %mul3A_94 = arith.constant 16 : i32
      %mul3A_95 = arith.muli %add3A_93, %mul3A_94 : i32
      %get3A_96 = arith.index_cast %mul3A_95 : i32 to index
      %get3A_97 = tpu.vector_load %arg5[%get3A_96] {strides = array<i32>} : memref<11520xi32, #tpu.memory_space<vmem>>, vector<16xi32>,
      %mul3A_98 = arith.constant 4 : i32
      %mul3A_99 = arith.muli %scan3A_55, %mul3A_98 : i32
      %add3A_100 = arith.constant 2 : i32
      %add3A_101 = arith.addi %mul3A_99, %add3A_100 : i32
      %mul3A_102 = arith.constant 16 : i32
      %mul3A_103 = arith.muli %add3A_101, %mul3A_102 : i32
      %get3A_104 = arith.index_cast %mul3A_103 : i32 to index
      %get3A_105 = tpu.vector_load %arg7[%get3A_104] {strides = array<i32>} : memref<11520xf32, #tpu.memory_space<vmem>>, vector<16xf32>,
      %add3A_106 = arith.addi %mul3A_20, %get3A_97 : vector<16xi32>
      tpu.vector_store_idx %arg8[%add3A_106], %get3A_105 {add = true} : memref<5888xf32, #tpu.memory_space<vmem>>[vector<16xi32>], vector<16xf32>,
      %mul3A_107 = arith.constant 4 : i32
      %mul3A_108 = arith.muli %scan3A_55, %mul3A_107 : i32
      %add3A_109 = arith.constant 3 : i32
      %add3A_110 = arith.addi %mul3A_108, %add3A_109 : i32
      %mul3A_111 = arith.constant 16 : i32
      %mul3A_112 = arith.muli %add3A_110, %mul3A_111 : i32
      %get3A_113 = arith.index_cast %mul3A_112 : i32 to index
      %get3A_114 = tpu.vector_load %arg5[%get3A_113] {strides = array<i32>} : memref<11520xi32, #tpu.memory_space<vmem>>, vector<16xi32>,
      %mul3A_115 = arith.constant 4 : i32
      %mul3A_116 = arith.muli %scan3A_55, %mul3A_115 : i32
      %add3A_117 = arith.constant 3 : i32
      %add3A_118 = arith.addi %mul3A_116, %add3A_117 : i32
      %mul3A_119 = arith.constant 16 : i32
      %mul3A_120 = arith.muli %add3A_118, %mul3A_119 : i32
      %get3A_121 = arith.index_cast %mul3A_120 : i32 to index
      %get3A_122 = tpu.vector_load %arg7[%get3A_121] {strides = array<i32>} : memref<11520xf32, #tpu.memory_space<vmem>>, vector<16xf32>,
      %add3A_123 = arith.addi %mul3A_20, %get3A_114 : vector<16xi32>
      tpu.vector_store_idx %arg8[%add3A_123], %get3A_122 {add = true} : memref<5888xf32, #tpu.memory_space<vmem>>[vector<16xi32>], vector<16xf32>,
      %scan3A_124 = arith.constant 0 : i32
      scf.yield %scan3A_124 : i32
    }
    %scan3A_27 = arith.constant 180 : i32
    %scan3A_28 = arith.constant 0 : i32
    %scan3A_29 = arith.constant 0 : i32
    %scan3A_30 = arith.constant 23 : i32
    %scan3A_31 = arith.addi %scan3A_29, %scan3A_30 : i32
    %scan3A_32 = arith.constant 1 : i32
    %scan3A_33 = scf.for %scan3A_55 = %scan3A_29 to %scan3A_31 step %scan3A_32 iter_args(%scan3A_56 = %scan3A_28) -> (i32)  : i32 {
      %mul3A_57 = arith.constant 16 : i32
      %mul3A_58 = arith.muli %scan3A_55, %mul3A_57 : i32
      %get3A = arith.index_cast %mul3A_58 : i32 to index
      %get3A_59 = tpu.vector_load %arg8[%get3A] {strides = array<i32>} : memref<5888xf32, #tpu.memory_space<vmem>>, vector<16xf32>,
      %mul3A_60 = arith.constant 16 : i32
      %mul3A_61 = arith.muli %scan3A_55, %mul3A_60 : i32
      %add3A_62 = arith.constant 368 : i32
      %add3A_63 = arith.addi %add3A_62, %mul3A_61 : i32
      %get3A_64 = arith.index_cast %add3A_63 : i32 to index
      %get3A_65 = tpu.vector_load %arg8[%get3A_64] {strides = array<i32>} : memref<5888xf32, #tpu.memory_space<vmem>>, vector<16xf32>,
      %add3A_66 = arith.addf %get3A_59, %get3A_65 : vector<16xf32>
      %mul3A_67 = arith.constant 16 : i32
      %mul3A_68 = arith.muli %scan3A_55, %mul3A_67 : i32
      %add3A_69 = arith.constant 736 : i32
      %add3A_70 = arith.addi %add3A_69, %mul3A_68 : i32
      %get3A_71 = arith.index_cast %add3A_70 : i32 to index
      %get3A_72 = tpu.vector_load %arg8[%get3A_71] {strides = array<i32>} : memref<5888xf32, #tpu.memory_space<vmem>>, vector<16xf32>,
      %add3A_73 = arith.addf %add3A_66, %get3A_72 : vector<16xf32>
      %mul3A_74 = arith.constant 16 : i32
      %mul3A_75 = arith.muli %scan3A_55, %mul3A_74 : i32
      %add3A_76 = arith.constant 1104 : i32
      %add3A_77 = arith.addi %add3A_76, %mul3A_75 : i32
      %get3A_78 = arith.index_cast %add3A_77 : i32 to index
      %get3A_79 = tpu.vector_load %arg8[%get3A_78] {strides = array<i32>} : memref<5888xf32, #tpu.memory_space<vmem>>, vector<16xf32>,
      %add3A_80 = arith.addf %add3A_73, %get3A_79 : vector<16xf32>
      %mul3A_81 = arith.constant 16 : i32
      %mul3A_82 = arith.muli %scan3A_55, %mul3A_81 : i32
      %add3A_83 = arith.constant 1472 : i32
      %add3A_84 = arith.addi %add3A_83, %mul3A_82 : i32
      %get3A_85 = arith.index_cast %add3A_84 : i32 to index
      %get3A_86 = tpu.vector_load %arg8[%get3A_85] {strides = array<i32>} : memref<5888xf32, #tpu.memory_space<vmem>>, vector<16xf32>,
      %add3A_87 = arith.addf %add3A_80, %get3A_86 : vector<16xf32>
      %mul3A_88 = arith.constant 16 : i32
      %mul3A_89 = arith.muli %scan3A_55, %mul3A_88 : i32
      %add3A_90 = arith.constant 1840 : i32
      %add3A_91 = arith.addi %add3A_90, %mul3A_89 : i32
      %get3A_92 = arith.index_cast %add3A_91 : i32 to index
      %get3A_93 = tpu.vector_load %arg8[%get3A_92] {strides = array<i32>} : memref<5888xf32, #tpu.memory_space<vmem>>, vector<16xf32>,
      %add3A_94 = arith.addf %add3A_87, %get3A_93 : vector<16xf32>
      %mul3A_95 = arith.constant 16 : i32
      %mul3A_96 = arith.muli %scan3A_55, %mul3A_95 : i32
      %add3A_97 = arith.constant 2208 : i32
      %add3A_98 = arith.addi %add3A_97, %mul3A_96 : i32
      %get3A_99 = arith.index_cast %add3A_98 : i32 to index
      %get3A_100 = tpu.vector_load %arg8[%get3A_99] {strides = array<i32>} : memref<5888xf32, #tpu.memory_space<vmem>>, vector<16xf32>,
      %add3A_101 = arith.addf %add3A_94, %get3A_100 : vector<16xf32>
      %mul3A_102 = arith.constant 16 : i32
      %mul3A_103 = arith.muli %scan3A_55, %mul3A_102 : i32
      %add3A_104 = arith.constant 2576 : i32
      %add3A_105 = arith.addi %add3A_104, %mul3A_103 : i32
      %get3A_106 = arith.index_cast %add3A_105 : i32 to index
      %get3A_107 = tpu.vector_load %arg8[%get3A_106] {strides = array<i32>} : memref<5888xf32, #tpu.memory_space<vmem>>, vector<16xf32>,
      %add3A_108 = arith.addf %add3A_101, %get3A_107 : vector<16xf32>
      %mul3A_109 = arith.constant 16 : i32
      %mul3A_110 = arith.muli %scan3A_55, %mul3A_109 : i32
      %add3A_111 = arith.constant 2944 : i32
      %add3A_112 = arith.addi %add3A_111, %mul3A_110 : i32
      %get3A_113 = arith.index_cast %add3A_112 : i32 to index
      %get3A_114 = tpu.vector_load %arg8[%get3A_113] {strides = array<i32>} : memref<5888xf32, #tpu.memory_space<vmem>>, vector<16xf32>,
      %add3A_115 = arith.addf %add3A_108, %get3A_114 : vector<16xf32>
      %mul3A_116 = arith.constant 16 : i32
      %mul3A_117 = arith.muli %scan3A_55, %mul3A_116 : i32
      %add3A_118 = arith.constant 3312 : i32
      %add3A_119 = arith.addi %add3A_118, %mul3A_117 : i32
      %get3A_120 = arith.index_cast %add3A_119 : i32 to index
      %get3A_121 = tpu.vector_load %arg8[%get3A_120] {strides = array<i32>} : memref<5888xf32, #tpu.memory_space<vmem>>, vector<16xf32>,
      %add3A_122 = arith.addf %add3A_115, %get3A_121 : vector<16xf32>
      %mul3A_123 = arith.constant 16 : i32
      %mul3A_124 = arith.muli %scan3A_55, %mul3A_123 : i32
      %add3A_125 = arith.constant 3680 : i32
      %add3A_126 = arith.addi %add3A_125, %mul3A_124 : i32
      %get3A_127 = arith.index_cast %add3A_126 : i32 to index
      %get3A_128 = tpu.vector_load %arg8[%get3A_127] {strides = array<i32>} : memref<5888xf32, #tpu.memory_space<vmem>>, vector<16xf32>,
      %add3A_129 = arith.addf %add3A_122, %get3A_128 : vector<16xf32>
      %mul3A_130 = arith.constant 16 : i32
      %mul3A_131 = arith.muli %scan3A_55, %mul3A_130 : i32
      %add3A_132 = arith.constant 4048 : i32
      %add3A_133 = arith.addi %add3A_132, %mul3A_131 : i32
      %get3A_134 = arith.index_cast %add3A_133 : i32 to index
      %get3A_135 = tpu.vector_load %arg8[%get3A_134] {strides = array<i32>} : memref<5888xf32, #tpu.memory_space<vmem>>, vector<16xf32>,
      %add3A_136 = arith.addf %add3A_129, %get3A_135 : vector<16xf32>
      %mul3A_137 = arith.constant 16 : i32
      %mul3A_138 = arith.muli %scan3A_55, %mul3A_137 : i32
      %add3A_139 = arith.constant 4416 : i32
      %add3A_140 = arith.addi %add3A_139, %mul3A_138 : i32
      %get3A_141 = arith.index_cast %add3A_140 : i32 to index
      %get3A_142 = tpu.vector_load %arg8[%get3A_141] {strides = array<i32>} : memref<5888xf32, #tpu.memory_space<vmem>>, vector<16xf32>,
      %add3A_143 = arith.addf %add3A_136, %get3A_142 : vector<16xf32>
      %mul3A_144 = arith.constant 16 : i32
      %mul3A_145 = arith.muli %scan3A_55, %mul3A_144 : i32
      %add3A_146 = arith.constant 4784 : i32
      %add3A_147 = arith.addi %add3A_146, %mul3A_145 : i32
      %get3A_148 = arith.index_cast %add3A_147 : i32 to index
      %get3A_149 = tpu.vector_load %arg8[%get3A_148] {strides = array<i32>} : memref<5888xf32, #tpu.memory_space<vmem>>, vector<16xf32>,
      %add3A_150 = arith.addf %add3A_143, %get3A_149 : vector<16xf32>
      %mul3A_151 = arith.constant 16 : i32
      %mul3A_152 = arith.muli %scan3A_55, %mul3A_151 : i32
      %add3A_153 = arith.constant 5152 : i32
      %add3A_154 = arith.addi %add3A_153, %mul3A_152 : i32
      %get3A_155 = arith.index_cast %add3A_154 : i32 to index
      %get3A_156 = tpu.vector_load %arg8[%get3A_155] {strides = array<i32>} : memref<5888xf32, #tpu.memory_space<vmem>>, vector<16xf32>,
      %add3A_157 = arith.addf %add3A_150, %get3A_156 : vector<16xf32>
      %mul3A_158 = arith.constant 16 : i32
      %mul3A_159 = arith.muli %scan3A_55, %mul3A_158 : i32
      %add3A_160 = arith.constant 5520 : i32
      %add3A_161 = arith.addi %add3A_160, %mul3A_159 : i32
      %get3A_162 = arith.index_cast %add3A_161 : i32 to index
      %get3A_163 = tpu.vector_load %arg8[%get3A_162] {strides = array<i32>} : memref<5888xf32, #tpu.memory_space<vmem>>, vector<16xf32>,
      %add3A_164 = arith.addf %add3A_157, %get3A_163 : vector<16xf32>
      %bitcast3A = vector.bitcast %add3A_164 : vector<16xf32> to vector<16xi32>
      %shift_right_arithmetic3A = arith.constant 1 : i32
      %shift_right_arithmetic3A_165 = vector.broadcast %shift_right_arithmetic3A : i32 to vector<16xi32>
      %shift_right_arithmetic3A_166 = arith.shrsi %bitcast3A, %shift_right_arithmetic3A_165 : vector<16xi32>
      %sub3A = arith.constant 1597463007 : i32
      %sub3A_167 = vector.broadcast %sub3A : i32 to vector<16xi32>
      %sub3A_168 = arith.subi %sub3A_167, %shift_right_arithmetic3A_166 : vector<16xi32>
      %bitcast3A_169 = vector.bitcast %sub3A_168 : vector<16xi32> to vector<16xf32>
      %mul3A_170 = arith.constant 5.000000e-01 : f32
      %mul3A_171 = vector.broadcast %mul3A_170 : f32 to vector<16xf32>
      %mul3A_172 = arith.mulf %mul3A_171, %add3A_164 : vector<16xf32>
      %mul3A_173 = arith.mulf %mul3A_172, %bitcast3A_169 : vector<16xf32>
      %mul3A_174 = arith.mulf %mul3A_173, %bitcast3A_169 : vector<16xf32>
      %sub3A_175 = arith.constant 1.500000e+00 : f32
      %sub3A_176 = vector.broadcast %sub3A_175 : f32 to vector<16xf32>
      %sub3A_177 = arith.subf %sub3A_176, %mul3A_174 : vector<16xf32>
      %mul3A_178 = arith.mulf %bitcast3A_169, %sub3A_177 : vector<16xf32>
      %mul3A_179 = arith.constant 5.000000e-01 : f32
      %mul3A_180 = vector.broadcast %mul3A_179 : f32 to vector<16xf32>
      %mul3A_181 = arith.mulf %mul3A_180, %add3A_164 : vector<16xf32>
      %mul3A_182 = arith.mulf %mul3A_181, %mul3A_178 : vector<16xf32>
      %mul3A_183 = arith.mulf %mul3A_182, %mul3A_178 : vector<16xf32>
      %sub3A_184 = arith.constant 1.500000e+00 : f32
      %sub3A_185 = vector.broadcast %sub3A_184 : f32 to vector<16xf32>
      %sub3A_186 = arith.subf %sub3A_185, %mul3A_183 : vector<16xf32>
      %mul3A_187 = arith.mulf %mul3A_178, %sub3A_186 : vector<16xf32>
      %mul3A_188 = arith.constant 5.000000e-01 : f32
      %mul3A_189 = vector.broadcast %mul3A_188 : f32 to vector<16xf32>
      %mul3A_190 = arith.mulf %mul3A_189, %add3A_164 : vector<16xf32>
      %mul3A_191 = arith.mulf %mul3A_190, %mul3A_187 : vector<16xf32>
      %mul3A_192 = arith.mulf %mul3A_191, %mul3A_187 : vector<16xf32>
      %sub3A_193 = arith.constant 1.500000e+00 : f32
      %sub3A_194 = vector.broadcast %sub3A_193 : f32 to vector<16xf32>
      %sub3A_195 = arith.subf %sub3A_194, %mul3A_192 : vector<16xf32>
      %mul3A_196 = arith.mulf %mul3A_187, %sub3A_195 : vector<16xf32>
      %mul3A_197 = arith.constant 5.000000e-01 : f32
      %mul3A_198 = vector.broadcast %mul3A_197 : f32 to vector<16xf32>
      %mul3A_199 = arith.mulf %mul3A_198, %add3A_164 : vector<16xf32>
      %mul3A_200 = arith.mulf %mul3A_199, %mul3A_196 : vector<16xf32>
      %mul3A_201 = arith.mulf %mul3A_200, %mul3A_196 : vector<16xf32>
      %sub3A_202 = arith.constant 1.500000e+00 : f32
      %sub3A_203 = vector.broadcast %sub3A_202 : f32 to vector<16xf32>
      %sub3A_204 = arith.subf %sub3A_203, %mul3A_201 : vector<16xf32>
      %mul3A_205 = arith.mulf %mul3A_196, %sub3A_204 : vector<16xf32>
      %gt3A = arith.constant 0.000000e+00 : f32
      %gt3A_206 = vector.broadcast %gt3A : f32 to vector<16xf32>
      %gt3A_207 = arith.cmpf ogt, %add3A_164, %gt3A_206 : vector<16xf32>
      %jit3A = arith.constant 0.000000e+00 : f32
      %broadcast_in_dim3A_208 = vector.broadcast %jit3A : f32 to vector<16xf32>
      %select_n3A = arith.select %gt3A_207, %mul3A_205, %broadcast_in_dim3A_208 : vector<16xi1>, vector<16xf32>
      %mul3A_209 = arith.constant 16 : i32
      %mul3A_210 = arith.muli %scan3A_55, %mul3A_209 : i32
      %swap3A = arith.index_cast %mul3A_210 : i32 to index
      %swap3A_211 = tpu.vector_load %arg9[%swap3A] {strides = array<i32>} : memref<368xf32, #tpu.memory_space<vmem>>, vector<16xf32>,
      tpu.vector_store %arg9[%swap3A], %select_n3A {strides = array<i32>} : memref<368xf32, #tpu.memory_space<vmem>>, vector<16xf32>,
      %scan3A_212 = arith.constant 0 : i32
      scf.yield %scan3A_212 : i32
    }
    %scan3A_34 = arith.constant 23 : i32
    %mul3A_35 = arith.constant 4320 : i32
    %mul3A_36 = vector.broadcast %mul3A_35 : i32 to vector<16xi32>
    %mul3A_37 = arith.muli %iota3A, %mul3A_36 : vector<16xi32>
    %broadcast_in_dim3A_38 = vector.broadcast %mul3A_2 : i32 to vector<16xi32>
    %scan3A_39 = arith.constant 0 : i32
    %scan3A_40 = arith.constant 0 : i32
    %scan3A_41 = arith.constant 180 : i32
    %scan3A_42 = arith.addi %scan3A_40, %scan3A_41 : i32
    %scan3A_43 = arith.constant 1 : i32
    %scan3A_44 = scf.for %scan3A_55 = %scan3A_40 to %scan3A_42 step %scan3A_43 iter_args(%scan3A_56 = %scan3A_39) -> (i32)  : i32 {
      %mul3A_57 = arith.constant 4 : i32
      %mul3A_58 = arith.muli %scan3A_55, %mul3A_57 : i32
      %add3A_59 = arith.constant 0 : i32
      %add3A_60 = arith.addi %mul3A_58, %add3A_59 : i32
      %mul3A_61 = arith.constant 16 : i32
      %mul3A_62 = arith.muli %add3A_60, %mul3A_61 : i32
      %get3A = arith.index_cast %mul3A_62 : i32 to index
      %get3A_63 = tpu.vector_load %arg5[%get3A] {strides = array<i32>} : memref<11520xi32, #tpu.memory_space<vmem>>, vector<16xi32>,
      %mul3A_64 = arith.constant 4 : i32
      %mul3A_65 = arith.muli %scan3A_55, %mul3A_64 : i32
      %add3A_66 = arith.constant 0 : i32
      %add3A_67 = arith.addi %mul3A_65, %add3A_66 : i32
      %mul3A_68 = arith.constant 16 : i32
      %mul3A_69 = arith.muli %add3A_67, %mul3A_68 : i32
      %get3A_70 = arith.index_cast %mul3A_69 : i32 to index
      %get3A_71 = tpu.vector_load %arg6[%get3A_70] {strides = array<i32>} : memref<11520xi32, #tpu.memory_space<vmem>>, vector<16xi32>,
      %mul3A_72 = arith.constant 4 : i32
      %mul3A_73 = arith.muli %scan3A_55, %mul3A_72 : i32
      %add3A_74 = arith.constant 0 : i32
      %add3A_75 = arith.addi %mul3A_73, %add3A_74 : i32
      %mul3A_76 = arith.constant 16 : i32
      %mul3A_77 = arith.muli %add3A_75, %mul3A_76 : i32
      %get3A_78 = arith.index_cast %mul3A_77 : i32 to index
      %get3A_79 = tpu.vector_load %arg7[%get3A_78] {strides = array<i32>} : memref<11520xf32, #tpu.memory_space<vmem>>, vector<16xf32>,
      %sub3A = arith.subi %get3A_71, %broadcast_in_dim3A_38 : vector<16xi32>
      %ge3A = arith.constant 0 : i32
      %ge3A_80 = vector.broadcast %ge3A : i32 to vector<16xi32>
      %ge3A_81 = arith.cmpi sge, %sub3A, %ge3A_80 : vector<16xi32>
      %lt3A_82 = arith.constant 12 : i32
      %lt3A_83 = vector.broadcast %lt3A_82 : i32 to vector<16xi32>
      %lt3A_84 = arith.cmpi slt, %sub3A, %lt3A_83 : vector<16xi32>
      %and3A = arith.andi %ge3A_81, %lt3A_84 : vector<16xi1>
      %gather3A = tpu.vector_load_idx %arg9[%get3A_63] : memref<368xf32, #tpu.memory_space<vmem>>[vector<16xi32>], vector<16xf32>,
      %gather3A_85 = tpu.vector_load_idx %arg9[%get3A_71] : memref<368xf32, #tpu.memory_space<vmem>>[vector<16xi32>], vector<16xf32>,
      %mul3A_86 = arith.mulf %gather3A, %get3A_79 : vector<16xf32>
      %mul3A_87 = arith.mulf %mul3A_86, %gather3A_85 : vector<16xf32>
      %neg3A = arith.constant 0.000000e+00 : f32
      %neg3A_88 = vector.broadcast %neg3A : f32 to vector<16xf32>
      %neg3A_89 = arith.subf %neg3A_88, %mul3A_87 : vector<16xf32>
      %mul3A_90 = arith.constant 360 : i32
      %mul3A_91 = vector.broadcast %mul3A_90 : i32 to vector<16xi32>
      %mul3A_92 = arith.muli %sub3A, %mul3A_91 : vector<16xi32>
      %add3A_93 = arith.addi %mul3A_37, %mul3A_92 : vector<16xi32>
      %add3A_94 = arith.addi %add3A_93, %get3A_63 : vector<16xi32>
      %jit3A = arith.constant 0 : i32
      %broadcast_in_dim3A_95 = vector.broadcast %jit3A : i32 to vector<16xi32>
      %select_n3A = arith.select %and3A, %add3A_94, %broadcast_in_dim3A_95 : vector<16xi1>, vector<16xi32>
      tpu.vector_store_idx %arg10[%select_n3A], %neg3A_89 masked %and3A {add = true} : memref<69120xf32, #tpu.memory_space<vmem>>[vector<16xi32>], vector<16xf32>, vector<16xi1>
      %mul3A_96 = arith.constant 4 : i32
      %mul3A_97 = arith.muli %scan3A_55, %mul3A_96 : i32
      %add3A_98 = arith.constant 1 : i32
      %add3A_99 = arith.addi %mul3A_97, %add3A_98 : i32
      %mul3A_100 = arith.constant 16 : i32
      %mul3A_101 = arith.muli %add3A_99, %mul3A_100 : i32
      %get3A_102 = arith.index_cast %mul3A_101 : i32 to index
      %get3A_103 = tpu.vector_load %arg5[%get3A_102] {strides = array<i32>} : memref<11520xi32, #tpu.memory_space<vmem>>, vector<16xi32>,
      %mul3A_104 = arith.constant 4 : i32
      %mul3A_105 = arith.muli %scan3A_55, %mul3A_104 : i32
      %add3A_106 = arith.constant 1 : i32
      %add3A_107 = arith.addi %mul3A_105, %add3A_106 : i32
      %mul3A_108 = arith.constant 16 : i32
      %mul3A_109 = arith.muli %add3A_107, %mul3A_108 : i32
      %get3A_110 = arith.index_cast %mul3A_109 : i32 to index
      %get3A_111 = tpu.vector_load %arg6[%get3A_110] {strides = array<i32>} : memref<11520xi32, #tpu.memory_space<vmem>>, vector<16xi32>,
      %mul3A_112 = arith.constant 4 : i32
      %mul3A_113 = arith.muli %scan3A_55, %mul3A_112 : i32
      %add3A_114 = arith.constant 1 : i32
      %add3A_115 = arith.addi %mul3A_113, %add3A_114 : i32
      %mul3A_116 = arith.constant 16 : i32
      %mul3A_117 = arith.muli %add3A_115, %mul3A_116 : i32
      %get3A_118 = arith.index_cast %mul3A_117 : i32 to index
      %get3A_119 = tpu.vector_load %arg7[%get3A_118] {strides = array<i32>} : memref<11520xf32, #tpu.memory_space<vmem>>, vector<16xf32>,
      %sub3A_120 = arith.subi %get3A_111, %broadcast_in_dim3A_38 : vector<16xi32>
      %ge3A_121 = arith.constant 0 : i32
      %ge3A_122 = vector.broadcast %ge3A_121 : i32 to vector<16xi32>
      %ge3A_123 = arith.cmpi sge, %sub3A_120, %ge3A_122 : vector<16xi32>
      %lt3A_124 = arith.constant 12 : i32
      %lt3A_125 = vector.broadcast %lt3A_124 : i32 to vector<16xi32>
      %lt3A_126 = arith.cmpi slt, %sub3A_120, %lt3A_125 : vector<16xi32>
      %and3A_127 = arith.andi %ge3A_123, %lt3A_126 : vector<16xi1>
      %gather3A_128 = tpu.vector_load_idx %arg9[%get3A_103] : memref<368xf32, #tpu.memory_space<vmem>>[vector<16xi32>], vector<16xf32>,
      %gather3A_129 = tpu.vector_load_idx %arg9[%get3A_111] : memref<368xf32, #tpu.memory_space<vmem>>[vector<16xi32>], vector<16xf32>,
      %mul3A_130 = arith.mulf %gather3A_128, %get3A_119 : vector<16xf32>
      %mul3A_131 = arith.mulf %mul3A_130, %gather3A_129 : vector<16xf32>
      %neg3A_132 = arith.constant 0.000000e+00 : f32
      %neg3A_133 = vector.broadcast %neg3A_132 : f32 to vector<16xf32>
      %neg3A_134 = arith.subf %neg3A_133, %mul3A_131 : vector<16xf32>
      %mul3A_135 = arith.constant 360 : i32
      %mul3A_136 = vector.broadcast %mul3A_135 : i32 to vector<16xi32>
      %mul3A_137 = arith.muli %sub3A_120, %mul3A_136 : vector<16xi32>
      %add3A_138 = arith.addi %mul3A_37, %mul3A_137 : vector<16xi32>
      %add3A_139 = arith.addi %add3A_138, %get3A_103 : vector<16xi32>
      %jit3A_140 = arith.constant 0 : i32
      %broadcast_in_dim3A_141 = vector.broadcast %jit3A_140 : i32 to vector<16xi32>
      %select_n3A_142 = arith.select %and3A_127, %add3A_139, %broadcast_in_dim3A_141 : vector<16xi1>, vector<16xi32>
      tpu.vector_store_idx %arg10[%select_n3A_142], %neg3A_134 masked %and3A_127 {add = true} : memref<69120xf32, #tpu.memory_space<vmem>>[vector<16xi32>], vector<16xf32>, vector<16xi1>
      %mul3A_143 = arith.constant 4 : i32
      %mul3A_144 = arith.muli %scan3A_55, %mul3A_143 : i32
      %add3A_145 = arith.constant 2 : i32
      %add3A_146 = arith.addi %mul3A_144, %add3A_145 : i32
      %mul3A_147 = arith.constant 16 : i32
      %mul3A_148 = arith.muli %add3A_146, %mul3A_147 : i32
      %get3A_149 = arith.index_cast %mul3A_148 : i32 to index
      %get3A_150 = tpu.vector_load %arg5[%get3A_149] {strides = array<i32>} : memref<11520xi32, #tpu.memory_space<vmem>>, vector<16xi32>,
      %mul3A_151 = arith.constant 4 : i32
      %mul3A_152 = arith.muli %scan3A_55, %mul3A_151 : i32
      %add3A_153 = arith.constant 2 : i32
      %add3A_154 = arith.addi %mul3A_152, %add3A_153 : i32
      %mul3A_155 = arith.constant 16 : i32
      %mul3A_156 = arith.muli %add3A_154, %mul3A_155 : i32
      %get3A_157 = arith.index_cast %mul3A_156 : i32 to index
      %get3A_158 = tpu.vector_load %arg6[%get3A_157] {strides = array<i32>} : memref<11520xi32, #tpu.memory_space<vmem>>, vector<16xi32>,
      %mul3A_159 = arith.constant 4 : i32
      %mul3A_160 = arith.muli %scan3A_55, %mul3A_159 : i32
      %add3A_161 = arith.constant 2 : i32
      %add3A_162 = arith.addi %mul3A_160, %add3A_161 : i32
      %mul3A_163 = arith.constant 16 : i32
      %mul3A_164 = arith.muli %add3A_162, %mul3A_163 : i32
      %get3A_165 = arith.index_cast %mul3A_164 : i32 to index
      %get3A_166 = tpu.vector_load %arg7[%get3A_165] {strides = array<i32>} : memref<11520xf32, #tpu.memory_space<vmem>>, vector<16xf32>,
      %sub3A_167 = arith.subi %get3A_158, %broadcast_in_dim3A_38 : vector<16xi32>
      %ge3A_168 = arith.constant 0 : i32
      %ge3A_169 = vector.broadcast %ge3A_168 : i32 to vector<16xi32>
      %ge3A_170 = arith.cmpi sge, %sub3A_167, %ge3A_169 : vector<16xi32>
      %lt3A_171 = arith.constant 12 : i32
      %lt3A_172 = vector.broadcast %lt3A_171 : i32 to vector<16xi32>
      %lt3A_173 = arith.cmpi slt, %sub3A_167, %lt3A_172 : vector<16xi32>
      %and3A_174 = arith.andi %ge3A_170, %lt3A_173 : vector<16xi1>
      %gather3A_175 = tpu.vector_load_idx %arg9[%get3A_150] : memref<368xf32, #tpu.memory_space<vmem>>[vector<16xi32>], vector<16xf32>,
      %gather3A_176 = tpu.vector_load_idx %arg9[%get3A_158] : memref<368xf32, #tpu.memory_space<vmem>>[vector<16xi32>], vector<16xf32>,
      %mul3A_177 = arith.mulf %gather3A_175, %get3A_166 : vector<16xf32>
      %mul3A_178 = arith.mulf %mul3A_177, %gather3A_176 : vector<16xf32>
      %neg3A_179 = arith.constant 0.000000e+00 : f32
      %neg3A_180 = vector.broadcast %neg3A_179 : f32 to vector<16xf32>
      %neg3A_181 = arith.subf %neg3A_180, %mul3A_178 : vector<16xf32>
      %mul3A_182 = arith.constant 360 : i32
      %mul3A_183 = vector.broadcast %mul3A_182 : i32 to vector<16xi32>
      %mul3A_184 = arith.muli %sub3A_167, %mul3A_183 : vector<16xi32>
      %add3A_185 = arith.addi %mul3A_37, %mul3A_184 : vector<16xi32>
      %add3A_186 = arith.addi %add3A_185, %get3A_150 : vector<16xi32>
      %jit3A_187 = arith.constant 0 : i32
      %broadcast_in_dim3A_188 = vector.broadcast %jit3A_187 : i32 to vector<16xi32>
      %select_n3A_189 = arith.select %and3A_174, %add3A_186, %broadcast_in_dim3A_188 : vector<16xi1>, vector<16xi32>
      tpu.vector_store_idx %arg10[%select_n3A_189], %neg3A_181 masked %and3A_174 {add = true} : memref<69120xf32, #tpu.memory_space<vmem>>[vector<16xi32>], vector<16xf32>, vector<16xi1>
      %mul3A_190 = arith.constant 4 : i32
      %mul3A_191 = arith.muli %scan3A_55, %mul3A_190 : i32
      %add3A_192 = arith.constant 3 : i32
      %add3A_193 = arith.addi %mul3A_191, %add3A_192 : i32
      %mul3A_194 = arith.constant 16 : i32
      %mul3A_195 = arith.muli %add3A_193, %mul3A_194 : i32
      %get3A_196 = arith.index_cast %mul3A_195 : i32 to index
      %get3A_197 = tpu.vector_load %arg5[%get3A_196] {strides = array<i32>} : memref<11520xi32, #tpu.memory_space<vmem>>, vector<16xi32>,
      %mul3A_198 = arith.constant 4 : i32
      %mul3A_199 = arith.muli %scan3A_55, %mul3A_198 : i32
      %add3A_200 = arith.constant 3 : i32
      %add3A_201 = arith.addi %mul3A_199, %add3A_200 : i32
      %mul3A_202 = arith.constant 16 : i32
      %mul3A_203 = arith.muli %add3A_201, %mul3A_202 : i32
      %get3A_204 = arith.index_cast %mul3A_203 : i32 to index
      %get3A_205 = tpu.vector_load %arg6[%get3A_204] {strides = array<i32>} : memref<11520xi32, #tpu.memory_space<vmem>>, vector<16xi32>,
      %mul3A_206 = arith.constant 4 : i32
      %mul3A_207 = arith.muli %scan3A_55, %mul3A_206 : i32
      %add3A_208 = arith.constant 3 : i32
      %add3A_209 = arith.addi %mul3A_207, %add3A_208 : i32
      %mul3A_210 = arith.constant 16 : i32
      %mul3A_211 = arith.muli %add3A_209, %mul3A_210 : i32
      %get3A_212 = arith.index_cast %mul3A_211 : i32 to index
      %get3A_213 = tpu.vector_load %arg7[%get3A_212] {strides = array<i32>} : memref<11520xf32, #tpu.memory_space<vmem>>, vector<16xf32>,
      %sub3A_214 = arith.subi %get3A_205, %broadcast_in_dim3A_38 : vector<16xi32>
      %ge3A_215 = arith.constant 0 : i32
      %ge3A_216 = vector.broadcast %ge3A_215 : i32 to vector<16xi32>
      %ge3A_217 = arith.cmpi sge, %sub3A_214, %ge3A_216 : vector<16xi32>
      %lt3A_218 = arith.constant 12 : i32
      %lt3A_219 = vector.broadcast %lt3A_218 : i32 to vector<16xi32>
      %lt3A_220 = arith.cmpi slt, %sub3A_214, %lt3A_219 : vector<16xi32>
      %and3A_221 = arith.andi %ge3A_217, %lt3A_220 : vector<16xi1>
      %gather3A_222 = tpu.vector_load_idx %arg9[%get3A_197] : memref<368xf32, #tpu.memory_space<vmem>>[vector<16xi32>], vector<16xf32>,
      %gather3A_223 = tpu.vector_load_idx %arg9[%get3A_205] : memref<368xf32, #tpu.memory_space<vmem>>[vector<16xi32>], vector<16xf32>,
      %mul3A_224 = arith.mulf %gather3A_222, %get3A_213 : vector<16xf32>
      %mul3A_225 = arith.mulf %mul3A_224, %gather3A_223 : vector<16xf32>
      %neg3A_226 = arith.constant 0.000000e+00 : f32
      %neg3A_227 = vector.broadcast %neg3A_226 : f32 to vector<16xf32>
      %neg3A_228 = arith.subf %neg3A_227, %mul3A_225 : vector<16xf32>
      %mul3A_229 = arith.constant 360 : i32
      %mul3A_230 = vector.broadcast %mul3A_229 : i32 to vector<16xi32>
      %mul3A_231 = arith.muli %sub3A_214, %mul3A_230 : vector<16xi32>
      %add3A_232 = arith.addi %mul3A_37, %mul3A_231 : vector<16xi32>
      %add3A_233 = arith.addi %add3A_232, %get3A_197 : vector<16xi32>
      %jit3A_234 = arith.constant 0 : i32
      %broadcast_in_dim3A_235 = vector.broadcast %jit3A_234 : i32 to vector<16xi32>
      %select_n3A_236 = arith.select %and3A_221, %add3A_233, %broadcast_in_dim3A_235 : vector<16xi1>, vector<16xi32>
      tpu.vector_store_idx %arg10[%select_n3A_236], %neg3A_228 masked %and3A_221 {add = true} : memref<69120xf32, #tpu.memory_space<vmem>>[vector<16xi32>], vector<16xf32>, vector<16xi1>
      %scan3A_237 = arith.constant 0 : i32
      scf.yield %scan3A_237 : i32
    }
    %scan3A_45 = arith.constant 180 : i32
    %scan3A_46 = arith.constant 0 : i32
    %scan3A_47 = arith.constant 0 : i32
    %scan3A_48 = arith.constant 270 : i32
    %scan3A_49 = arith.addi %scan3A_47, %scan3A_48 : i32
    %scan3A_50 = arith.constant 1 : i32
    %scan3A_51 = scf.for %scan3A_55 = %scan3A_47 to %scan3A_49 step %scan3A_50 iter_args(%scan3A_56 = %scan3A_46) -> (i32)  : i32 {
      %mul3A_57 = arith.constant 16 : i32
      %mul3A_58 = arith.muli %scan3A_55, %mul3A_57 : i32
      %get3A = arith.index_cast %mul3A_58 : i32 to index
      %get3A_59 = tpu.vector_load %arg10[%get3A] {strides = array<i32>} : memref<69120xf32, #tpu.memory_space<vmem>>, vector<16xf32>,
      %mul3A_60 = arith.constant 16 : i32
      %mul3A_61 = arith.muli %scan3A_55, %mul3A_60 : i32
      %add3A_62 = arith.constant 4320 : i32
      %add3A_63 = arith.addi %add3A_62, %mul3A_61 : i32
      %get3A_64 = arith.index_cast %add3A_63 : i32 to index
      %get3A_65 = tpu.vector_load %arg10[%get3A_64] {strides = array<i32>} : memref<69120xf32, #tpu.memory_space<vmem>>, vector<16xf32>,
      %add3A_66 = arith.addf %get3A_59, %get3A_65 : vector<16xf32>
      %mul3A_67 = arith.constant 16 : i32
      %mul3A_68 = arith.muli %scan3A_55, %mul3A_67 : i32
      %add3A_69 = arith.constant 8640 : i32
      %add3A_70 = arith.addi %add3A_69, %mul3A_68 : i32
      %get3A_71 = arith.index_cast %add3A_70 : i32 to index
      %get3A_72 = tpu.vector_load %arg10[%get3A_71] {strides = array<i32>} : memref<69120xf32, #tpu.memory_space<vmem>>, vector<16xf32>,
      %add3A_73 = arith.addf %add3A_66, %get3A_72 : vector<16xf32>
      %mul3A_74 = arith.constant 16 : i32
      %mul3A_75 = arith.muli %scan3A_55, %mul3A_74 : i32
      %add3A_76 = arith.constant 12960 : i32
      %add3A_77 = arith.addi %add3A_76, %mul3A_75 : i32
      %get3A_78 = arith.index_cast %add3A_77 : i32 to index
      %get3A_79 = tpu.vector_load %arg10[%get3A_78] {strides = array<i32>} : memref<69120xf32, #tpu.memory_space<vmem>>, vector<16xf32>,
      %add3A_80 = arith.addf %add3A_73, %get3A_79 : vector<16xf32>
      %mul3A_81 = arith.constant 16 : i32
      %mul3A_82 = arith.muli %scan3A_55, %mul3A_81 : i32
      %add3A_83 = arith.constant 17280 : i32
      %add3A_84 = arith.addi %add3A_83, %mul3A_82 : i32
      %get3A_85 = arith.index_cast %add3A_84 : i32 to index
      %get3A_86 = tpu.vector_load %arg10[%get3A_85] {strides = array<i32>} : memref<69120xf32, #tpu.memory_space<vmem>>, vector<16xf32>,
      %add3A_87 = arith.addf %add3A_80, %get3A_86 : vector<16xf32>
      %mul3A_88 = arith.constant 16 : i32
      %mul3A_89 = arith.muli %scan3A_55, %mul3A_88 : i32
      %add3A_90 = arith.constant 21600 : i32
      %add3A_91 = arith.addi %add3A_90, %mul3A_89 : i32
      %get3A_92 = arith.index_cast %add3A_91 : i32 to index
      %get3A_93 = tpu.vector_load %arg10[%get3A_92] {strides = array<i32>} : memref<69120xf32, #tpu.memory_space<vmem>>, vector<16xf32>,
      %add3A_94 = arith.addf %add3A_87, %get3A_93 : vector<16xf32>
      %mul3A_95 = arith.constant 16 : i32
      %mul3A_96 = arith.muli %scan3A_55, %mul3A_95 : i32
      %add3A_97 = arith.constant 25920 : i32
      %add3A_98 = arith.addi %add3A_97, %mul3A_96 : i32
      %get3A_99 = arith.index_cast %add3A_98 : i32 to index
      %get3A_100 = tpu.vector_load %arg10[%get3A_99] {strides = array<i32>} : memref<69120xf32, #tpu.memory_space<vmem>>, vector<16xf32>,
      %add3A_101 = arith.addf %add3A_94, %get3A_100 : vector<16xf32>
      %mul3A_102 = arith.constant 16 : i32
      %mul3A_103 = arith.muli %scan3A_55, %mul3A_102 : i32
      %add3A_104 = arith.constant 30240 : i32
      %add3A_105 = arith.addi %add3A_104, %mul3A_103 : i32
      %get3A_106 = arith.index_cast %add3A_105 : i32 to index
      %get3A_107 = tpu.vector_load %arg10[%get3A_106] {strides = array<i32>} : memref<69120xf32, #tpu.memory_space<vmem>>, vector<16xf32>,
      %add3A_108 = arith.addf %add3A_101, %get3A_107 : vector<16xf32>
      %mul3A_109 = arith.constant 16 : i32
      %mul3A_110 = arith.muli %scan3A_55, %mul3A_109 : i32
      %add3A_111 = arith.constant 34560 : i32
      %add3A_112 = arith.addi %add3A_111, %mul3A_110 : i32
      %get3A_113 = arith.index_cast %add3A_112 : i32 to index
      %get3A_114 = tpu.vector_load %arg10[%get3A_113] {strides = array<i32>} : memref<69120xf32, #tpu.memory_space<vmem>>, vector<16xf32>,
      %add3A_115 = arith.addf %add3A_108, %get3A_114 : vector<16xf32>
      %mul3A_116 = arith.constant 16 : i32
      %mul3A_117 = arith.muli %scan3A_55, %mul3A_116 : i32
      %add3A_118 = arith.constant 38880 : i32
      %add3A_119 = arith.addi %add3A_118, %mul3A_117 : i32
      %get3A_120 = arith.index_cast %add3A_119 : i32 to index
      %get3A_121 = tpu.vector_load %arg10[%get3A_120] {strides = array<i32>} : memref<69120xf32, #tpu.memory_space<vmem>>, vector<16xf32>,
      %add3A_122 = arith.addf %add3A_115, %get3A_121 : vector<16xf32>
      %mul3A_123 = arith.constant 16 : i32
      %mul3A_124 = arith.muli %scan3A_55, %mul3A_123 : i32
      %add3A_125 = arith.constant 43200 : i32
      %add3A_126 = arith.addi %add3A_125, %mul3A_124 : i32
      %get3A_127 = arith.index_cast %add3A_126 : i32 to index
      %get3A_128 = tpu.vector_load %arg10[%get3A_127] {strides = array<i32>} : memref<69120xf32, #tpu.memory_space<vmem>>, vector<16xf32>,
      %add3A_129 = arith.addf %add3A_122, %get3A_128 : vector<16xf32>
      %mul3A_130 = arith.constant 16 : i32
      %mul3A_131 = arith.muli %scan3A_55, %mul3A_130 : i32
      %add3A_132 = arith.constant 47520 : i32
      %add3A_133 = arith.addi %add3A_132, %mul3A_131 : i32
      %get3A_134 = arith.index_cast %add3A_133 : i32 to index
      %get3A_135 = tpu.vector_load %arg10[%get3A_134] {strides = array<i32>} : memref<69120xf32, #tpu.memory_space<vmem>>, vector<16xf32>,
      %add3A_136 = arith.addf %add3A_129, %get3A_135 : vector<16xf32>
      %mul3A_137 = arith.constant 16 : i32
      %mul3A_138 = arith.muli %scan3A_55, %mul3A_137 : i32
      %add3A_139 = arith.constant 51840 : i32
      %add3A_140 = arith.addi %add3A_139, %mul3A_138 : i32
      %get3A_141 = arith.index_cast %add3A_140 : i32 to index
      %get3A_142 = tpu.vector_load %arg10[%get3A_141] {strides = array<i32>} : memref<69120xf32, #tpu.memory_space<vmem>>, vector<16xf32>,
      %add3A_143 = arith.addf %add3A_136, %get3A_142 : vector<16xf32>
      %mul3A_144 = arith.constant 16 : i32
      %mul3A_145 = arith.muli %scan3A_55, %mul3A_144 : i32
      %add3A_146 = arith.constant 56160 : i32
      %add3A_147 = arith.addi %add3A_146, %mul3A_145 : i32
      %get3A_148 = arith.index_cast %add3A_147 : i32 to index
      %get3A_149 = tpu.vector_load %arg10[%get3A_148] {strides = array<i32>} : memref<69120xf32, #tpu.memory_space<vmem>>, vector<16xf32>,
      %add3A_150 = arith.addf %add3A_143, %get3A_149 : vector<16xf32>
      %mul3A_151 = arith.constant 16 : i32
      %mul3A_152 = arith.muli %scan3A_55, %mul3A_151 : i32
      %add3A_153 = arith.constant 60480 : i32
      %add3A_154 = arith.addi %add3A_153, %mul3A_152 : i32
      %get3A_155 = arith.index_cast %add3A_154 : i32 to index
      %get3A_156 = tpu.vector_load %arg10[%get3A_155] {strides = array<i32>} : memref<69120xf32, #tpu.memory_space<vmem>>, vector<16xf32>,
      %add3A_157 = arith.addf %add3A_150, %get3A_156 : vector<16xf32>
      %mul3A_158 = arith.constant 16 : i32
      %mul3A_159 = arith.muli %scan3A_55, %mul3A_158 : i32
      %add3A_160 = arith.constant 64800 : i32
      %add3A_161 = arith.addi %add3A_160, %mul3A_159 : i32
      %get3A_162 = arith.index_cast %add3A_161 : i32 to index
      %get3A_163 = tpu.vector_load %arg10[%get3A_162] {strides = array<i32>} : memref<69120xf32, #tpu.memory_space<vmem>>, vector<16xf32>,
      %add3A_164 = arith.addf %add3A_157, %get3A_163 : vector<16xf32>
      %mul3A_165 = arith.constant 16 : i32
      %mul3A_166 = arith.muli %scan3A_55, %mul3A_165 : i32
      %swap3A = arith.index_cast %mul3A_166 : i32 to index
      %swap3A_167 = tpu.vector_load %arg11[%swap3A] {strides = array<i32>} : memref<4320xf32, #tpu.memory_space<vmem>>, vector<16xf32>,
      tpu.vector_store %arg11[%swap3A], %add3A_164 {strides = array<i32>} : memref<4320xf32, #tpu.memory_space<vmem>>, vector<16xf32>,
      %scan3A_168 = arith.constant 0 : i32
      scf.yield %scan3A_168 : i32
    }
    %scan3A_52 = arith.constant 270 : i32
    %lt3A = arith.constant 30 : i32
    %lt3A_53 = arith.cmpi slt, %add3A, %lt3A : i32
    %convert_element_type3A = arith.extui %lt3A_53 : i1 to i32
    %cond3A = arith.constant 0 : i32
    %cond3A_54 = arith.cmpi ne, %convert_element_type3A, %cond3A : i32
    scf.if %cond3A_54 {
      %mul3A_55 = arith.constant 360 : i32
      %mul3A_56 = arith.muli %mul3A_2, %mul3A_55 : i32
      "tpu.region"() ({
        %run_scoped3A_57 = tpu.sem_alloc : memref<!tpu.dma_semaphore, #tpu.memory_space<semaphore_mem>>
        %dma_start3A = tpu.memref_slice %arg4[%mul3A_56] : memref<129600xf32, #tpu.memory_space<hbm>> -> memref<4320xf32, #tpu.memory_space<hbm>>
        %dma_start3A_58 = tpu.memref_slice %arg4[%mul3A_56] : memref<129600xf32, #tpu.memory_space<hbm>> -> memref<4320xf32, #tpu.memory_space<hbm>>
        tpu.enqueue_dma source(%arg11 : memref<4320xf32, #tpu.memory_space<vmem>>) target(%dma_start3A_58 : memref<4320xf32, #tpu.memory_space<hbm>>) target_semaphore(%run_scoped3A_57 : memref<!tpu.dma_semaphore, #tpu.memory_space<semaphore_mem>>)
        %dma_wait3A = tpu.memref_slice %arg4[%mul3A_56] : memref<129600xf32, #tpu.memory_space<hbm>> -> memref<4320xf32, #tpu.memory_space<hbm>>
        %dma_wait3A_59 = tpu.memref_slice %arg4[%mul3A_56] : memref<129600xf32, #tpu.memory_space<hbm>> -> memref<4320xf32, #tpu.memory_space<hbm>>
        tpu.wait_dma2 semaphore(%run_scoped3A_57 : memref<!tpu.dma_semaphore, #tpu.memory_space<semaphore_mem>>) src(%arg11 : memref<4320xf32, #tpu.memory_space<vmem>>) dst(%dma_wait3A_59 : memref<4320xf32, #tpu.memory_space<hbm>>)
        tpu.yield
      }) : () -> ()
    } else {
    }
    return
  }
}

module attributes {stable_mosaic.version = 14 : i64} {
  func.func @_body_out(%arg0: i32, %arg1: memref<4x64x360xf32, #tpu.memory_space<vmem>>, %arg2: memref<2x360xf32, #tpu.memory_space<vmem>>, %arg3: memref<1x360xf32, #tpu.memory_space<vmem>>, %arg4: memref<1x360xf32, #tpu.memory_space<vmem>>, %arg5: memref<360x360xf32, #tpu.memory_space<vmem>>, %arg6: memref<1x360xf32, #tpu.memory_space<vmem>>, %arg7: memref<64x360xf32, #tpu.memory_space<vmem>>) attributes {dimension_semantics = [#tpu.dimension_semantics<arbitrary>], iteration_bounds = array<i64: 8>, scalar_prefetch = 0 : i64, scratch_operands = 0 : i64, tpu.core_type = #tpu.core_type<tc>, window_params = [{transform_indices = @transform_0, window_bounds = array<i64: 4, 64, 360>}, {pipeline_mode = #tpu.pipeline_mode<synchronous>, transform_indices = @transform_1, window_bounds = array<i64: 2, 360>}, {pipeline_mode = #tpu.pipeline_mode<synchronous>, transform_indices = @transform_2, window_bounds = array<i64: 1, 360>}, {pipeline_mode = #tpu.pipeline_mode<synchronous>, transform_indices = @transform_3, window_bounds = array<i64: 1, 360>}, {pipeline_mode = #tpu.pipeline_mode<synchronous>, transform_indices = @transform_4, window_bounds = array<i64: 360, 360>}, {pipeline_mode = #tpu.pipeline_mode<synchronous>, transform_indices = @transform_5, window_bounds = array<i64: 1, 360>}, {transform_indices = @transform_6, window_bounds = array<i64: 64, 360>}]} {
    %get3A = arith.constant 0 : index
    %get3A_0 = arith.constant 0 : index
    %get3A_1 = vector.load %arg2[%get3A, %get3A_0] : memref<2x360xf32, #tpu.memory_space<vmem>>, vector<1x360xf32>
    %div3A = arith.constant 2.048000e+03 : f32
    %div3A_2 = vector.broadcast %div3A : f32 to vector<1x360xf32>
    %div3A_3 = arith.divf %get3A_1, %div3A_2 : vector<1x360xf32>
    %get3A_4 = arith.constant 1 : index
    %get3A_5 = arith.constant 0 : index
    %get3A_6 = vector.load %arg2[%get3A_4, %get3A_5] : memref<2x360xf32, #tpu.memory_space<vmem>>, vector<1x360xf32>
    %div3A_7 = arith.constant 2.048000e+03 : f32
    %div3A_8 = vector.broadcast %div3A_7 : f32 to vector<1x360xf32>
    %div3A_9 = arith.divf %get3A_6, %div3A_8 : vector<1x360xf32>
    %mul3A = arith.mulf %div3A_3, %div3A_3 : vector<1x360xf32>
    %sub3A = arith.subf %div3A_9, %mul3A : vector<1x360xf32>
    %get3A_10 = arith.constant 0 : index
    %get3A_11 = arith.constant 0 : index
    %get3A_12 = vector.load %arg3[%get3A_10, %get3A_11] : memref<1x360xf32, #tpu.memory_space<vmem>>, vector<1x360xf32>
    %add3A = arith.constant 9.99999974E-6 : f32
    %add3A_13 = vector.broadcast %add3A : f32 to vector<1x360xf32>
    %add3A_14 = arith.addf %sub3A, %add3A_13 : vector<1x360xf32>
    %rsqrt3A = math.rsqrt %add3A_14 : vector<1x360xf32>
    %mul3A_15 = arith.mulf %get3A_12, %rsqrt3A : vector<1x360xf32>
    %get3A_16 = arith.constant 0 : index
    %get3A_17 = arith.constant 0 : index
    %get3A_18 = vector.load %arg4[%get3A_16, %get3A_17] : memref<1x360xf32, #tpu.memory_space<vmem>>, vector<1x360xf32>
    %mul3A_19 = arith.mulf %div3A_3, %mul3A_15 : vector<1x360xf32>
    %sub3A_20 = arith.subf %get3A_18, %mul3A_19 : vector<1x360xf32>
    %get3A_21 = arith.constant 3 : index
    %get3A_22 = arith.constant 0 : index
    %get3A_23 = arith.constant 0 : index
    %get3A_24 = vector.load %arg1[%get3A_21, %get3A_22, %get3A_23] : memref<4x64x360xf32, #tpu.memory_space<vmem>>, vector<1x64x360xf32>
    %get3A_25 = vector.shape_cast %get3A_24 : vector<1x64x360xf32> to vector<64x360xf32>
    %mul3A_26 = vector.broadcast %mul3A_15 : vector<1x360xf32> to vector<64x360xf32>
    %mul3A_27 = arith.mulf %get3A_25, %mul3A_26 : vector<64x360xf32>
    %add3A_28 = vector.broadcast %sub3A_20 : vector<1x360xf32> to vector<64x360xf32>
    %add3A_29 = arith.addf %mul3A_27, %add3A_28 : vector<64x360xf32>
    %max3A = arith.constant 0.000000e+00 : f32
    %max3A_30 = vector.broadcast %max3A : f32 to vector<64x360xf32>
    %max3A_31 = arith.maximumf %add3A_29, %max3A_30 : vector<64x360xf32>
    %get3A_32 = arith.constant 0 : index
    %get3A_33 = arith.constant 0 : index
    %get3A_34 = vector.load %arg5[%get3A_32, %get3A_33] : memref<360x360xf32, #tpu.memory_space<vmem>>, vector<360x360xf32>
    %dot_general3A = arith.constant dense<0.000000e+00> : vector<64x360xf32>
    %dot_general3A_35 = tpu.matmul %max3A_31, %get3A_34, %dot_general3A {dimension_numbers = #tpu.dot_dimension_numbers<[1], [1], [0], [0], [0, 0, 1, 0], [], []>, transpose_lhs_hint = false} : vector<64x360xf32>, vector<360x360xf32>, vector<64x360xf32> -> vector<64x360xf32>
    %get3A_36 = arith.constant 0 : index
    %get3A_37 = arith.constant 0 : index
    %get3A_38 = vector.load %arg6[%get3A_36, %get3A_37] : memref<1x360xf32, #tpu.memory_space<vmem>>, vector<1x360xf32>
    %add3A_39 = vector.broadcast %get3A_38 : vector<1x360xf32> to vector<64x360xf32>
    %add3A_40 = arith.addf %dot_general3A_35, %add3A_39 : vector<64x360xf32>
    %swap3A = arith.constant 0 : index
    %swap3A_41 = arith.constant 0 : index
    %swap3A_42 = vector.load %arg7[%swap3A, %swap3A_41] : memref<64x360xf32, #tpu.memory_space<vmem>>, vector<64x360xf32>
    tpu.vector_store %arg7[%swap3A, %swap3A_41], %add3A_40 {strides = array<i32>} : memref<64x360xf32, #tpu.memory_space<vmem>>, vector<64x360xf32>,
    return
  }
  func.func @transform_0(%arg0: i32) -> (i32, i32, i32) {
    %c0_i32 = arith.constant 0 : i32
    %c0_i32_0 = arith.constant 0 : i32
    %c0_i32_1 = arith.constant 0 : i32
    return %c0_i32, %arg0, %c0_i32_0 : i32, i32, i32
  }
  func.func @transform_1(%arg0: i32) -> (i32, i32) {
    %c0_i32 = arith.constant 0 : i32
    %c0_i32_0 = arith.constant 0 : i32
    %c0_i32_1 = arith.constant 0 : i32
    return %c0_i32, %c0_i32_0 : i32, i32
  }
  func.func @transform_2(%arg0: i32) -> (i32, i32) {
    %c0_i32 = arith.constant 0 : i32
    %c0_i32_0 = arith.constant 0 : i32
    %c0_i32_1 = arith.constant 0 : i32
    return %c0_i32, %c0_i32_0 : i32, i32
  }
  func.func @transform_3(%arg0: i32) -> (i32, i32) {
    %c0_i32 = arith.constant 0 : i32
    %c0_i32_0 = arith.constant 0 : i32
    %c0_i32_1 = arith.constant 0 : i32
    return %c0_i32, %c0_i32_0 : i32, i32
  }
  func.func @transform_4(%arg0: i32) -> (i32, i32) {
    %c0_i32 = arith.constant 0 : i32
    %c0_i32_0 = arith.constant 0 : i32
    %c0_i32_1 = arith.constant 0 : i32
    return %c0_i32, %c0_i32_0 : i32, i32
  }
  func.func @transform_5(%arg0: i32) -> (i32, i32) {
    %c0_i32 = arith.constant 0 : i32
    %c0_i32_0 = arith.constant 0 : i32
    %c0_i32_1 = arith.constant 0 : i32
    return %c0_i32, %c0_i32_0 : i32, i32
  }
  func.func @transform_6(%arg0: i32) -> (i32, i32) {
    %c0_i32 = arith.constant 0 : i32
    %c0_i32_0 = arith.constant 0 : i32
    return %arg0, %c0_i32 : i32, i32
  }
}

module attributes {stable_mosaic.version = 14 : i64} {
  func.func @_body_r2(%arg0: i32, %arg1: memref<8x8x360xf32, #tpu.memory_space<vmem>>, %arg2: memref<2x360xf32, #tpu.memory_space<vmem>>, %arg3: memref<1x360xf32, #tpu.memory_space<vmem>>, %arg4: memref<1x360xf32, #tpu.memory_space<vmem>>, %arg5: memref<360x360xf32, #tpu.memory_space<vmem>>, %arg6: memref<288x24xf32, #tpu.memory_space<vmem>>, %arg7: memref<288x1xf32, #tpu.memory_space<vmem>>, %arg8: memref<96x192xf32, #tpu.memory_space<vmem>>, %arg9: memref<96x1xf32, #tpu.memory_space<vmem>>, %arg10: memref<24x288xf32, #tpu.memory_space<vmem>>, %arg11: memref<24x1xf32, #tpu.memory_space<vmem>>, %arg12: memref<4x8x360xf32, #tpu.memory_space<vmem>>, %arg13: memref<2x360xf32, #tpu.memory_space<vmem>>) attributes {dimension_semantics = [#tpu.dimension_semantics<arbitrary>], iteration_bounds = array<i64: 64>, scalar_prefetch = 0 : i64, scratch_operands = 0 : i64, tpu.core_type = #tpu.core_type<tc>, window_params = [{transform_indices = @transform_0, window_bounds = array<i64: 8, 8, 360>}, {pipeline_mode = #tpu.pipeline_mode<synchronous>, transform_indices = @transform_1, window_bounds = array<i64: 2, 360>}, {pipeline_mode = #tpu.pipeline_mode<synchronous>, transform_indices = @transform_2, window_bounds = array<i64: 1, 360>}, {pipeline_mode = #tpu.pipeline_mode<synchronous>, transform_indices = @transform_3, window_bounds = array<i64: 1, 360>}, {pipeline_mode = #tpu.pipeline_mode<synchronous>, transform_indices = @transform_4, window_bounds = array<i64: 360, 360>}, {pipeline_mode = #tpu.pipeline_mode<synchronous>, transform_indices = @transform_5, window_bounds = array<i64: 288, 24>}, {pipeline_mode = #tpu.pipeline_mode<synchronous>, transform_indices = @transform_6, window_bounds = array<i64: 288, 1>}, {pipeline_mode = #tpu.pipeline_mode<synchronous>, transform_indices = @transform_7, window_bounds = array<i64: 96, 192>}, {pipeline_mode = #tpu.pipeline_mode<synchronous>, transform_indices = @transform_8, window_bounds = array<i64: 96, 1>}, {pipeline_mode = #tpu.pipeline_mode<synchronous>, transform_indices = @transform_9, window_bounds = array<i64: 24, 288>}, {pipeline_mode = #tpu.pipeline_mode<synchronous>, transform_indices = @transform_10, window_bounds = array<i64: 24, 1>}, {transform_indices = @transform_11, window_bounds = array<i64: 4, 8, 360>}, {pipeline_mode = #tpu.pipeline_mode<synchronous>, transform_indices = @transform_12, window_bounds = array<i64: 2, 360>}]} {
    %eq3A = arith.constant 0 : i32
    %eq3A_0 = arith.cmpi eq, %arg0, %eq3A : i32
    %convert_element_type3A = arith.extui %eq3A_0 : i1 to i32
    %cond3A = arith.constant 0 : i32
    %cond3A_1 = arith.cmpi ne, %convert_element_type3A, %cond3A : i32
    scf.if %cond3A_1 {
      %broadcast_in_dim3A = arith.constant 0.000000e+00 : f32
      %broadcast_in_dim3A_439 = vector.broadcast %broadcast_in_dim3A : f32 to vector<2x360xf32>
      %swap3A_440 = arith.constant 0 : index
      %swap3A_441 = arith.constant 0 : index
      %swap3A_442 = vector.load %arg13[%swap3A_440, %swap3A_441] : memref<2x360xf32, #tpu.memory_space<vmem>>, vector<2x360xf32>
      tpu.vector_store %arg13[%swap3A_440, %swap3A_441], %broadcast_in_dim3A_439 {strides = array<i32>} : memref<2x360xf32, #tpu.memory_space<vmem>>, vector<2x360xf32>,
    } else {
    }
    %get3A = arith.constant 0 : index
    %get3A_2 = arith.constant 0 : index
    %get3A_3 = vector.load %arg2[%get3A, %get3A_2] : memref<2x360xf32, #tpu.memory_space<vmem>>, vector<1x360xf32>
    %div3A = arith.constant 4.096000e+03 : f32
    %div3A_4 = vector.broadcast %div3A : f32 to vector<1x360xf32>
    %div3A_5 = arith.divf %get3A_3, %div3A_4 : vector<1x360xf32>
    %get3A_6 = arith.constant 1 : index
    %get3A_7 = arith.constant 0 : index
    %get3A_8 = vector.load %arg2[%get3A_6, %get3A_7] : memref<2x360xf32, #tpu.memory_space<vmem>>, vector<1x360xf32>
    %div3A_9 = arith.constant 4.096000e+03 : f32
    %div3A_10 = vector.broadcast %div3A_9 : f32 to vector<1x360xf32>
    %div3A_11 = arith.divf %get3A_8, %div3A_10 : vector<1x360xf32>
    %mul3A = arith.mulf %div3A_5, %div3A_5 : vector<1x360xf32>
    %sub3A = arith.subf %div3A_11, %mul3A : vector<1x360xf32>
    %get3A_12 = arith.constant 0 : index
    %get3A_13 = arith.constant 0 : index
    %get3A_14 = vector.load %arg3[%get3A_12, %get3A_13] : memref<1x360xf32, #tpu.memory_space<vmem>>, vector<1x360xf32>
    %add3A = arith.constant 9.99999974E-6 : f32
    %add3A_15 = vector.broadcast %add3A : f32 to vector<1x360xf32>
    %add3A_16 = arith.addf %sub3A, %add3A_15 : vector<1x360xf32>
    %rsqrt3A = math.rsqrt %add3A_16 : vector<1x360xf32>
    %mul3A_17 = arith.mulf %get3A_14, %rsqrt3A : vector<1x360xf32>
    %get3A_18 = arith.constant 0 : index
    %get3A_19 = arith.constant 0 : index
    %get3A_20 = vector.load %arg4[%get3A_18, %get3A_19] : memref<1x360xf32, #tpu.memory_space<vmem>>, vector<1x360xf32>
    %mul3A_21 = arith.mulf %div3A_5, %mul3A_17 : vector<1x360xf32>
    %sub3A_22 = arith.subf %get3A_20, %mul3A_21 : vector<1x360xf32>
    %get3A_23 = arith.constant 0 : index
    %get3A_24 = arith.constant 0 : index
    %get3A_25 = vector.load %arg5[%get3A_23, %get3A_24] : memref<360x360xf32, #tpu.memory_space<vmem>>, vector<360x360xf32>
    %get3A_26 = arith.constant 0 : index
    %get3A_27 = arith.constant 0 : index
    %get3A_28 = vector.load %arg6[%get3A_26, %get3A_27] : memref<288x24xf32, #tpu.memory_space<vmem>>, vector<288x24xf32>
    %get3A_29 = arith.constant 0 : index
    %get3A_30 = arith.constant 0 : index
    %get3A_31 = vector.load %arg7[%get3A_29, %get3A_30] : memref<288x1xf32, #tpu.memory_space<vmem>>, vector<288x1xf32>
    %get3A_32 = arith.constant 0 : index
    %get3A_33 = arith.constant 0 : index
    %get3A_34 = vector.load %arg8[%get3A_32, %get3A_33] : memref<96x192xf32, #tpu.memory_space<vmem>>, vector<96x192xf32>
    %get3A_35 = arith.constant 0 : index
    %get3A_36 = arith.constant 0 : index
    %get3A_37 = vector.load %arg9[%get3A_35, %get3A_36] : memref<96x1xf32, #tpu.memory_space<vmem>>, vector<96x1xf32>
    %get3A_38 = arith.constant 0 : index
    %get3A_39 = arith.constant 0 : index
    %get3A_40 = vector.load %arg10[%get3A_38, %get3A_39] : memref<24x288xf32, #tpu.memory_space<vmem>>, vector<24x288xf32>
    %get3A_41 = arith.constant 0 : index
    %get3A_42 = arith.constant 0 : index
    %get3A_43 = vector.load %arg11[%get3A_41, %get3A_42] : memref<24x1xf32, #tpu.memory_space<vmem>>, vector<24x1xf32>
    %get3A_44 = arith.constant 0 : index
    %get3A_45 = arith.constant 0 : index
    %get3A_46 = arith.constant 0 : index
    %get3A_47 = vector.load %arg1[%get3A_44, %get3A_45, %get3A_46] : memref<8x8x360xf32, #tpu.memory_space<vmem>>, vector<1x8x360xf32>
    %get3A_48 = vector.shape_cast %get3A_47 : vector<1x8x360xf32> to vector<8x360xf32>
    %mul3A_49 = vector.broadcast %mul3A_17 : vector<1x360xf32> to vector<8x360xf32>
    %mul3A_50 = arith.mulf %get3A_48, %mul3A_49 : vector<8x360xf32>
    %add3A_51 = vector.broadcast %sub3A_22 : vector<1x360xf32> to vector<8x360xf32>
    %add3A_52 = arith.addf %mul3A_50, %add3A_51 : vector<8x360xf32>
    %max3A = arith.constant 0.000000e+00 : f32
    %max3A_53 = vector.broadcast %max3A : f32 to vector<8x360xf32>
    %max3A_54 = arith.maximumf %add3A_52, %max3A_53 : vector<8x360xf32>
    %get3A_55 = arith.constant 1 : index
    %get3A_56 = arith.constant 0 : index
    %get3A_57 = arith.constant 0 : index
    %get3A_58 = vector.load %arg1[%get3A_55, %get3A_56, %get3A_57] : memref<8x8x360xf32, #tpu.memory_space<vmem>>, vector<1x8x360xf32>
    %get3A_59 = vector.shape_cast %get3A_58 : vector<1x8x360xf32> to vector<8x360xf32>
    %mul3A_60 = vector.broadcast %mul3A_17 : vector<1x360xf32> to vector<8x360xf32>
    %mul3A_61 = arith.mulf %get3A_59, %mul3A_60 : vector<8x360xf32>
    %add3A_62 = vector.broadcast %sub3A_22 : vector<1x360xf32> to vector<8x360xf32>
    %add3A_63 = arith.addf %mul3A_61, %add3A_62 : vector<8x360xf32>
    %max3A_64 = arith.constant 0.000000e+00 : f32
    %max3A_65 = vector.broadcast %max3A_64 : f32 to vector<8x360xf32>
    %max3A_66 = arith.maximumf %add3A_63, %max3A_65 : vector<8x360xf32>
    %get3A_67 = arith.constant 2 : index
    %get3A_68 = arith.constant 0 : index
    %get3A_69 = arith.constant 0 : index
    %get3A_70 = vector.load %arg1[%get3A_67, %get3A_68, %get3A_69] : memref<8x8x360xf32, #tpu.memory_space<vmem>>, vector<1x8x360xf32>
    %get3A_71 = vector.shape_cast %get3A_70 : vector<1x8x360xf32> to vector<8x360xf32>
    %mul3A_72 = vector.broadcast %mul3A_17 : vector<1x360xf32> to vector<8x360xf32>
    %mul3A_73 = arith.mulf %get3A_71, %mul3A_72 : vector<8x360xf32>
    %add3A_74 = vector.broadcast %sub3A_22 : vector<1x360xf32> to vector<8x360xf32>
    %add3A_75 = arith.addf %mul3A_73, %add3A_74 : vector<8x360xf32>
    %max3A_76 = arith.constant 0.000000e+00 : f32
    %max3A_77 = vector.broadcast %max3A_76 : f32 to vector<8x360xf32>
    %max3A_78 = arith.maximumf %add3A_75, %max3A_77 : vector<8x360xf32>
    %get3A_79 = arith.constant 3 : index
    %get3A_80 = arith.constant 0 : index
    %get3A_81 = arith.constant 0 : index
    %get3A_82 = vector.load %arg1[%get3A_79, %get3A_80, %get3A_81] : memref<8x8x360xf32, #tpu.memory_space<vmem>>, vector<1x8x360xf32>
    %get3A_83 = vector.shape_cast %get3A_82 : vector<1x8x360xf32> to vector<8x360xf32>
    %mul3A_84 = vector.broadcast %mul3A_17 : vector<1x360xf32> to vector<8x360xf32>
    %mul3A_85 = arith.mulf %get3A_83, %mul3A_84 : vector<8x360xf32>
    %add3A_86 = vector.broadcast %sub3A_22 : vector<1x360xf32> to vector<8x360xf32>
    %add3A_87 = arith.addf %mul3A_85, %add3A_86 : vector<8x360xf32>
    %max3A_88 = arith.constant 0.000000e+00 : f32
    %max3A_89 = vector.broadcast %max3A_88 : f32 to vector<8x360xf32>
    %max3A_90 = arith.maximumf %add3A_87, %max3A_89 : vector<8x360xf32>
    %get3A_91 = arith.constant 4 : index
    %get3A_92 = arith.constant 0 : index
    %get3A_93 = arith.constant 0 : index
    %get3A_94 = vector.load %arg1[%get3A_91, %get3A_92, %get3A_93] : memref<8x8x360xf32, #tpu.memory_space<vmem>>, vector<1x8x360xf32>
    %get3A_95 = vector.shape_cast %get3A_94 : vector<1x8x360xf32> to vector<8x360xf32>
    %mul3A_96 = vector.broadcast %mul3A_17 : vector<1x360xf32> to vector<8x360xf32>
    %mul3A_97 = arith.mulf %get3A_95, %mul3A_96 : vector<8x360xf32>
    %add3A_98 = vector.broadcast %sub3A_22 : vector<1x360xf32> to vector<8x360xf32>
    %add3A_99 = arith.addf %mul3A_97, %add3A_98 : vector<8x360xf32>
    %max3A_100 = arith.constant 0.000000e+00 : f32
    %max3A_101 = vector.broadcast %max3A_100 : f32 to vector<8x360xf32>
    %max3A_102 = arith.maximumf %add3A_99, %max3A_101 : vector<8x360xf32>
    %get3A_103 = arith.constant 5 : index
    %get3A_104 = arith.constant 0 : index
    %get3A_105 = arith.constant 0 : index
    %get3A_106 = vector.load %arg1[%get3A_103, %get3A_104, %get3A_105] : memref<8x8x360xf32, #tpu.memory_space<vmem>>, vector<1x8x360xf32>
    %get3A_107 = vector.shape_cast %get3A_106 : vector<1x8x360xf32> to vector<8x360xf32>
    %mul3A_108 = vector.broadcast %mul3A_17 : vector<1x360xf32> to vector<8x360xf32>
    %mul3A_109 = arith.mulf %get3A_107, %mul3A_108 : vector<8x360xf32>
    %add3A_110 = vector.broadcast %sub3A_22 : vector<1x360xf32> to vector<8x360xf32>
    %add3A_111 = arith.addf %mul3A_109, %add3A_110 : vector<8x360xf32>
    %max3A_112 = arith.constant 0.000000e+00 : f32
    %max3A_113 = vector.broadcast %max3A_112 : f32 to vector<8x360xf32>
    %max3A_114 = arith.maximumf %add3A_111, %max3A_113 : vector<8x360xf32>
    %get3A_115 = arith.constant 6 : index
    %get3A_116 = arith.constant 0 : index
    %get3A_117 = arith.constant 0 : index
    %get3A_118 = vector.load %arg1[%get3A_115, %get3A_116, %get3A_117] : memref<8x8x360xf32, #tpu.memory_space<vmem>>, vector<1x8x360xf32>
    %get3A_119 = vector.shape_cast %get3A_118 : vector<1x8x360xf32> to vector<8x360xf32>
    %mul3A_120 = vector.broadcast %mul3A_17 : vector<1x360xf32> to vector<8x360xf32>
    %mul3A_121 = arith.mulf %get3A_119, %mul3A_120 : vector<8x360xf32>
    %add3A_122 = vector.broadcast %sub3A_22 : vector<1x360xf32> to vector<8x360xf32>
    %add3A_123 = arith.addf %mul3A_121, %add3A_122 : vector<8x360xf32>
    %max3A_124 = arith.constant 0.000000e+00 : f32
    %max3A_125 = vector.broadcast %max3A_124 : f32 to vector<8x360xf32>
    %max3A_126 = arith.maximumf %add3A_123, %max3A_125 : vector<8x360xf32>
    %get3A_127 = arith.constant 7 : index
    %get3A_128 = arith.constant 0 : index
    %get3A_129 = arith.constant 0 : index
    %get3A_130 = vector.load %arg1[%get3A_127, %get3A_128, %get3A_129] : memref<8x8x360xf32, #tpu.memory_space<vmem>>, vector<1x8x360xf32>
    %get3A_131 = vector.shape_cast %get3A_130 : vector<1x8x360xf32> to vector<8x360xf32>
    %mul3A_132 = vector.broadcast %mul3A_17 : vector<1x360xf32> to vector<8x360xf32>
    %mul3A_133 = arith.mulf %get3A_131, %mul3A_132 : vector<8x360xf32>
    %add3A_134 = vector.broadcast %sub3A_22 : vector<1x360xf32> to vector<8x360xf32>
    %add3A_135 = arith.addf %mul3A_133, %add3A_134 : vector<8x360xf32>
    %max3A_136 = arith.constant 0.000000e+00 : f32
    %max3A_137 = vector.broadcast %max3A_136 : f32 to vector<8x360xf32>
    %max3A_138 = arith.maximumf %add3A_135, %max3A_137 : vector<8x360xf32>
    %concatenate3A = tpu.concatenate %max3A_54, %max3A_66, %max3A_78 in 0 : vector<8x360xf32>, vector<8x360xf32>, vector<8x360xf32> -> vector<24x360xf32>
    %dot_general3A = arith.constant dense<0.000000e+00> : vector<288x360xf32>
    %dot_general3A_139 = tpu.matmul %get3A_28, %concatenate3A, %dot_general3A {dimension_numbers = #tpu.dot_dimension_numbers<[1], [0], [0], [1], [0, 0, 1, 1], [], []>, transpose_lhs_hint = false} : vector<288x24xf32>, vector<24x360xf32>, vector<288x360xf32> -> vector<288x360xf32>
    %add3A_140 = vector.broadcast %get3A_31 : vector<288x1xf32> to vector<288x360xf32>
    %add3A_141 = arith.addf %dot_general3A_139, %add3A_140 : vector<288x360xf32>
    %slice3A = vector.extract_strided_slice %add3A_141 {offsets = [0, 0], sizes = [96, 360], strides = [1, 1]} : vector<288x360xf32> to vector<96x360xf32>
    %slice3A_142 = vector.extract_strided_slice %add3A_141 {offsets = [96, 0], sizes = [96, 360], strides = [1, 1]} : vector<288x360xf32> to vector<96x360xf32>
    %logistic3A = arith.negf %slice3A_142 : vector<96x360xf32>
    %logistic3A_143 = math.exp %logistic3A : vector<96x360xf32>
    %logistic3A_144 = arith.constant 1.000000e+00 : f32
    %logistic3A_145 = vector.broadcast %logistic3A_144 : f32 to vector<96x360xf32>
    %logistic3A_146 = arith.addf %logistic3A_145, %logistic3A_143 : vector<96x360xf32>
    %logistic3A_147 = arith.divf %logistic3A_145, %logistic3A_146 : vector<96x360xf32>
    %mul3A_148 = arith.mulf %slice3A, %logistic3A_147 : vector<96x360xf32>
    %slice3A_149 = vector.extract_strided_slice %add3A_141 {offsets = [192, 0], sizes = [96, 360], strides = [1, 1]} : vector<288x360xf32> to vector<96x360xf32>
    %add3A_150 = arith.addf %mul3A_148, %slice3A_149 : vector<96x360xf32>
    %max3A_151 = arith.constant 0.000000e+00 : f32
    %max3A_152 = vector.broadcast %max3A_151 : f32 to vector<96x360xf32>
    %max3A_153 = arith.maximumf %add3A_150, %max3A_152 : vector<96x360xf32>
    %concatenate3A_154 = tpu.concatenate %max3A_66, %max3A_78, %max3A_90 in 0 : vector<8x360xf32>, vector<8x360xf32>, vector<8x360xf32> -> vector<24x360xf32>
    %dot_general3A_155 = arith.constant dense<0.000000e+00> : vector<288x360xf32>
    %dot_general3A_156 = tpu.matmul %get3A_28, %concatenate3A_154, %dot_general3A_155 {dimension_numbers = #tpu.dot_dimension_numbers<[1], [0], [0], [1], [0, 0, 1, 1], [], []>, transpose_lhs_hint = false} : vector<288x24xf32>, vector<24x360xf32>, vector<288x360xf32> -> vector<288x360xf32>
    %add3A_157 = vector.broadcast %get3A_31 : vector<288x1xf32> to vector<288x360xf32>
    %add3A_158 = arith.addf %dot_general3A_156, %add3A_157 : vector<288x360xf32>
    %slice3A_159 = vector.extract_strided_slice %add3A_158 {offsets = [0, 0], sizes = [96, 360], strides = [1, 1]} : vector<288x360xf32> to vector<96x360xf32>
    %slice3A_160 = vector.extract_strided_slice %add3A_158 {offsets = [96, 0], sizes = [96, 360], strides = [1, 1]} : vector<288x360xf32> to vector<96x360xf32>
    %logistic3A_161 = arith.negf %slice3A_160 : vector<96x360xf32>
    %logistic3A_162 = math.exp %logistic3A_161 : vector<96x360xf32>
    %logistic3A_163 = arith.constant 1.000000e+00 : f32
    %logistic3A_164 = vector.broadcast %logistic3A_163 : f32 to vector<96x360xf32>
    %logistic3A_165 = arith.addf %logistic3A_164, %logistic3A_162 : vector<96x360xf32>
    %logistic3A_166 = arith.divf %logistic3A_164, %logistic3A_165 : vector<96x360xf32>
    %mul3A_167 = arith.mulf %slice3A_159, %logistic3A_166 : vector<96x360xf32>
    %slice3A_168 = vector.extract_strided_slice %add3A_158 {offsets = [192, 0], sizes = [96, 360], strides = [1, 1]} : vector<288x360xf32> to vector<96x360xf32>
    %add3A_169 = arith.addf %mul3A_167, %slice3A_168 : vector<96x360xf32>
    %max3A_170 = arith.constant 0.000000e+00 : f32
    %max3A_171 = vector.broadcast %max3A_170 : f32 to vector<96x360xf32>
    %max3A_172 = arith.maximumf %add3A_169, %max3A_171 : vector<96x360xf32>
    %concatenate3A_173 = tpu.concatenate %max3A_78, %max3A_90, %max3A_102 in 0 : vector<8x360xf32>, vector<8x360xf32>, vector<8x360xf32> -> vector<24x360xf32>
    %dot_general3A_174 = arith.constant dense<0.000000e+00> : vector<288x360xf32>
    %dot_general3A_175 = tpu.matmul %get3A_28, %concatenate3A_173, %dot_general3A_174 {dimension_numbers = #tpu.dot_dimension_numbers<[1], [0], [0], [1], [0, 0, 1, 1], [], []>, transpose_lhs_hint = false} : vector<288x24xf32>, vector<24x360xf32>, vector<288x360xf32> -> vector<288x360xf32>
    %add3A_176 = vector.broadcast %get3A_31 : vector<288x1xf32> to vector<288x360xf32>
    %add3A_177 = arith.addf %dot_general3A_175, %add3A_176 : vector<288x360xf32>
    %slice3A_178 = vector.extract_strided_slice %add3A_177 {offsets = [0, 0], sizes = [96, 360], strides = [1, 1]} : vector<288x360xf32> to vector<96x360xf32>
    %slice3A_179 = vector.extract_strided_slice %add3A_177 {offsets = [96, 0], sizes = [96, 360], strides = [1, 1]} : vector<288x360xf32> to vector<96x360xf32>
    %logistic3A_180 = arith.negf %slice3A_179 : vector<96x360xf32>
    %logistic3A_181 = math.exp %logistic3A_180 : vector<96x360xf32>
    %logistic3A_182 = arith.constant 1.000000e+00 : f32
    %logistic3A_183 = vector.broadcast %logistic3A_182 : f32 to vector<96x360xf32>
    %logistic3A_184 = arith.addf %logistic3A_183, %logistic3A_181 : vector<96x360xf32>
    %logistic3A_185 = arith.divf %logistic3A_183, %logistic3A_184 : vector<96x360xf32>
    %mul3A_186 = arith.mulf %slice3A_178, %logistic3A_185 : vector<96x360xf32>
    %slice3A_187 = vector.extract_strided_slice %add3A_177 {offsets = [192, 0], sizes = [96, 360], strides = [1, 1]} : vector<288x360xf32> to vector<96x360xf32>
    %add3A_188 = arith.addf %mul3A_186, %slice3A_187 : vector<96x360xf32>
    %max3A_189 = arith.constant 0.000000e+00 : f32
    %max3A_190 = vector.broadcast %max3A_189 : f32 to vector<96x360xf32>
    %max3A_191 = arith.maximumf %add3A_188, %max3A_190 : vector<96x360xf32>
    %concatenate3A_192 = tpu.concatenate %max3A_90, %max3A_102, %max3A_114 in 0 : vector<8x360xf32>, vector<8x360xf32>, vector<8x360xf32> -> vector<24x360xf32>
    %dot_general3A_193 = arith.constant dense<0.000000e+00> : vector<288x360xf32>
    %dot_general3A_194 = tpu.matmul %get3A_28, %concatenate3A_192, %dot_general3A_193 {dimension_numbers = #tpu.dot_dimension_numbers<[1], [0], [0], [1], [0, 0, 1, 1], [], []>, transpose_lhs_hint = false} : vector<288x24xf32>, vector<24x360xf32>, vector<288x360xf32> -> vector<288x360xf32>
    %add3A_195 = vector.broadcast %get3A_31 : vector<288x1xf32> to vector<288x360xf32>
    %add3A_196 = arith.addf %dot_general3A_194, %add3A_195 : vector<288x360xf32>
    %slice3A_197 = vector.extract_strided_slice %add3A_196 {offsets = [0, 0], sizes = [96, 360], strides = [1, 1]} : vector<288x360xf32> to vector<96x360xf32>
    %slice3A_198 = vector.extract_strided_slice %add3A_196 {offsets = [96, 0], sizes = [96, 360], strides = [1, 1]} : vector<288x360xf32> to vector<96x360xf32>
    %logistic3A_199 = arith.negf %slice3A_198 : vector<96x360xf32>
    %logistic3A_200 = math.exp %logistic3A_199 : vector<96x360xf32>
    %logistic3A_201 = arith.constant 1.000000e+00 : f32
    %logistic3A_202 = vector.broadcast %logistic3A_201 : f32 to vector<96x360xf32>
    %logistic3A_203 = arith.addf %logistic3A_202, %logistic3A_200 : vector<96x360xf32>
    %logistic3A_204 = arith.divf %logistic3A_202, %logistic3A_203 : vector<96x360xf32>
    %mul3A_205 = arith.mulf %slice3A_197, %logistic3A_204 : vector<96x360xf32>
    %slice3A_206 = vector.extract_strided_slice %add3A_196 {offsets = [192, 0], sizes = [96, 360], strides = [1, 1]} : vector<288x360xf32> to vector<96x360xf32>
    %add3A_207 = arith.addf %mul3A_205, %slice3A_206 : vector<96x360xf32>
    %max3A_208 = arith.constant 0.000000e+00 : f32
    %max3A_209 = vector.broadcast %max3A_208 : f32 to vector<96x360xf32>
    %max3A_210 = arith.maximumf %add3A_207, %max3A_209 : vector<96x360xf32>
    %concatenate3A_211 = tpu.concatenate %max3A_102, %max3A_114, %max3A_126 in 0 : vector<8x360xf32>, vector<8x360xf32>, vector<8x360xf32> -> vector<24x360xf32>
    %dot_general3A_212 = arith.constant dense<0.000000e+00> : vector<288x360xf32>
    %dot_general3A_213 = tpu.matmul %get3A_28, %concatenate3A_211, %dot_general3A_212 {dimension_numbers = #tpu.dot_dimension_numbers<[1], [0], [0], [1], [0, 0, 1, 1], [], []>, transpose_lhs_hint = false} : vector<288x24xf32>, vector<24x360xf32>, vector<288x360xf32> -> vector<288x360xf32>
    %add3A_214 = vector.broadcast %get3A_31 : vector<288x1xf32> to vector<288x360xf32>
    %add3A_215 = arith.addf %dot_general3A_213, %add3A_214 : vector<288x360xf32>
    %slice3A_216 = vector.extract_strided_slice %add3A_215 {offsets = [0, 0], sizes = [96, 360], strides = [1, 1]} : vector<288x360xf32> to vector<96x360xf32>
    %slice3A_217 = vector.extract_strided_slice %add3A_215 {offsets = [96, 0], sizes = [96, 360], strides = [1, 1]} : vector<288x360xf32> to vector<96x360xf32>
    %logistic3A_218 = arith.negf %slice3A_217 : vector<96x360xf32>
    %logistic3A_219 = math.exp %logistic3A_218 : vector<96x360xf32>
    %logistic3A_220 = arith.constant 1.000000e+00 : f32
    %logistic3A_221 = vector.broadcast %logistic3A_220 : f32 to vector<96x360xf32>
    %logistic3A_222 = arith.addf %logistic3A_221, %logistic3A_219 : vector<96x360xf32>
    %logistic3A_223 = arith.divf %logistic3A_221, %logistic3A_222 : vector<96x360xf32>
    %mul3A_224 = arith.mulf %slice3A_216, %logistic3A_223 : vector<96x360xf32>
    %slice3A_225 = vector.extract_strided_slice %add3A_215 {offsets = [192, 0], sizes = [96, 360], strides = [1, 1]} : vector<288x360xf32> to vector<96x360xf32>
    %add3A_226 = arith.addf %mul3A_224, %slice3A_225 : vector<96x360xf32>
    %max3A_227 = arith.constant 0.000000e+00 : f32
    %max3A_228 = vector.broadcast %max3A_227 : f32 to vector<96x360xf32>
    %max3A_229 = arith.maximumf %add3A_226, %max3A_228 : vector<96x360xf32>
    %concatenate3A_230 = tpu.concatenate %max3A_114, %max3A_126, %max3A_138 in 0 : vector<8x360xf32>, vector<8x360xf32>, vector<8x360xf32> -> vector<24x360xf32>
    %dot_general3A_231 = arith.constant dense<0.000000e+00> : vector<288x360xf32>
    %dot_general3A_232 = tpu.matmul %get3A_28, %concatenate3A_230, %dot_general3A_231 {dimension_numbers = #tpu.dot_dimension_numbers<[1], [0], [0], [1], [0, 0, 1, 1], [], []>, transpose_lhs_hint = false} : vector<288x24xf32>, vector<24x360xf32>, vector<288x360xf32> -> vector<288x360xf32>
    %add3A_233 = vector.broadcast %get3A_31 : vector<288x1xf32> to vector<288x360xf32>
    %add3A_234 = arith.addf %dot_general3A_232, %add3A_233 : vector<288x360xf32>
    %slice3A_235 = vector.extract_strided_slice %add3A_234 {offsets = [0, 0], sizes = [96, 360], strides = [1, 1]} : vector<288x360xf32> to vector<96x360xf32>
    %slice3A_236 = vector.extract_strided_slice %add3A_234 {offsets = [96, 0], sizes = [96, 360], strides = [1, 1]} : vector<288x360xf32> to vector<96x360xf32>
    %logistic3A_237 = arith.negf %slice3A_236 : vector<96x360xf32>
    %logistic3A_238 = math.exp %logistic3A_237 : vector<96x360xf32>
    %logistic3A_239 = arith.constant 1.000000e+00 : f32
    %logistic3A_240 = vector.broadcast %logistic3A_239 : f32 to vector<96x360xf32>
    %logistic3A_241 = arith.addf %logistic3A_240, %logistic3A_238 : vector<96x360xf32>
    %logistic3A_242 = arith.divf %logistic3A_240, %logistic3A_241 : vector<96x360xf32>
    %mul3A_243 = arith.mulf %slice3A_235, %logistic3A_242 : vector<96x360xf32>
    %slice3A_244 = vector.extract_strided_slice %add3A_234 {offsets = [192, 0], sizes = [96, 360], strides = [1, 1]} : vector<288x360xf32> to vector<96x360xf32>
    %add3A_245 = arith.addf %mul3A_243, %slice3A_244 : vector<96x360xf32>
    %max3A_246 = arith.constant 0.000000e+00 : f32
    %max3A_247 = vector.broadcast %max3A_246 : f32 to vector<96x360xf32>
    %max3A_248 = arith.maximumf %add3A_245, %max3A_247 : vector<96x360xf32>
    %concatenate3A_249 = tpu.concatenate %max3A_153, %max3A_172, %max3A_191, %max3A_210, %max3A_229, %max3A_248 in 0 : vector<96x360xf32>, vector<96x360xf32>, vector<96x360xf32>, vector<96x360xf32>, vector<96x360xf32>, vector<96x360xf32> -> vector<576x360xf32>
    %dot_general3A_250 = arith.constant dense<0.000000e+00> : vector<576x360xf32>
    %dot_general3A_251 = tpu.matmul %concatenate3A_249, %get3A_25, %dot_general3A_250 {dimension_numbers = #tpu.dot_dimension_numbers<[1], [1], [0], [0], [0, 0, 1, 0], [], []>, transpose_lhs_hint = false} : vector<576x360xf32>, vector<360x360xf32>, vector<576x360xf32> -> vector<576x360xf32>
    %slice3A_252 = vector.extract_strided_slice %dot_general3A_251 {offsets = [0, 0], sizes = [96, 360], strides = [1, 1]} : vector<576x360xf32> to vector<96x360xf32>
    %concatenate3A_253 = tpu.concatenate %max3A_153, %slice3A_252 in 0 : vector<96x360xf32>, vector<96x360xf32> -> vector<192x360xf32>
    %dot_general3A_254 = arith.constant dense<0.000000e+00> : vector<96x360xf32>
    %dot_general3A_255 = tpu.matmul %get3A_34, %concatenate3A_253, %dot_general3A_254 {dimension_numbers = #tpu.dot_dimension_numbers<[1], [0], [0], [1], [0, 0, 1, 1], [], []>, transpose_lhs_hint = false} : vector<96x192xf32>, vector<192x360xf32>, vector<96x360xf32> -> vector<96x360xf32>
    %add3A_256 = vector.broadcast %get3A_37 : vector<96x1xf32> to vector<96x360xf32>
    %add3A_257 = arith.addf %dot_general3A_255, %add3A_256 : vector<96x360xf32>
    %max3A_258 = arith.constant 0.000000e+00 : f32
    %max3A_259 = vector.broadcast %max3A_258 : f32 to vector<96x360xf32>
    %max3A_260 = arith.maximumf %add3A_257, %max3A_259 : vector<96x360xf32>
    %slice3A_261 = vector.extract_strided_slice %dot_general3A_251 {offsets = [96, 0], sizes = [96, 360], strides = [1, 1]} : vector<576x360xf32> to vector<96x360xf32>
    %concatenate3A_262 = tpu.concatenate %max3A_172, %slice3A_261 in 0 : vector<96x360xf32>, vector<96x360xf32> -> vector<192x360xf32>
    %dot_general3A_263 = arith.constant dense<0.000000e+00> : vector<96x360xf32>
    %dot_general3A_264 = tpu.matmul %get3A_34, %concatenate3A_262, %dot_general3A_263 {dimension_numbers = #tpu.dot_dimension_numbers<[1], [0], [0], [1], [0, 0, 1, 1], [], []>, transpose_lhs_hint = false} : vector<96x192xf32>, vector<192x360xf32>, vector<96x360xf32> -> vector<96x360xf32>
    %add3A_265 = vector.broadcast %get3A_37 : vector<96x1xf32> to vector<96x360xf32>
    %add3A_266 = arith.addf %dot_general3A_264, %add3A_265 : vector<96x360xf32>
    %max3A_267 = arith.constant 0.000000e+00 : f32
    %max3A_268 = vector.broadcast %max3A_267 : f32 to vector<96x360xf32>
    %max3A_269 = arith.maximumf %add3A_266, %max3A_268 : vector<96x360xf32>
    %slice3A_270 = vector.extract_strided_slice %dot_general3A_251 {offsets = [192, 0], sizes = [96, 360], strides = [1, 1]} : vector<576x360xf32> to vector<96x360xf32>
    %concatenate3A_271 = tpu.concatenate %max3A_191, %slice3A_270 in 0 : vector<96x360xf32>, vector<96x360xf32> -> vector<192x360xf32>
    %dot_general3A_272 = arith.constant dense<0.000000e+00> : vector<96x360xf32>
    %dot_general3A_273 = tpu.matmul %get3A_34, %concatenate3A_271, %dot_general3A_272 {dimension_numbers = #tpu.dot_dimension_numbers<[1], [0], [0], [1], [0, 0, 1, 1], [], []>, transpose_lhs_hint = false} : vector<96x192xf32>, vector<192x360xf32>, vector<96x360xf32> -> vector<96x360xf32>
    %add3A_274 = vector.broadcast %get3A_37 : vector<96x1xf32> to vector<96x360xf32>
    %add3A_275 = arith.addf %dot_general3A_273, %add3A_274 : vector<96x360xf32>
    %max3A_276 = arith.constant 0.000000e+00 : f32
    %max3A_277 = vector.broadcast %max3A_276 : f32 to vector<96x360xf32>
    %max3A_278 = arith.maximumf %add3A_275, %max3A_277 : vector<96x360xf32>
    %slice3A_279 = vector.extract_strided_slice %dot_general3A_251 {offsets = [288, 0], sizes = [96, 360], strides = [1, 1]} : vector<576x360xf32> to vector<96x360xf32>
    %concatenate3A_280 = tpu.concatenate %max3A_210, %slice3A_279 in 0 : vector<96x360xf32>, vector<96x360xf32> -> vector<192x360xf32>
    %dot_general3A_281 = arith.constant dense<0.000000e+00> : vector<96x360xf32>
    %dot_general3A_282 = tpu.matmul %get3A_34, %concatenate3A_280, %dot_general3A_281 {dimension_numbers = #tpu.dot_dimension_numbers<[1], [0], [0], [1], [0, 0, 1, 1], [], []>, transpose_lhs_hint = false} : vector<96x192xf32>, vector<192x360xf32>, vector<96x360xf32> -> vector<96x360xf32>
    %add3A_283 = vector.broadcast %get3A_37 : vector<96x1xf32> to vector<96x360xf32>
    %add3A_284 = arith.addf %dot_general3A_282, %add3A_283 : vector<96x360xf32>
    %max3A_285 = arith.constant 0.000000e+00 : f32
    %max3A_286 = vector.broadcast %max3A_285 : f32 to vector<96x360xf32>
    %max3A_287 = arith.maximumf %add3A_284, %max3A_286 : vector<96x360xf32>
    %slice3A_288 = vector.extract_strided_slice %dot_general3A_251 {offsets = [384, 0], sizes = [96, 360], strides = [1, 1]} : vector<576x360xf32> to vector<96x360xf32>
    %concatenate3A_289 = tpu.concatenate %max3A_229, %slice3A_288 in 0 : vector<96x360xf32>, vector<96x360xf32> -> vector<192x360xf32>
    %dot_general3A_290 = arith.constant dense<0.000000e+00> : vector<96x360xf32>
    %dot_general3A_291 = tpu.matmul %get3A_34, %concatenate3A_289, %dot_general3A_290 {dimension_numbers = #tpu.dot_dimension_numbers<[1], [0], [0], [1], [0, 0, 1, 1], [], []>, transpose_lhs_hint = false} : vector<96x192xf32>, vector<192x360xf32>, vector<96x360xf32> -> vector<96x360xf32>
    %add3A_292 = vector.broadcast %get3A_37 : vector<96x1xf32> to vector<96x360xf32>
    %add3A_293 = arith.addf %dot_general3A_291, %add3A_292 : vector<96x360xf32>
    %max3A_294 = arith.constant 0.000000e+00 : f32
    %max3A_295 = vector.broadcast %max3A_294 : f32 to vector<96x360xf32>
    %max3A_296 = arith.maximumf %add3A_293, %max3A_295 : vector<96x360xf32>
    %slice3A_297 = vector.extract_strided_slice %dot_general3A_251 {offsets = [480, 0], sizes = [96, 360], strides = [1, 1]} : vector<576x360xf32> to vector<96x360xf32>
    %concatenate3A_298 = tpu.concatenate %max3A_248, %slice3A_297 in 0 : vector<96x360xf32>, vector<96x360xf32> -> vector<192x360xf32>
    %dot_general3A_299 = arith.constant dense<0.000000e+00> : vector<96x360xf32>
    %dot_general3A_300 = tpu.matmul %get3A_34, %concatenate3A_298, %dot_general3A_299 {dimension_numbers = #tpu.dot_dimension_numbers<[1], [0], [0], [1], [0, 0, 1, 1], [], []>, transpose_lhs_hint = false} : vector<96x192xf32>, vector<192x360xf32>, vector<96x360xf32> -> vector<96x360xf32>
    %add3A_301 = vector.broadcast %get3A_37 : vector<96x1xf32> to vector<96x360xf32>
    %add3A_302 = arith.addf %dot_general3A_300, %add3A_301 : vector<96x360xf32>
    %max3A_303 = arith.constant 0.000000e+00 : f32
    %max3A_304 = vector.broadcast %max3A_303 : f32 to vector<96x360xf32>
    %max3A_305 = arith.maximumf %add3A_302, %max3A_304 : vector<96x360xf32>
    %concatenate3A_306 = tpu.concatenate %max3A_260, %max3A_269, %max3A_278 in 0 : vector<96x360xf32>, vector<96x360xf32>, vector<96x360xf32> -> vector<288x360xf32>
    %dot_general3A_307 = arith.constant dense<0.000000e+00> : vector<24x360xf32>
    %dot_general3A_308 = tpu.matmul %get3A_40, %concatenate3A_306, %dot_general3A_307 {dimension_numbers = #tpu.dot_dimension_numbers<[1], [0], [0], [1], [0, 0, 1, 1], [], []>, transpose_lhs_hint = false} : vector<24x288xf32>, vector<288x360xf32>, vector<24x360xf32> -> vector<24x360xf32>
    %add3A_309 = vector.broadcast %get3A_43 : vector<24x1xf32> to vector<24x360xf32>
    %add3A_310 = arith.addf %dot_general3A_308, %add3A_309 : vector<24x360xf32>
    %slice3A_311 = vector.extract_strided_slice %add3A_310 {offsets = [0, 0], sizes = [8, 360], strides = [1, 1]} : vector<24x360xf32> to vector<8x360xf32>
    %slice3A_312 = vector.extract_strided_slice %add3A_310 {offsets = [8, 0], sizes = [8, 360], strides = [1, 1]} : vector<24x360xf32> to vector<8x360xf32>
    %logistic3A_313 = arith.negf %slice3A_312 : vector<8x360xf32>
    %logistic3A_314 = math.exp %logistic3A_313 : vector<8x360xf32>
    %logistic3A_315 = arith.constant 1.000000e+00 : f32
    %logistic3A_316 = vector.broadcast %logistic3A_315 : f32 to vector<8x360xf32>
    %logistic3A_317 = arith.addf %logistic3A_316, %logistic3A_314 : vector<8x360xf32>
    %logistic3A_318 = arith.divf %logistic3A_316, %logistic3A_317 : vector<8x360xf32>
    %mul3A_319 = arith.mulf %slice3A_311, %logistic3A_318 : vector<8x360xf32>
    %slice3A_320 = vector.extract_strided_slice %add3A_310 {offsets = [16, 0], sizes = [8, 360], strides = [1, 1]} : vector<24x360xf32> to vector<8x360xf32>
    %add3A_321 = arith.addf %mul3A_319, %slice3A_320 : vector<8x360xf32>
    %max3A_322 = arith.constant 0.000000e+00 : f32
    %max3A_323 = vector.broadcast %max3A_322 : f32 to vector<8x360xf32>
    %max3A_324 = arith.maximumf %add3A_321, %max3A_323 : vector<8x360xf32>
    %concatenate3A_325 = tpu.concatenate %max3A_269, %max3A_278, %max3A_287 in 0 : vector<96x360xf32>, vector<96x360xf32>, vector<96x360xf32> -> vector<288x360xf32>
    %dot_general3A_326 = arith.constant dense<0.000000e+00> : vector<24x360xf32>
    %dot_general3A_327 = tpu.matmul %get3A_40, %concatenate3A_325, %dot_general3A_326 {dimension_numbers = #tpu.dot_dimension_numbers<[1], [0], [0], [1], [0, 0, 1, 1], [], []>, transpose_lhs_hint = false} : vector<24x288xf32>, vector<288x360xf32>, vector<24x360xf32> -> vector<24x360xf32>
    %add3A_328 = vector.broadcast %get3A_43 : vector<24x1xf32> to vector<24x360xf32>
    %add3A_329 = arith.addf %dot_general3A_327, %add3A_328 : vector<24x360xf32>
    %slice3A_330 = vector.extract_strided_slice %add3A_329 {offsets = [0, 0], sizes = [8, 360], strides = [1, 1]} : vector<24x360xf32> to vector<8x360xf32>
    %slice3A_331 = vector.extract_strided_slice %add3A_329 {offsets = [8, 0], sizes = [8, 360], strides = [1, 1]} : vector<24x360xf32> to vector<8x360xf32>
    %logistic3A_332 = arith.negf %slice3A_331 : vector<8x360xf32>
    %logistic3A_333 = math.exp %logistic3A_332 : vector<8x360xf32>
    %logistic3A_334 = arith.constant 1.000000e+00 : f32
    %logistic3A_335 = vector.broadcast %logistic3A_334 : f32 to vector<8x360xf32>
    %logistic3A_336 = arith.addf %logistic3A_335, %logistic3A_333 : vector<8x360xf32>
    %logistic3A_337 = arith.divf %logistic3A_335, %logistic3A_336 : vector<8x360xf32>
    %mul3A_338 = arith.mulf %slice3A_330, %logistic3A_337 : vector<8x360xf32>
    %slice3A_339 = vector.extract_strided_slice %add3A_329 {offsets = [16, 0], sizes = [8, 360], strides = [1, 1]} : vector<24x360xf32> to vector<8x360xf32>
    %add3A_340 = arith.addf %mul3A_338, %slice3A_339 : vector<8x360xf32>
    %max3A_341 = arith.constant 0.000000e+00 : f32
    %max3A_342 = vector.broadcast %max3A_341 : f32 to vector<8x360xf32>
    %max3A_343 = arith.maximumf %add3A_340, %max3A_342 : vector<8x360xf32>
    %concatenate3A_344 = tpu.concatenate %max3A_278, %max3A_287, %max3A_296 in 0 : vector<96x360xf32>, vector<96x360xf32>, vector<96x360xf32> -> vector<288x360xf32>
    %dot_general3A_345 = arith.constant dense<0.000000e+00> : vector<24x360xf32>
    %dot_general3A_346 = tpu.matmul %get3A_40, %concatenate3A_344, %dot_general3A_345 {dimension_numbers = #tpu.dot_dimension_numbers<[1], [0], [0], [1], [0, 0, 1, 1], [], []>, transpose_lhs_hint = false} : vector<24x288xf32>, vector<288x360xf32>, vector<24x360xf32> -> vector<24x360xf32>
    %add3A_347 = vector.broadcast %get3A_43 : vector<24x1xf32> to vector<24x360xf32>
    %add3A_348 = arith.addf %dot_general3A_346, %add3A_347 : vector<24x360xf32>
    %slice3A_349 = vector.extract_strided_slice %add3A_348 {offsets = [0, 0], sizes = [8, 360], strides = [1, 1]} : vector<24x360xf32> to vector<8x360xf32>
    %slice3A_350 = vector.extract_strided_slice %add3A_348 {offsets = [8, 0], sizes = [8, 360], strides = [1, 1]} : vector<24x360xf32> to vector<8x360xf32>
    %logistic3A_351 = arith.negf %slice3A_350 : vector<8x360xf32>
    %logistic3A_352 = math.exp %logistic3A_351 : vector<8x360xf32>
    %logistic3A_353 = arith.constant 1.000000e+00 : f32
    %logistic3A_354 = vector.broadcast %logistic3A_353 : f32 to vector<8x360xf32>
    %logistic3A_355 = arith.addf %logistic3A_354, %logistic3A_352 : vector<8x360xf32>
    %logistic3A_356 = arith.divf %logistic3A_354, %logistic3A_355 : vector<8x360xf32>
    %mul3A_357 = arith.mulf %slice3A_349, %logistic3A_356 : vector<8x360xf32>
    %slice3A_358 = vector.extract_strided_slice %add3A_348 {offsets = [16, 0], sizes = [8, 360], strides = [1, 1]} : vector<24x360xf32> to vector<8x360xf32>
    %add3A_359 = arith.addf %mul3A_357, %slice3A_358 : vector<8x360xf32>
    %max3A_360 = arith.constant 0.000000e+00 : f32
    %max3A_361 = vector.broadcast %max3A_360 : f32 to vector<8x360xf32>
    %max3A_362 = arith.maximumf %add3A_359, %max3A_361 : vector<8x360xf32>
    %concatenate3A_363 = tpu.concatenate %max3A_287, %max3A_296, %max3A_305 in 0 : vector<96x360xf32>, vector<96x360xf32>, vector<96x360xf32> -> vector<288x360xf32>
    %dot_general3A_364 = arith.constant dense<0.000000e+00> : vector<24x360xf32>
    %dot_general3A_365 = tpu.matmul %get3A_40, %concatenate3A_363, %dot_general3A_364 {dimension_numbers = #tpu.dot_dimension_numbers<[1], [0], [0], [1], [0, 0, 1, 1], [], []>, transpose_lhs_hint = false} : vector<24x288xf32>, vector<288x360xf32>, vector<24x360xf32> -> vector<24x360xf32>
    %add3A_366 = vector.broadcast %get3A_43 : vector<24x1xf32> to vector<24x360xf32>
    %add3A_367 = arith.addf %dot_general3A_365, %add3A_366 : vector<24x360xf32>
    %slice3A_368 = vector.extract_strided_slice %add3A_367 {offsets = [0, 0], sizes = [8, 360], strides = [1, 1]} : vector<24x360xf32> to vector<8x360xf32>
    %slice3A_369 = vector.extract_strided_slice %add3A_367 {offsets = [8, 0], sizes = [8, 360], strides = [1, 1]} : vector<24x360xf32> to vector<8x360xf32>
    %logistic3A_370 = arith.negf %slice3A_369 : vector<8x360xf32>
    %logistic3A_371 = math.exp %logistic3A_370 : vector<8x360xf32>
    %logistic3A_372 = arith.constant 1.000000e+00 : f32
    %logistic3A_373 = vector.broadcast %logistic3A_372 : f32 to vector<8x360xf32>
    %logistic3A_374 = arith.addf %logistic3A_373, %logistic3A_371 : vector<8x360xf32>
    %logistic3A_375 = arith.divf %logistic3A_373, %logistic3A_374 : vector<8x360xf32>
    %mul3A_376 = arith.mulf %slice3A_368, %logistic3A_375 : vector<8x360xf32>
    %slice3A_377 = vector.extract_strided_slice %add3A_367 {offsets = [16, 0], sizes = [8, 360], strides = [1, 1]} : vector<24x360xf32> to vector<8x360xf32>
    %add3A_378 = arith.addf %mul3A_376, %slice3A_377 : vector<8x360xf32>
    %max3A_379 = arith.constant 0.000000e+00 : f32
    %max3A_380 = vector.broadcast %max3A_379 : f32 to vector<8x360xf32>
    %max3A_381 = arith.maximumf %add3A_378, %max3A_380 : vector<8x360xf32>
    %swap3A = arith.constant 0 : index
    %swap3A_382 = arith.constant 0 : index
    %swap3A_383 = arith.constant 0 : index
    %swap3A_384 = vector.load %arg12[%swap3A, %swap3A_382, %swap3A_383] : memref<4x8x360xf32, #tpu.memory_space<vmem>>, vector<1x8x360xf32>
    %swap3A_385 = vector.shape_cast %swap3A_384 : vector<1x8x360xf32> to vector<8x360xf32>
    %swap3A_386 = vector.shape_cast %max3A_324 : vector<8x360xf32> to vector<1x8x360xf32>
    tpu.vector_store %arg12[%swap3A, %swap3A_382, %swap3A_383], %swap3A_386 {strides = array<i32>} : memref<4x8x360xf32, #tpu.memory_space<vmem>>, vector<1x8x360xf32>,
    %reduce_sum3A = arith.constant dense<0.000000e+00> : vector<360xf32>
    %reduce_sum3A_387 = vector.multi_reduction <add>, %max3A_324, %reduce_sum3A [0] : vector<8x360xf32> to vector<360xf32>
    %mul3A_388 = arith.mulf %max3A_324, %max3A_324 : vector<8x360xf32>
    %reduce_sum3A_389 = arith.constant dense<0.000000e+00> : vector<360xf32>
    %reduce_sum3A_390 = vector.multi_reduction <add>, %mul3A_388, %reduce_sum3A_389 [0] : vector<8x360xf32> to vector<360xf32>
    %swap3A_391 = arith.constant 1 : index
    %swap3A_392 = arith.constant 0 : index
    %swap3A_393 = arith.constant 0 : index
    %swap3A_394 = vector.load %arg12[%swap3A_391, %swap3A_392, %swap3A_393] : memref<4x8x360xf32, #tpu.memory_space<vmem>>, vector<1x8x360xf32>
    %swap3A_395 = vector.shape_cast %swap3A_394 : vector<1x8x360xf32> to vector<8x360xf32>
    %swap3A_396 = vector.shape_cast %max3A_343 : vector<8x360xf32> to vector<1x8x360xf32>
    tpu.vector_store %arg12[%swap3A_391, %swap3A_392, %swap3A_393], %swap3A_396 {strides = array<i32>} : memref<4x8x360xf32, #tpu.memory_space<vmem>>, vector<1x8x360xf32>,
    %reduce_sum3A_397 = arith.constant dense<0.000000e+00> : vector<360xf32>
    %reduce_sum3A_398 = vector.multi_reduction <add>, %max3A_343, %reduce_sum3A_397 [0] : vector<8x360xf32> to vector<360xf32>
    %mul3A_399 = arith.mulf %max3A_343, %max3A_343 : vector<8x360xf32>
    %reduce_sum3A_400 = arith.constant dense<0.000000e+00> : vector<360xf32>
    %reduce_sum3A_401 = vector.multi_reduction <add>, %mul3A_399, %reduce_sum3A_400 [0] : vector<8x360xf32> to vector<360xf32>
    %add3A_402 = arith.addf %reduce_sum3A_387, %reduce_sum3A_398 : vector<360xf32>
    %add3A_403 = arith.addf %reduce_sum3A_390, %reduce_sum3A_401 : vector<360xf32>
    %swap3A_404 = arith.constant 2 : index
    %swap3A_405 = arith.constant 0 : index
    %swap3A_406 = arith.constant 0 : index
    %swap3A_407 = vector.load %arg12[%swap3A_404, %swap3A_405, %swap3A_406] : memref<4x8x360xf32, #tpu.memory_space<vmem>>, vector<1x8x360xf32>
    %swap3A_408 = vector.shape_cast %swap3A_407 : vector<1x8x360xf32> to vector<8x360xf32>
    %swap3A_409 = vector.shape_cast %max3A_362 : vector<8x360xf32> to vector<1x8x360xf32>
    tpu.vector_store %arg12[%swap3A_404, %swap3A_405, %swap3A_406], %swap3A_409 {strides = array<i32>} : memref<4x8x360xf32, #tpu.memory_space<vmem>>, vector<1x8x360xf32>,
    %reduce_sum3A_410 = arith.constant dense<0.000000e+00> : vector<360xf32>
    %reduce_sum3A_411 = vector.multi_reduction <add>, %max3A_362, %reduce_sum3A_410 [0] : vector<8x360xf32> to vector<360xf32>
    %mul3A_412 = arith.mulf %max3A_362, %max3A_362 : vector<8x360xf32>
    %reduce_sum3A_413 = arith.constant dense<0.000000e+00> : vector<360xf32>
    %reduce_sum3A_414 = vector.multi_reduction <add>, %mul3A_412, %reduce_sum3A_413 [0] : vector<8x360xf32> to vector<360xf32>
    %add3A_415 = arith.addf %add3A_402, %reduce_sum3A_411 : vector<360xf32>
    %add3A_416 = arith.addf %add3A_403, %reduce_sum3A_414 : vector<360xf32>
    %swap3A_417 = arith.constant 3 : index
    %swap3A_418 = arith.constant 0 : index
    %swap3A_419 = arith.constant 0 : index
    %swap3A_420 = vector.load %arg12[%swap3A_417, %swap3A_418, %swap3A_419] : memref<4x8x360xf32, #tpu.memory_space<vmem>>, vector<1x8x360xf32>
    %swap3A_421 = vector.shape_cast %swap3A_420 : vector<1x8x360xf32> to vector<8x360xf32>
    %swap3A_422 = vector.shape_cast %max3A_381 : vector<8x360xf32> to vector<1x8x360xf32>
    tpu.vector_store %arg12[%swap3A_417, %swap3A_418, %swap3A_419], %swap3A_422 {strides = array<i32>} : memref<4x8x360xf32, #tpu.memory_space<vmem>>, vector<1x8x360xf32>,
    %reduce_sum3A_423 = arith.constant dense<0.000000e+00> : vector<360xf32>
    %reduce_sum3A_424 = vector.multi_reduction <add>, %max3A_381, %reduce_sum3A_423 [0] : vector<8x360xf32> to vector<360xf32>
    %mul3A_425 = arith.mulf %max3A_381, %max3A_381 : vector<8x360xf32>
    %reduce_sum3A_426 = arith.constant dense<0.000000e+00> : vector<360xf32>
    %reduce_sum3A_427 = vector.multi_reduction <add>, %mul3A_425, %reduce_sum3A_426 [0] : vector<8x360xf32> to vector<360xf32>
    %add3A_428 = arith.addf %add3A_415, %reduce_sum3A_424 : vector<360xf32>
    %add3A_429 = arith.addf %add3A_416, %reduce_sum3A_427 : vector<360xf32>
    %get3A_430 = arith.constant 0 : index
    %get3A_431 = arith.constant 0 : index
    %get3A_432 = vector.load %arg13[%get3A_430, %get3A_431] : memref<2x360xf32, #tpu.memory_space<vmem>>, vector<2x360xf32>
    %stack3A = vector.shape_cast %add3A_428 : vector<360xf32> to vector<1x360xf32>
    %stack3A_433 = vector.shape_cast %add3A_429 : vector<360xf32> to vector<1x360xf32>
    %stack3A_434 = tpu.concatenate %stack3A, %stack3A_433 in 0 : vector<1x360xf32>, vector<1x360xf32> -> vector<2x360xf32>
    %add3A_435 = arith.addf %get3A_432, %stack3A_434 : vector<2x360xf32>
    %swap3A_436 = arith.constant 0 : index
    %swap3A_437 = arith.constant 0 : index
    %swap3A_438 = vector.load %arg13[%swap3A_436, %swap3A_437] : memref<2x360xf32, #tpu.memory_space<vmem>>, vector<2x360xf32>
    tpu.vector_store %arg13[%swap3A_436, %swap3A_437], %add3A_435 {strides = array<i32>} : memref<2x360xf32, #tpu.memory_space<vmem>>, vector<2x360xf32>,
    return
  }
  func.func @transform_0(%arg0: i32) -> (i32, i32, i32) {
    %c0_i32 = arith.constant 0 : i32
    %c0_i32_0 = arith.constant 0 : i32
    %c0_i32_1 = arith.constant 0 : i32
    return %c0_i32, %arg0, %c0_i32_0 : i32, i32, i32
  }
  func.func @transform_1(%arg0: i32) -> (i32, i32) {
    %c0_i32 = arith.constant 0 : i32
    %c0_i32_0 = arith.constant 0 : i32
    %c0_i32_1 = arith.constant 0 : i32
    return %c0_i32, %c0_i32_0 : i32, i32
  }
  func.func @transform_2(%arg0: i32) -> (i32, i32) {
    %c0_i32 = arith.constant 0 : i32
    %c0_i32_0 = arith.constant 0 : i32
    %c0_i32_1 = arith.constant 0 : i32
    return %c0_i32, %c0_i32_0 : i32, i32
  }
  func.func @transform_3(%arg0: i32) -> (i32, i32) {
    %c0_i32 = arith.constant 0 : i32
    %c0_i32_0 = arith.constant 0 : i32
    %c0_i32_1 = arith.constant 0 : i32
    return %c0_i32, %c0_i32_0 : i32, i32
  }
  func.func @transform_4(%arg0: i32) -> (i32, i32) {
    %c0_i32 = arith.constant 0 : i32
    %c0_i32_0 = arith.constant 0 : i32
    %c0_i32_1 = arith.constant 0 : i32
    return %c0_i32, %c0_i32_0 : i32, i32
  }
  func.func @transform_5(%arg0: i32) -> (i32, i32) {
    %c0_i32 = arith.constant 0 : i32
    %c0_i32_0 = arith.constant 0 : i32
    %c0_i32_1 = arith.constant 0 : i32
    return %c0_i32, %c0_i32_0 : i32, i32
  }
  func.func @transform_6(%arg0: i32) -> (i32, i32) {
    %c0_i32 = arith.constant 0 : i32
    %c0_i32_0 = arith.constant 0 : i32
    %c0_i32_1 = arith.constant 0 : i32
    return %c0_i32, %c0_i32_0 : i32, i32
  }
  func.func @transform_7(%arg0: i32) -> (i32, i32) {
    %c0_i32 = arith.constant 0 : i32
    %c0_i32_0 = arith.constant 0 : i32
    %c0_i32_1 = arith.constant 0 : i32
    return %c0_i32, %c0_i32_0 : i32, i32
  }
  func.func @transform_8(%arg0: i32) -> (i32, i32) {
    %c0_i32 = arith.constant 0 : i32
    %c0_i32_0 = arith.constant 0 : i32
    %c0_i32_1 = arith.constant 0 : i32
    return %c0_i32, %c0_i32_0 : i32, i32
  }
  func.func @transform_9(%arg0: i32) -> (i32, i32) {
    %c0_i32 = arith.constant 0 : i32
    %c0_i32_0 = arith.constant 0 : i32
    %c0_i32_1 = arith.constant 0 : i32
    return %c0_i32, %c0_i32_0 : i32, i32
  }
  func.func @transform_10(%arg0: i32) -> (i32, i32) {
    %c0_i32 = arith.constant 0 : i32
    %c0_i32_0 = arith.constant 0 : i32
    %c0_i32_1 = arith.constant 0 : i32
    return %c0_i32, %c0_i32_0 : i32, i32
  }
  func.func @transform_11(%arg0: i32) -> (i32, i32, i32) {
    %c0_i32 = arith.constant 0 : i32
    %c0_i32_0 = arith.constant 0 : i32
    %c0_i32_1 = arith.constant 0 : i32
    return %c0_i32, %arg0, %c0_i32_0 : i32, i32, i32
  }
  func.func @transform_12(%arg0: i32) -> (i32, i32) {
    %c0_i32 = arith.constant 0 : i32
    %c0_i32_0 = arith.constant 0 : i32
    %c0_i32_1 = arith.constant 0 : i32
    return %c0_i32, %c0_i32_0 : i32, i32
  }
}

module attributes {stable_mosaic.version = 14 : i64} {
  func.func @_body_r1(%arg0: i32, %arg1: memref<12x8x360xf32, #tpu.memory_space<vmem>>, %arg2: memref<360x360xf32, #tpu.memory_space<vmem>>, %arg3: memref<288x24xf32, #tpu.memory_space<vmem>>, %arg4: memref<288x1xf32, #tpu.memory_space<vmem>>, %arg5: memref<96x192xf32, #tpu.memory_space<vmem>>, %arg6: memref<96x1xf32, #tpu.memory_space<vmem>>, %arg7: memref<24x288xf32, #tpu.memory_space<vmem>>, %arg8: memref<24x1xf32, #tpu.memory_space<vmem>>, %arg9: memref<8x8x360xf32, #tpu.memory_space<vmem>>, %arg10: memref<2x360xf32, #tpu.memory_space<vmem>>) attributes {dimension_semantics = [#tpu.dimension_semantics<arbitrary>], iteration_bounds = array<i64: 64>, scalar_prefetch = 0 : i64, scratch_operands = 0 : i64, tpu.core_type = #tpu.core_type<tc>, window_params = [{transform_indices = @transform_0, window_bounds = array<i64: 12, 8, 360>}, {pipeline_mode = #tpu.pipeline_mode<synchronous>, transform_indices = @transform_1, window_bounds = array<i64: 360, 360>}, {pipeline_mode = #tpu.pipeline_mode<synchronous>, transform_indices = @transform_2, window_bounds = array<i64: 288, 24>}, {pipeline_mode = #tpu.pipeline_mode<synchronous>, transform_indices = @transform_3, window_bounds = array<i64: 288, 1>}, {pipeline_mode = #tpu.pipeline_mode<synchronous>, transform_indices = @transform_4, window_bounds = array<i64: 96, 192>}, {pipeline_mode = #tpu.pipeline_mode<synchronous>, transform_indices = @transform_5, window_bounds = array<i64: 96, 1>}, {pipeline_mode = #tpu.pipeline_mode<synchronous>, transform_indices = @transform_6, window_bounds = array<i64: 24, 288>}, {pipeline_mode = #tpu.pipeline_mode<synchronous>, transform_indices = @transform_7, window_bounds = array<i64: 24, 1>}, {transform_indices = @transform_8, window_bounds = array<i64: 8, 8, 360>}, {pipeline_mode = #tpu.pipeline_mode<synchronous>, transform_indices = @transform_9, window_bounds = array<i64: 2, 360>}]} {
    %eq3A = arith.constant 0 : i32
    %eq3A_0 = arith.cmpi eq, %arg0, %eq3A : i32
    %convert_element_type3A = arith.extui %eq3A_0 : i1 to i32
    %cond3A = arith.constant 0 : i32
    %cond3A_1 = arith.cmpi ne, %convert_element_type3A, %cond3A : i32
    scf.if %cond3A_1 {
      %broadcast_in_dim3A = arith.constant 0.000000e+00 : f32
      %broadcast_in_dim3A_619 = vector.broadcast %broadcast_in_dim3A : f32 to vector<2x360xf32>
      %swap3A_620 = arith.constant 0 : index
      %swap3A_621 = arith.constant 0 : index
      %swap3A_622 = vector.load %arg10[%swap3A_620, %swap3A_621] : memref<2x360xf32, #tpu.memory_space<vmem>>, vector<2x360xf32>
      tpu.vector_store %arg10[%swap3A_620, %swap3A_621], %broadcast_in_dim3A_619 {strides = array<i32>} : memref<2x360xf32, #tpu.memory_space<vmem>>, vector<2x360xf32>,
    } else {
    }
    %get3A = arith.constant 0 : index
    %get3A_2 = arith.constant 0 : index
    %get3A_3 = vector.load %arg2[%get3A, %get3A_2] : memref<360x360xf32, #tpu.memory_space<vmem>>, vector<360x360xf32>
    %get3A_4 = arith.constant 0 : index
    %get3A_5 = arith.constant 0 : index
    %get3A_6 = vector.load %arg3[%get3A_4, %get3A_5] : memref<288x24xf32, #tpu.memory_space<vmem>>, vector<288x24xf32>
    %get3A_7 = arith.constant 0 : index
    %get3A_8 = arith.constant 0 : index
    %get3A_9 = vector.load %arg4[%get3A_7, %get3A_8] : memref<288x1xf32, #tpu.memory_space<vmem>>, vector<288x1xf32>
    %get3A_10 = arith.constant 0 : index
    %get3A_11 = arith.constant 0 : index
    %get3A_12 = vector.load %arg5[%get3A_10, %get3A_11] : memref<96x192xf32, #tpu.memory_space<vmem>>, vector<96x192xf32>
    %get3A_13 = arith.constant 0 : index
    %get3A_14 = arith.constant 0 : index
    %get3A_15 = vector.load %arg6[%get3A_13, %get3A_14] : memref<96x1xf32, #tpu.memory_space<vmem>>, vector<96x1xf32>
    %get3A_16 = arith.constant 0 : index
    %get3A_17 = arith.constant 0 : index
    %get3A_18 = vector.load %arg7[%get3A_16, %get3A_17] : memref<24x288xf32, #tpu.memory_space<vmem>>, vector<24x288xf32>
    %get3A_19 = arith.constant 0 : index
    %get3A_20 = arith.constant 0 : index
    %get3A_21 = vector.load %arg8[%get3A_19, %get3A_20] : memref<24x1xf32, #tpu.memory_space<vmem>>, vector<24x1xf32>
    %get3A_22 = arith.constant 0 : index
    %get3A_23 = arith.constant 0 : index
    %get3A_24 = arith.constant 0 : index
    %get3A_25 = vector.load %arg1[%get3A_22, %get3A_23, %get3A_24] : memref<12x8x360xf32, #tpu.memory_space<vmem>>, vector<1x8x360xf32>
    %get3A_26 = vector.shape_cast %get3A_25 : vector<1x8x360xf32> to vector<8x360xf32>
    %get3A_27 = arith.constant 1 : index
    %get3A_28 = arith.constant 0 : index
    %get3A_29 = arith.constant 0 : index
    %get3A_30 = vector.load %arg1[%get3A_27, %get3A_28, %get3A_29] : memref<12x8x360xf32, #tpu.memory_space<vmem>>, vector<1x8x360xf32>
    %get3A_31 = vector.shape_cast %get3A_30 : vector<1x8x360xf32> to vector<8x360xf32>
    %get3A_32 = arith.constant 2 : index
    %get3A_33 = arith.constant 0 : index
    %get3A_34 = arith.constant 0 : index
    %get3A_35 = vector.load %arg1[%get3A_32, %get3A_33, %get3A_34] : memref<12x8x360xf32, #tpu.memory_space<vmem>>, vector<1x8x360xf32>
    %get3A_36 = vector.shape_cast %get3A_35 : vector<1x8x360xf32> to vector<8x360xf32>
    %get3A_37 = arith.constant 3 : index
    %get3A_38 = arith.constant 0 : index
    %get3A_39 = arith.constant 0 : index
    %get3A_40 = vector.load %arg1[%get3A_37, %get3A_38, %get3A_39] : memref<12x8x360xf32, #tpu.memory_space<vmem>>, vector<1x8x360xf32>
    %get3A_41 = vector.shape_cast %get3A_40 : vector<1x8x360xf32> to vector<8x360xf32>
    %get3A_42 = arith.constant 4 : index
    %get3A_43 = arith.constant 0 : index
    %get3A_44 = arith.constant 0 : index
    %get3A_45 = vector.load %arg1[%get3A_42, %get3A_43, %get3A_44] : memref<12x8x360xf32, #tpu.memory_space<vmem>>, vector<1x8x360xf32>
    %get3A_46 = vector.shape_cast %get3A_45 : vector<1x8x360xf32> to vector<8x360xf32>
    %get3A_47 = arith.constant 5 : index
    %get3A_48 = arith.constant 0 : index
    %get3A_49 = arith.constant 0 : index
    %get3A_50 = vector.load %arg1[%get3A_47, %get3A_48, %get3A_49] : memref<12x8x360xf32, #tpu.memory_space<vmem>>, vector<1x8x360xf32>
    %get3A_51 = vector.shape_cast %get3A_50 : vector<1x8x360xf32> to vector<8x360xf32>
    %get3A_52 = arith.constant 6 : index
    %get3A_53 = arith.constant 0 : index
    %get3A_54 = arith.constant 0 : index
    %get3A_55 = vector.load %arg1[%get3A_52, %get3A_53, %get3A_54] : memref<12x8x360xf32, #tpu.memory_space<vmem>>, vector<1x8x360xf32>
    %get3A_56 = vector.shape_cast %get3A_55 : vector<1x8x360xf32> to vector<8x360xf32>
    %get3A_57 = arith.constant 7 : index
    %get3A_58 = arith.constant 0 : index
    %get3A_59 = arith.constant 0 : index
    %get3A_60 = vector.load %arg1[%get3A_57, %get3A_58, %get3A_59] : memref<12x8x360xf32, #tpu.memory_space<vmem>>, vector<1x8x360xf32>
    %get3A_61 = vector.shape_cast %get3A_60 : vector<1x8x360xf32> to vector<8x360xf32>
    %get3A_62 = arith.constant 8 : index
    %get3A_63 = arith.constant 0 : index
    %get3A_64 = arith.constant 0 : index
    %get3A_65 = vector.load %arg1[%get3A_62, %get3A_63, %get3A_64] : memref<12x8x360xf32, #tpu.memory_space<vmem>>, vector<1x8x360xf32>
    %get3A_66 = vector.shape_cast %get3A_65 : vector<1x8x360xf32> to vector<8x360xf32>
    %get3A_67 = arith.constant 9 : index
    %get3A_68 = arith.constant 0 : index
    %get3A_69 = arith.constant 0 : index
    %get3A_70 = vector.load %arg1[%get3A_67, %get3A_68, %get3A_69] : memref<12x8x360xf32, #tpu.memory_space<vmem>>, vector<1x8x360xf32>
    %get3A_71 = vector.shape_cast %get3A_70 : vector<1x8x360xf32> to vector<8x360xf32>
    %get3A_72 = arith.constant 10 : index
    %get3A_73 = arith.constant 0 : index
    %get3A_74 = arith.constant 0 : index
    %get3A_75 = vector.load %arg1[%get3A_72, %get3A_73, %get3A_74] : memref<12x8x360xf32, #tpu.memory_space<vmem>>, vector<1x8x360xf32>
    %get3A_76 = vector.shape_cast %get3A_75 : vector<1x8x360xf32> to vector<8x360xf32>
    %get3A_77 = arith.constant 11 : index
    %get3A_78 = arith.constant 0 : index
    %get3A_79 = arith.constant 0 : index
    %get3A_80 = vector.load %arg1[%get3A_77, %get3A_78, %get3A_79] : memref<12x8x360xf32, #tpu.memory_space<vmem>>, vector<1x8x360xf32>
    %get3A_81 = vector.shape_cast %get3A_80 : vector<1x8x360xf32> to vector<8x360xf32>
    %concatenate3A = tpu.concatenate %get3A_26, %get3A_31, %get3A_36 in 0 : vector<8x360xf32>, vector<8x360xf32>, vector<8x360xf32> -> vector<24x360xf32>
    %dot_general3A = arith.constant dense<0.000000e+00> : vector<288x360xf32>
    %dot_general3A_82 = tpu.matmul %get3A_6, %concatenate3A, %dot_general3A {dimension_numbers = #tpu.dot_dimension_numbers<[1], [0], [0], [1], [0, 0, 1, 1], [], []>, transpose_lhs_hint = false} : vector<288x24xf32>, vector<24x360xf32>, vector<288x360xf32> -> vector<288x360xf32>
    %add3A = vector.broadcast %get3A_9 : vector<288x1xf32> to vector<288x360xf32>
    %add3A_83 = arith.addf %dot_general3A_82, %add3A : vector<288x360xf32>
    %slice3A = vector.extract_strided_slice %add3A_83 {offsets = [0, 0], sizes = [96, 360], strides = [1, 1]} : vector<288x360xf32> to vector<96x360xf32>
    %slice3A_84 = vector.extract_strided_slice %add3A_83 {offsets = [96, 0], sizes = [96, 360], strides = [1, 1]} : vector<288x360xf32> to vector<96x360xf32>
    %logistic3A = arith.negf %slice3A_84 : vector<96x360xf32>
    %logistic3A_85 = math.exp %logistic3A : vector<96x360xf32>
    %logistic3A_86 = arith.constant 1.000000e+00 : f32
    %logistic3A_87 = vector.broadcast %logistic3A_86 : f32 to vector<96x360xf32>
    %logistic3A_88 = arith.addf %logistic3A_87, %logistic3A_85 : vector<96x360xf32>
    %logistic3A_89 = arith.divf %logistic3A_87, %logistic3A_88 : vector<96x360xf32>
    %mul3A = arith.mulf %slice3A, %logistic3A_89 : vector<96x360xf32>
    %slice3A_90 = vector.extract_strided_slice %add3A_83 {offsets = [192, 0], sizes = [96, 360], strides = [1, 1]} : vector<288x360xf32> to vector<96x360xf32>
    %add3A_91 = arith.addf %mul3A, %slice3A_90 : vector<96x360xf32>
    %max3A = arith.constant 0.000000e+00 : f32
    %max3A_92 = vector.broadcast %max3A : f32 to vector<96x360xf32>
    %max3A_93 = arith.maximumf %add3A_91, %max3A_92 : vector<96x360xf32>
    %concatenate3A_94 = tpu.concatenate %get3A_31, %get3A_36, %get3A_41 in 0 : vector<8x360xf32>, vector<8x360xf32>, vector<8x360xf32> -> vector<24x360xf32>
    %dot_general3A_95 = arith.constant dense<0.000000e+00> : vector<288x360xf32>
    %dot_general3A_96 = tpu.matmul %get3A_6, %concatenate3A_94, %dot_general3A_95 {dimension_numbers = #tpu.dot_dimension_numbers<[1], [0], [0], [1], [0, 0, 1, 1], [], []>, transpose_lhs_hint = false} : vector<288x24xf32>, vector<24x360xf32>, vector<288x360xf32> -> vector<288x360xf32>
    %add3A_97 = vector.broadcast %get3A_9 : vector<288x1xf32> to vector<288x360xf32>
    %add3A_98 = arith.addf %dot_general3A_96, %add3A_97 : vector<288x360xf32>
    %slice3A_99 = vector.extract_strided_slice %add3A_98 {offsets = [0, 0], sizes = [96, 360], strides = [1, 1]} : vector<288x360xf32> to vector<96x360xf32>
    %slice3A_100 = vector.extract_strided_slice %add3A_98 {offsets = [96, 0], sizes = [96, 360], strides = [1, 1]} : vector<288x360xf32> to vector<96x360xf32>
    %logistic3A_101 = arith.negf %slice3A_100 : vector<96x360xf32>
    %logistic3A_102 = math.exp %logistic3A_101 : vector<96x360xf32>
    %logistic3A_103 = arith.constant 1.000000e+00 : f32
    %logistic3A_104 = vector.broadcast %logistic3A_103 : f32 to vector<96x360xf32>
    %logistic3A_105 = arith.addf %logistic3A_104, %logistic3A_102 : vector<96x360xf32>
    %logistic3A_106 = arith.divf %logistic3A_104, %logistic3A_105 : vector<96x360xf32>
    %mul3A_107 = arith.mulf %slice3A_99, %logistic3A_106 : vector<96x360xf32>
    %slice3A_108 = vector.extract_strided_slice %add3A_98 {offsets = [192, 0], sizes = [96, 360], strides = [1, 1]} : vector<288x360xf32> to vector<96x360xf32>
    %add3A_109 = arith.addf %mul3A_107, %slice3A_108 : vector<96x360xf32>
    %max3A_110 = arith.constant 0.000000e+00 : f32
    %max3A_111 = vector.broadcast %max3A_110 : f32 to vector<96x360xf32>
    %max3A_112 = arith.maximumf %add3A_109, %max3A_111 : vector<96x360xf32>
    %concatenate3A_113 = tpu.concatenate %get3A_36, %get3A_41, %get3A_46 in 0 : vector<8x360xf32>, vector<8x360xf32>, vector<8x360xf32> -> vector<24x360xf32>
    %dot_general3A_114 = arith.constant dense<0.000000e+00> : vector<288x360xf32>
    %dot_general3A_115 = tpu.matmul %get3A_6, %concatenate3A_113, %dot_general3A_114 {dimension_numbers = #tpu.dot_dimension_numbers<[1], [0], [0], [1], [0, 0, 1, 1], [], []>, transpose_lhs_hint = false} : vector<288x24xf32>, vector<24x360xf32>, vector<288x360xf32> -> vector<288x360xf32>
    %add3A_116 = vector.broadcast %get3A_9 : vector<288x1xf32> to vector<288x360xf32>
    %add3A_117 = arith.addf %dot_general3A_115, %add3A_116 : vector<288x360xf32>
    %slice3A_118 = vector.extract_strided_slice %add3A_117 {offsets = [0, 0], sizes = [96, 360], strides = [1, 1]} : vector<288x360xf32> to vector<96x360xf32>
    %slice3A_119 = vector.extract_strided_slice %add3A_117 {offsets = [96, 0], sizes = [96, 360], strides = [1, 1]} : vector<288x360xf32> to vector<96x360xf32>
    %logistic3A_120 = arith.negf %slice3A_119 : vector<96x360xf32>
    %logistic3A_121 = math.exp %logistic3A_120 : vector<96x360xf32>
    %logistic3A_122 = arith.constant 1.000000e+00 : f32
    %logistic3A_123 = vector.broadcast %logistic3A_122 : f32 to vector<96x360xf32>
    %logistic3A_124 = arith.addf %logistic3A_123, %logistic3A_121 : vector<96x360xf32>
    %logistic3A_125 = arith.divf %logistic3A_123, %logistic3A_124 : vector<96x360xf32>
    %mul3A_126 = arith.mulf %slice3A_118, %logistic3A_125 : vector<96x360xf32>
    %slice3A_127 = vector.extract_strided_slice %add3A_117 {offsets = [192, 0], sizes = [96, 360], strides = [1, 1]} : vector<288x360xf32> to vector<96x360xf32>
    %add3A_128 = arith.addf %mul3A_126, %slice3A_127 : vector<96x360xf32>
    %max3A_129 = arith.constant 0.000000e+00 : f32
    %max3A_130 = vector.broadcast %max3A_129 : f32 to vector<96x360xf32>
    %max3A_131 = arith.maximumf %add3A_128, %max3A_130 : vector<96x360xf32>
    %concatenate3A_132 = tpu.concatenate %get3A_41, %get3A_46, %get3A_51 in 0 : vector<8x360xf32>, vector<8x360xf32>, vector<8x360xf32> -> vector<24x360xf32>
    %dot_general3A_133 = arith.constant dense<0.000000e+00> : vector<288x360xf32>
    %dot_general3A_134 = tpu.matmul %get3A_6, %concatenate3A_132, %dot_general3A_133 {dimension_numbers = #tpu.dot_dimension_numbers<[1], [0], [0], [1], [0, 0, 1, 1], [], []>, transpose_lhs_hint = false} : vector<288x24xf32>, vector<24x360xf32>, vector<288x360xf32> -> vector<288x360xf32>
    %add3A_135 = vector.broadcast %get3A_9 : vector<288x1xf32> to vector<288x360xf32>
    %add3A_136 = arith.addf %dot_general3A_134, %add3A_135 : vector<288x360xf32>
    %slice3A_137 = vector.extract_strided_slice %add3A_136 {offsets = [0, 0], sizes = [96, 360], strides = [1, 1]} : vector<288x360xf32> to vector<96x360xf32>
    %slice3A_138 = vector.extract_strided_slice %add3A_136 {offsets = [96, 0], sizes = [96, 360], strides = [1, 1]} : vector<288x360xf32> to vector<96x360xf32>
    %logistic3A_139 = arith.negf %slice3A_138 : vector<96x360xf32>
    %logistic3A_140 = math.exp %logistic3A_139 : vector<96x360xf32>
    %logistic3A_141 = arith.constant 1.000000e+00 : f32
    %logistic3A_142 = vector.broadcast %logistic3A_141 : f32 to vector<96x360xf32>
    %logistic3A_143 = arith.addf %logistic3A_142, %logistic3A_140 : vector<96x360xf32>
    %logistic3A_144 = arith.divf %logistic3A_142, %logistic3A_143 : vector<96x360xf32>
    %mul3A_145 = arith.mulf %slice3A_137, %logistic3A_144 : vector<96x360xf32>
    %slice3A_146 = vector.extract_strided_slice %add3A_136 {offsets = [192, 0], sizes = [96, 360], strides = [1, 1]} : vector<288x360xf32> to vector<96x360xf32>
    %add3A_147 = arith.addf %mul3A_145, %slice3A_146 : vector<96x360xf32>
    %max3A_148 = arith.constant 0.000000e+00 : f32
    %max3A_149 = vector.broadcast %max3A_148 : f32 to vector<96x360xf32>
    %max3A_150 = arith.maximumf %add3A_147, %max3A_149 : vector<96x360xf32>
    %concatenate3A_151 = tpu.concatenate %get3A_46, %get3A_51, %get3A_56 in 0 : vector<8x360xf32>, vector<8x360xf32>, vector<8x360xf32> -> vector<24x360xf32>
    %dot_general3A_152 = arith.constant dense<0.000000e+00> : vector<288x360xf32>
    %dot_general3A_153 = tpu.matmul %get3A_6, %concatenate3A_151, %dot_general3A_152 {dimension_numbers = #tpu.dot_dimension_numbers<[1], [0], [0], [1], [0, 0, 1, 1], [], []>, transpose_lhs_hint = false} : vector<288x24xf32>, vector<24x360xf32>, vector<288x360xf32> -> vector<288x360xf32>
    %add3A_154 = vector.broadcast %get3A_9 : vector<288x1xf32> to vector<288x360xf32>
    %add3A_155 = arith.addf %dot_general3A_153, %add3A_154 : vector<288x360xf32>
    %slice3A_156 = vector.extract_strided_slice %add3A_155 {offsets = [0, 0], sizes = [96, 360], strides = [1, 1]} : vector<288x360xf32> to vector<96x360xf32>
    %slice3A_157 = vector.extract_strided_slice %add3A_155 {offsets = [96, 0], sizes = [96, 360], strides = [1, 1]} : vector<288x360xf32> to vector<96x360xf32>
    %logistic3A_158 = arith.negf %slice3A_157 : vector<96x360xf32>
    %logistic3A_159 = math.exp %logistic3A_158 : vector<96x360xf32>
    %logistic3A_160 = arith.constant 1.000000e+00 : f32
    %logistic3A_161 = vector.broadcast %logistic3A_160 : f32 to vector<96x360xf32>
    %logistic3A_162 = arith.addf %logistic3A_161, %logistic3A_159 : vector<96x360xf32>
    %logistic3A_163 = arith.divf %logistic3A_161, %logistic3A_162 : vector<96x360xf32>
    %mul3A_164 = arith.mulf %slice3A_156, %logistic3A_163 : vector<96x360xf32>
    %slice3A_165 = vector.extract_strided_slice %add3A_155 {offsets = [192, 0], sizes = [96, 360], strides = [1, 1]} : vector<288x360xf32> to vector<96x360xf32>
    %add3A_166 = arith.addf %mul3A_164, %slice3A_165 : vector<96x360xf32>
    %max3A_167 = arith.constant 0.000000e+00 : f32
    %max3A_168 = vector.broadcast %max3A_167 : f32 to vector<96x360xf32>
    %max3A_169 = arith.maximumf %add3A_166, %max3A_168 : vector<96x360xf32>
    %concatenate3A_170 = tpu.concatenate %get3A_51, %get3A_56, %get3A_61 in 0 : vector<8x360xf32>, vector<8x360xf32>, vector<8x360xf32> -> vector<24x360xf32>
    %dot_general3A_171 = arith.constant dense<0.000000e+00> : vector<288x360xf32>
    %dot_general3A_172 = tpu.matmul %get3A_6, %concatenate3A_170, %dot_general3A_171 {dimension_numbers = #tpu.dot_dimension_numbers<[1], [0], [0], [1], [0, 0, 1, 1], [], []>, transpose_lhs_hint = false} : vector<288x24xf32>, vector<24x360xf32>, vector<288x360xf32> -> vector<288x360xf32>
    %add3A_173 = vector.broadcast %get3A_9 : vector<288x1xf32> to vector<288x360xf32>
    %add3A_174 = arith.addf %dot_general3A_172, %add3A_173 : vector<288x360xf32>
    %slice3A_175 = vector.extract_strided_slice %add3A_174 {offsets = [0, 0], sizes = [96, 360], strides = [1, 1]} : vector<288x360xf32> to vector<96x360xf32>
    %slice3A_176 = vector.extract_strided_slice %add3A_174 {offsets = [96, 0], sizes = [96, 360], strides = [1, 1]} : vector<288x360xf32> to vector<96x360xf32>
    %logistic3A_177 = arith.negf %slice3A_176 : vector<96x360xf32>
    %logistic3A_178 = math.exp %logistic3A_177 : vector<96x360xf32>
    %logistic3A_179 = arith.constant 1.000000e+00 : f32
    %logistic3A_180 = vector.broadcast %logistic3A_179 : f32 to vector<96x360xf32>
    %logistic3A_181 = arith.addf %logistic3A_180, %logistic3A_178 : vector<96x360xf32>
    %logistic3A_182 = arith.divf %logistic3A_180, %logistic3A_181 : vector<96x360xf32>
    %mul3A_183 = arith.mulf %slice3A_175, %logistic3A_182 : vector<96x360xf32>
    %slice3A_184 = vector.extract_strided_slice %add3A_174 {offsets = [192, 0], sizes = [96, 360], strides = [1, 1]} : vector<288x360xf32> to vector<96x360xf32>
    %add3A_185 = arith.addf %mul3A_183, %slice3A_184 : vector<96x360xf32>
    %max3A_186 = arith.constant 0.000000e+00 : f32
    %max3A_187 = vector.broadcast %max3A_186 : f32 to vector<96x360xf32>
    %max3A_188 = arith.maximumf %add3A_185, %max3A_187 : vector<96x360xf32>
    %concatenate3A_189 = tpu.concatenate %get3A_56, %get3A_61, %get3A_66 in 0 : vector<8x360xf32>, vector<8x360xf32>, vector<8x360xf32> -> vector<24x360xf32>
    %dot_general3A_190 = arith.constant dense<0.000000e+00> : vector<288x360xf32>
    %dot_general3A_191 = tpu.matmul %get3A_6, %concatenate3A_189, %dot_general3A_190 {dimension_numbers = #tpu.dot_dimension_numbers<[1], [0], [0], [1], [0, 0, 1, 1], [], []>, transpose_lhs_hint = false} : vector<288x24xf32>, vector<24x360xf32>, vector<288x360xf32> -> vector<288x360xf32>
    %add3A_192 = vector.broadcast %get3A_9 : vector<288x1xf32> to vector<288x360xf32>
    %add3A_193 = arith.addf %dot_general3A_191, %add3A_192 : vector<288x360xf32>
    %slice3A_194 = vector.extract_strided_slice %add3A_193 {offsets = [0, 0], sizes = [96, 360], strides = [1, 1]} : vector<288x360xf32> to vector<96x360xf32>
    %slice3A_195 = vector.extract_strided_slice %add3A_193 {offsets = [96, 0], sizes = [96, 360], strides = [1, 1]} : vector<288x360xf32> to vector<96x360xf32>
    %logistic3A_196 = arith.negf %slice3A_195 : vector<96x360xf32>
    %logistic3A_197 = math.exp %logistic3A_196 : vector<96x360xf32>
    %logistic3A_198 = arith.constant 1.000000e+00 : f32
    %logistic3A_199 = vector.broadcast %logistic3A_198 : f32 to vector<96x360xf32>
    %logistic3A_200 = arith.addf %logistic3A_199, %logistic3A_197 : vector<96x360xf32>
    %logistic3A_201 = arith.divf %logistic3A_199, %logistic3A_200 : vector<96x360xf32>
    %mul3A_202 = arith.mulf %slice3A_194, %logistic3A_201 : vector<96x360xf32>
    %slice3A_203 = vector.extract_strided_slice %add3A_193 {offsets = [192, 0], sizes = [96, 360], strides = [1, 1]} : vector<288x360xf32> to vector<96x360xf32>
    %add3A_204 = arith.addf %mul3A_202, %slice3A_203 : vector<96x360xf32>
    %max3A_205 = arith.constant 0.000000e+00 : f32
    %max3A_206 = vector.broadcast %max3A_205 : f32 to vector<96x360xf32>
    %max3A_207 = arith.maximumf %add3A_204, %max3A_206 : vector<96x360xf32>
    %concatenate3A_208 = tpu.concatenate %get3A_61, %get3A_66, %get3A_71 in 0 : vector<8x360xf32>, vector<8x360xf32>, vector<8x360xf32> -> vector<24x360xf32>
    %dot_general3A_209 = arith.constant dense<0.000000e+00> : vector<288x360xf32>
    %dot_general3A_210 = tpu.matmul %get3A_6, %concatenate3A_208, %dot_general3A_209 {dimension_numbers = #tpu.dot_dimension_numbers<[1], [0], [0], [1], [0, 0, 1, 1], [], []>, transpose_lhs_hint = false} : vector<288x24xf32>, vector<24x360xf32>, vector<288x360xf32> -> vector<288x360xf32>
    %add3A_211 = vector.broadcast %get3A_9 : vector<288x1xf32> to vector<288x360xf32>
    %add3A_212 = arith.addf %dot_general3A_210, %add3A_211 : vector<288x360xf32>
    %slice3A_213 = vector.extract_strided_slice %add3A_212 {offsets = [0, 0], sizes = [96, 360], strides = [1, 1]} : vector<288x360xf32> to vector<96x360xf32>
    %slice3A_214 = vector.extract_strided_slice %add3A_212 {offsets = [96, 0], sizes = [96, 360], strides = [1, 1]} : vector<288x360xf32> to vector<96x360xf32>
    %logistic3A_215 = arith.negf %slice3A_214 : vector<96x360xf32>
    %logistic3A_216 = math.exp %logistic3A_215 : vector<96x360xf32>
    %logistic3A_217 = arith.constant 1.000000e+00 : f32
    %logistic3A_218 = vector.broadcast %logistic3A_217 : f32 to vector<96x360xf32>
    %logistic3A_219 = arith.addf %logistic3A_218, %logistic3A_216 : vector<96x360xf32>
    %logistic3A_220 = arith.divf %logistic3A_218, %logistic3A_219 : vector<96x360xf32>
    %mul3A_221 = arith.mulf %slice3A_213, %logistic3A_220 : vector<96x360xf32>
    %slice3A_222 = vector.extract_strided_slice %add3A_212 {offsets = [192, 0], sizes = [96, 360], strides = [1, 1]} : vector<288x360xf32> to vector<96x360xf32>
    %add3A_223 = arith.addf %mul3A_221, %slice3A_222 : vector<96x360xf32>
    %max3A_224 = arith.constant 0.000000e+00 : f32
    %max3A_225 = vector.broadcast %max3A_224 : f32 to vector<96x360xf32>
    %max3A_226 = arith.maximumf %add3A_223, %max3A_225 : vector<96x360xf32>
    %concatenate3A_227 = tpu.concatenate %get3A_66, %get3A_71, %get3A_76 in 0 : vector<8x360xf32>, vector<8x360xf32>, vector<8x360xf32> -> vector<24x360xf32>
    %dot_general3A_228 = arith.constant dense<0.000000e+00> : vector<288x360xf32>
    %dot_general3A_229 = tpu.matmul %get3A_6, %concatenate3A_227, %dot_general3A_228 {dimension_numbers = #tpu.dot_dimension_numbers<[1], [0], [0], [1], [0, 0, 1, 1], [], []>, transpose_lhs_hint = false} : vector<288x24xf32>, vector<24x360xf32>, vector<288x360xf32> -> vector<288x360xf32>
    %add3A_230 = vector.broadcast %get3A_9 : vector<288x1xf32> to vector<288x360xf32>
    %add3A_231 = arith.addf %dot_general3A_229, %add3A_230 : vector<288x360xf32>
    %slice3A_232 = vector.extract_strided_slice %add3A_231 {offsets = [0, 0], sizes = [96, 360], strides = [1, 1]} : vector<288x360xf32> to vector<96x360xf32>
    %slice3A_233 = vector.extract_strided_slice %add3A_231 {offsets = [96, 0], sizes = [96, 360], strides = [1, 1]} : vector<288x360xf32> to vector<96x360xf32>
    %logistic3A_234 = arith.negf %slice3A_233 : vector<96x360xf32>
    %logistic3A_235 = math.exp %logistic3A_234 : vector<96x360xf32>
    %logistic3A_236 = arith.constant 1.000000e+00 : f32
    %logistic3A_237 = vector.broadcast %logistic3A_236 : f32 to vector<96x360xf32>
    %logistic3A_238 = arith.addf %logistic3A_237, %logistic3A_235 : vector<96x360xf32>
    %logistic3A_239 = arith.divf %logistic3A_237, %logistic3A_238 : vector<96x360xf32>
    %mul3A_240 = arith.mulf %slice3A_232, %logistic3A_239 : vector<96x360xf32>
    %slice3A_241 = vector.extract_strided_slice %add3A_231 {offsets = [192, 0], sizes = [96, 360], strides = [1, 1]} : vector<288x360xf32> to vector<96x360xf32>
    %add3A_242 = arith.addf %mul3A_240, %slice3A_241 : vector<96x360xf32>
    %max3A_243 = arith.constant 0.000000e+00 : f32
    %max3A_244 = vector.broadcast %max3A_243 : f32 to vector<96x360xf32>
    %max3A_245 = arith.maximumf %add3A_242, %max3A_244 : vector<96x360xf32>
    %concatenate3A_246 = tpu.concatenate %get3A_71, %get3A_76, %get3A_81 in 0 : vector<8x360xf32>, vector<8x360xf32>, vector<8x360xf32> -> vector<24x360xf32>
    %dot_general3A_247 = arith.constant dense<0.000000e+00> : vector<288x360xf32>
    %dot_general3A_248 = tpu.matmul %get3A_6, %concatenate3A_246, %dot_general3A_247 {dimension_numbers = #tpu.dot_dimension_numbers<[1], [0], [0], [1], [0, 0, 1, 1], [], []>, transpose_lhs_hint = false} : vector<288x24xf32>, vector<24x360xf32>, vector<288x360xf32> -> vector<288x360xf32>
    %add3A_249 = vector.broadcast %get3A_9 : vector<288x1xf32> to vector<288x360xf32>
    %add3A_250 = arith.addf %dot_general3A_248, %add3A_249 : vector<288x360xf32>
    %slice3A_251 = vector.extract_strided_slice %add3A_250 {offsets = [0, 0], sizes = [96, 360], strides = [1, 1]} : vector<288x360xf32> to vector<96x360xf32>
    %slice3A_252 = vector.extract_strided_slice %add3A_250 {offsets = [96, 0], sizes = [96, 360], strides = [1, 1]} : vector<288x360xf32> to vector<96x360xf32>
    %logistic3A_253 = arith.negf %slice3A_252 : vector<96x360xf32>
    %logistic3A_254 = math.exp %logistic3A_253 : vector<96x360xf32>
    %logistic3A_255 = arith.constant 1.000000e+00 : f32
    %logistic3A_256 = vector.broadcast %logistic3A_255 : f32 to vector<96x360xf32>
    %logistic3A_257 = arith.addf %logistic3A_256, %logistic3A_254 : vector<96x360xf32>
    %logistic3A_258 = arith.divf %logistic3A_256, %logistic3A_257 : vector<96x360xf32>
    %mul3A_259 = arith.mulf %slice3A_251, %logistic3A_258 : vector<96x360xf32>
    %slice3A_260 = vector.extract_strided_slice %add3A_250 {offsets = [192, 0], sizes = [96, 360], strides = [1, 1]} : vector<288x360xf32> to vector<96x360xf32>
    %add3A_261 = arith.addf %mul3A_259, %slice3A_260 : vector<96x360xf32>
    %max3A_262 = arith.constant 0.000000e+00 : f32
    %max3A_263 = vector.broadcast %max3A_262 : f32 to vector<96x360xf32>
    %max3A_264 = arith.maximumf %add3A_261, %max3A_263 : vector<96x360xf32>
    %concatenate3A_265 = tpu.concatenate %max3A_93, %max3A_112, %max3A_131, %max3A_150, %max3A_169, %max3A_188, %max3A_207, %max3A_226, %max3A_245, %max3A_264 in 0 : vector<96x360xf32>, vector<96x360xf32>, vector<96x360xf32>, vector<96x360xf32>, vector<96x360xf32>, vector<96x360xf32>, vector<96x360xf32>, vector<96x360xf32>, vector<96x360xf32>, vector<96x360xf32> -> vector<960x360xf32>
    %dot_general3A_266 = arith.constant dense<0.000000e+00> : vector<960x360xf32>
    %dot_general3A_267 = tpu.matmul %concatenate3A_265, %get3A_3, %dot_general3A_266 {dimension_numbers = #tpu.dot_dimension_numbers<[1], [1], [0], [0], [0, 0, 1, 0], [], []>, transpose_lhs_hint = false} : vector<960x360xf32>, vector<360x360xf32>, vector<960x360xf32> -> vector<960x360xf32>
    %slice3A_268 = vector.extract_strided_slice %dot_general3A_267 {offsets = [0, 0], sizes = [96, 360], strides = [1, 1]} : vector<960x360xf32> to vector<96x360xf32>
    %concatenate3A_269 = tpu.concatenate %max3A_93, %slice3A_268 in 0 : vector<96x360xf32>, vector<96x360xf32> -> vector<192x360xf32>
    %dot_general3A_270 = arith.constant dense<0.000000e+00> : vector<96x360xf32>
    %dot_general3A_271 = tpu.matmul %get3A_12, %concatenate3A_269, %dot_general3A_270 {dimension_numbers = #tpu.dot_dimension_numbers<[1], [0], [0], [1], [0, 0, 1, 1], [], []>, transpose_lhs_hint = false} : vector<96x192xf32>, vector<192x360xf32>, vector<96x360xf32> -> vector<96x360xf32>
    %add3A_272 = vector.broadcast %get3A_15 : vector<96x1xf32> to vector<96x360xf32>
    %add3A_273 = arith.addf %dot_general3A_271, %add3A_272 : vector<96x360xf32>
    %max3A_274 = arith.constant 0.000000e+00 : f32
    %max3A_275 = vector.broadcast %max3A_274 : f32 to vector<96x360xf32>
    %max3A_276 = arith.maximumf %add3A_273, %max3A_275 : vector<96x360xf32>
    %slice3A_277 = vector.extract_strided_slice %dot_general3A_267 {offsets = [96, 0], sizes = [96, 360], strides = [1, 1]} : vector<960x360xf32> to vector<96x360xf32>
    %concatenate3A_278 = tpu.concatenate %max3A_112, %slice3A_277 in 0 : vector<96x360xf32>, vector<96x360xf32> -> vector<192x360xf32>
    %dot_general3A_279 = arith.constant dense<0.000000e+00> : vector<96x360xf32>
    %dot_general3A_280 = tpu.matmul %get3A_12, %concatenate3A_278, %dot_general3A_279 {dimension_numbers = #tpu.dot_dimension_numbers<[1], [0], [0], [1], [0, 0, 1, 1], [], []>, transpose_lhs_hint = false} : vector<96x192xf32>, vector<192x360xf32>, vector<96x360xf32> -> vector<96x360xf32>
    %add3A_281 = vector.broadcast %get3A_15 : vector<96x1xf32> to vector<96x360xf32>
    %add3A_282 = arith.addf %dot_general3A_280, %add3A_281 : vector<96x360xf32>
    %max3A_283 = arith.constant 0.000000e+00 : f32
    %max3A_284 = vector.broadcast %max3A_283 : f32 to vector<96x360xf32>
    %max3A_285 = arith.maximumf %add3A_282, %max3A_284 : vector<96x360xf32>
    %slice3A_286 = vector.extract_strided_slice %dot_general3A_267 {offsets = [192, 0], sizes = [96, 360], strides = [1, 1]} : vector<960x360xf32> to vector<96x360xf32>
    %concatenate3A_287 = tpu.concatenate %max3A_131, %slice3A_286 in 0 : vector<96x360xf32>, vector<96x360xf32> -> vector<192x360xf32>
    %dot_general3A_288 = arith.constant dense<0.000000e+00> : vector<96x360xf32>
    %dot_general3A_289 = tpu.matmul %get3A_12, %concatenate3A_287, %dot_general3A_288 {dimension_numbers = #tpu.dot_dimension_numbers<[1], [0], [0], [1], [0, 0, 1, 1], [], []>, transpose_lhs_hint = false} : vector<96x192xf32>, vector<192x360xf32>, vector<96x360xf32> -> vector<96x360xf32>
    %add3A_290 = vector.broadcast %get3A_15 : vector<96x1xf32> to vector<96x360xf32>
    %add3A_291 = arith.addf %dot_general3A_289, %add3A_290 : vector<96x360xf32>
    %max3A_292 = arith.constant 0.000000e+00 : f32
    %max3A_293 = vector.broadcast %max3A_292 : f32 to vector<96x360xf32>
    %max3A_294 = arith.maximumf %add3A_291, %max3A_293 : vector<96x360xf32>
    %slice3A_295 = vector.extract_strided_slice %dot_general3A_267 {offsets = [288, 0], sizes = [96, 360], strides = [1, 1]} : vector<960x360xf32> to vector<96x360xf32>
    %concatenate3A_296 = tpu.concatenate %max3A_150, %slice3A_295 in 0 : vector<96x360xf32>, vector<96x360xf32> -> vector<192x360xf32>
    %dot_general3A_297 = arith.constant dense<0.000000e+00> : vector<96x360xf32>
    %dot_general3A_298 = tpu.matmul %get3A_12, %concatenate3A_296, %dot_general3A_297 {dimension_numbers = #tpu.dot_dimension_numbers<[1], [0], [0], [1], [0, 0, 1, 1], [], []>, transpose_lhs_hint = false} : vector<96x192xf32>, vector<192x360xf32>, vector<96x360xf32> -> vector<96x360xf32>
    %add3A_299 = vector.broadcast %get3A_15 : vector<96x1xf32> to vector<96x360xf32>
    %add3A_300 = arith.addf %dot_general3A_298, %add3A_299 : vector<96x360xf32>
    %max3A_301 = arith.constant 0.000000e+00 : f32
    %max3A_302 = vector.broadcast %max3A_301 : f32 to vector<96x360xf32>
    %max3A_303 = arith.maximumf %add3A_300, %max3A_302 : vector<96x360xf32>
    %slice3A_304 = vector.extract_strided_slice %dot_general3A_267 {offsets = [384, 0], sizes = [96, 360], strides = [1, 1]} : vector<960x360xf32> to vector<96x360xf32>
    %concatenate3A_305 = tpu.concatenate %max3A_169, %slice3A_304 in 0 : vector<96x360xf32>, vector<96x360xf32> -> vector<192x360xf32>
    %dot_general3A_306 = arith.constant dense<0.000000e+00> : vector<96x360xf32>
    %dot_general3A_307 = tpu.matmul %get3A_12, %concatenate3A_305, %dot_general3A_306 {dimension_numbers = #tpu.dot_dimension_numbers<[1], [0], [0], [1], [0, 0, 1, 1], [], []>, transpose_lhs_hint = false} : vector<96x192xf32>, vector<192x360xf32>, vector<96x360xf32> -> vector<96x360xf32>
    %add3A_308 = vector.broadcast %get3A_15 : vector<96x1xf32> to vector<96x360xf32>
    %add3A_309 = arith.addf %dot_general3A_307, %add3A_308 : vector<96x360xf32>
    %max3A_310 = arith.constant 0.000000e+00 : f32
    %max3A_311 = vector.broadcast %max3A_310 : f32 to vector<96x360xf32>
    %max3A_312 = arith.maximumf %add3A_309, %max3A_311 : vector<96x360xf32>
    %slice3A_313 = vector.extract_strided_slice %dot_general3A_267 {offsets = [480, 0], sizes = [96, 360], strides = [1, 1]} : vector<960x360xf32> to vector<96x360xf32>
    %concatenate3A_314 = tpu.concatenate %max3A_188, %slice3A_313 in 0 : vector<96x360xf32>, vector<96x360xf32> -> vector<192x360xf32>
    %dot_general3A_315 = arith.constant dense<0.000000e+00> : vector<96x360xf32>
    %dot_general3A_316 = tpu.matmul %get3A_12, %concatenate3A_314, %dot_general3A_315 {dimension_numbers = #tpu.dot_dimension_numbers<[1], [0], [0], [1], [0, 0, 1, 1], [], []>, transpose_lhs_hint = false} : vector<96x192xf32>, vector<192x360xf32>, vector<96x360xf32> -> vector<96x360xf32>
    %add3A_317 = vector.broadcast %get3A_15 : vector<96x1xf32> to vector<96x360xf32>
    %add3A_318 = arith.addf %dot_general3A_316, %add3A_317 : vector<96x360xf32>
    %max3A_319 = arith.constant 0.000000e+00 : f32
    %max3A_320 = vector.broadcast %max3A_319 : f32 to vector<96x360xf32>
    %max3A_321 = arith.maximumf %add3A_318, %max3A_320 : vector<96x360xf32>
    %slice3A_322 = vector.extract_strided_slice %dot_general3A_267 {offsets = [576, 0], sizes = [96, 360], strides = [1, 1]} : vector<960x360xf32> to vector<96x360xf32>
    %concatenate3A_323 = tpu.concatenate %max3A_207, %slice3A_322 in 0 : vector<96x360xf32>, vector<96x360xf32> -> vector<192x360xf32>
    %dot_general3A_324 = arith.constant dense<0.000000e+00> : vector<96x360xf32>
    %dot_general3A_325 = tpu.matmul %get3A_12, %concatenate3A_323, %dot_general3A_324 {dimension_numbers = #tpu.dot_dimension_numbers<[1], [0], [0], [1], [0, 0, 1, 1], [], []>, transpose_lhs_hint = false} : vector<96x192xf32>, vector<192x360xf32>, vector<96x360xf32> -> vector<96x360xf32>
    %add3A_326 = vector.broadcast %get3A_15 : vector<96x1xf32> to vector<96x360xf32>
    %add3A_327 = arith.addf %dot_general3A_325, %add3A_326 : vector<96x360xf32>
    %max3A_328 = arith.constant 0.000000e+00 : f32
    %max3A_329 = vector.broadcast %max3A_328 : f32 to vector<96x360xf32>
    %max3A_330 = arith.maximumf %add3A_327, %max3A_329 : vector<96x360xf32>
    %slice3A_331 = vector.extract_strided_slice %dot_general3A_267 {offsets = [672, 0], sizes = [96, 360], strides = [1, 1]} : vector<960x360xf32> to vector<96x360xf32>
    %concatenate3A_332 = tpu.concatenate %max3A_226, %slice3A_331 in 0 : vector<96x360xf32>, vector<96x360xf32> -> vector<192x360xf32>
    %dot_general3A_333 = arith.constant dense<0.000000e+00> : vector<96x360xf32>
    %dot_general3A_334 = tpu.matmul %get3A_12, %concatenate3A_332, %dot_general3A_333 {dimension_numbers = #tpu.dot_dimension_numbers<[1], [0], [0], [1], [0, 0, 1, 1], [], []>, transpose_lhs_hint = false} : vector<96x192xf32>, vector<192x360xf32>, vector<96x360xf32> -> vector<96x360xf32>
    %add3A_335 = vector.broadcast %get3A_15 : vector<96x1xf32> to vector<96x360xf32>
    %add3A_336 = arith.addf %dot_general3A_334, %add3A_335 : vector<96x360xf32>
    %max3A_337 = arith.constant 0.000000e+00 : f32
    %max3A_338 = vector.broadcast %max3A_337 : f32 to vector<96x360xf32>
    %max3A_339 = arith.maximumf %add3A_336, %max3A_338 : vector<96x360xf32>
    %slice3A_340 = vector.extract_strided_slice %dot_general3A_267 {offsets = [768, 0], sizes = [96, 360], strides = [1, 1]} : vector<960x360xf32> to vector<96x360xf32>
    %concatenate3A_341 = tpu.concatenate %max3A_245, %slice3A_340 in 0 : vector<96x360xf32>, vector<96x360xf32> -> vector<192x360xf32>
    %dot_general3A_342 = arith.constant dense<0.000000e+00> : vector<96x360xf32>
    %dot_general3A_343 = tpu.matmul %get3A_12, %concatenate3A_341, %dot_general3A_342 {dimension_numbers = #tpu.dot_dimension_numbers<[1], [0], [0], [1], [0, 0, 1, 1], [], []>, transpose_lhs_hint = false} : vector<96x192xf32>, vector<192x360xf32>, vector<96x360xf32> -> vector<96x360xf32>
    %add3A_344 = vector.broadcast %get3A_15 : vector<96x1xf32> to vector<96x360xf32>
    %add3A_345 = arith.addf %dot_general3A_343, %add3A_344 : vector<96x360xf32>
    %max3A_346 = arith.constant 0.000000e+00 : f32
    %max3A_347 = vector.broadcast %max3A_346 : f32 to vector<96x360xf32>
    %max3A_348 = arith.maximumf %add3A_345, %max3A_347 : vector<96x360xf32>
    %slice3A_349 = vector.extract_strided_slice %dot_general3A_267 {offsets = [864, 0], sizes = [96, 360], strides = [1, 1]} : vector<960x360xf32> to vector<96x360xf32>
    %concatenate3A_350 = tpu.concatenate %max3A_264, %slice3A_349 in 0 : vector<96x360xf32>, vector<96x360xf32> -> vector<192x360xf32>
    %dot_general3A_351 = arith.constant dense<0.000000e+00> : vector<96x360xf32>
    %dot_general3A_352 = tpu.matmul %get3A_12, %concatenate3A_350, %dot_general3A_351 {dimension_numbers = #tpu.dot_dimension_numbers<[1], [0], [0], [1], [0, 0, 1, 1], [], []>, transpose_lhs_hint = false} : vector<96x192xf32>, vector<192x360xf32>, vector<96x360xf32> -> vector<96x360xf32>
    %add3A_353 = vector.broadcast %get3A_15 : vector<96x1xf32> to vector<96x360xf32>
    %add3A_354 = arith.addf %dot_general3A_352, %add3A_353 : vector<96x360xf32>
    %max3A_355 = arith.constant 0.000000e+00 : f32
    %max3A_356 = vector.broadcast %max3A_355 : f32 to vector<96x360xf32>
    %max3A_357 = arith.maximumf %add3A_354, %max3A_356 : vector<96x360xf32>
    %concatenate3A_358 = tpu.concatenate %max3A_276, %max3A_285, %max3A_294 in 0 : vector<96x360xf32>, vector<96x360xf32>, vector<96x360xf32> -> vector<288x360xf32>
    %dot_general3A_359 = arith.constant dense<0.000000e+00> : vector<24x360xf32>
    %dot_general3A_360 = tpu.matmul %get3A_18, %concatenate3A_358, %dot_general3A_359 {dimension_numbers = #tpu.dot_dimension_numbers<[1], [0], [0], [1], [0, 0, 1, 1], [], []>, transpose_lhs_hint = false} : vector<24x288xf32>, vector<288x360xf32>, vector<24x360xf32> -> vector<24x360xf32>
    %add3A_361 = vector.broadcast %get3A_21 : vector<24x1xf32> to vector<24x360xf32>
    %add3A_362 = arith.addf %dot_general3A_360, %add3A_361 : vector<24x360xf32>
    %slice3A_363 = vector.extract_strided_slice %add3A_362 {offsets = [0, 0], sizes = [8, 360], strides = [1, 1]} : vector<24x360xf32> to vector<8x360xf32>
    %slice3A_364 = vector.extract_strided_slice %add3A_362 {offsets = [8, 0], sizes = [8, 360], strides = [1, 1]} : vector<24x360xf32> to vector<8x360xf32>
    %logistic3A_365 = arith.negf %slice3A_364 : vector<8x360xf32>
    %logistic3A_366 = math.exp %logistic3A_365 : vector<8x360xf32>
    %logistic3A_367 = arith.constant 1.000000e+00 : f32
    %logistic3A_368 = vector.broadcast %logistic3A_367 : f32 to vector<8x360xf32>
    %logistic3A_369 = arith.addf %logistic3A_368, %logistic3A_366 : vector<8x360xf32>
    %logistic3A_370 = arith.divf %logistic3A_368, %logistic3A_369 : vector<8x360xf32>
    %mul3A_371 = arith.mulf %slice3A_363, %logistic3A_370 : vector<8x360xf32>
    %slice3A_372 = vector.extract_strided_slice %add3A_362 {offsets = [16, 0], sizes = [8, 360], strides = [1, 1]} : vector<24x360xf32> to vector<8x360xf32>
    %add3A_373 = arith.addf %mul3A_371, %slice3A_372 : vector<8x360xf32>
    %max3A_374 = arith.constant 0.000000e+00 : f32
    %max3A_375 = vector.broadcast %max3A_374 : f32 to vector<8x360xf32>
    %max3A_376 = arith.maximumf %add3A_373, %max3A_375 : vector<8x360xf32>
    %concatenate3A_377 = tpu.concatenate %max3A_285, %max3A_294, %max3A_303 in 0 : vector<96x360xf32>, vector<96x360xf32>, vector<96x360xf32> -> vector<288x360xf32>
    %dot_general3A_378 = arith.constant dense<0.000000e+00> : vector<24x360xf32>
    %dot_general3A_379 = tpu.matmul %get3A_18, %concatenate3A_377, %dot_general3A_378 {dimension_numbers = #tpu.dot_dimension_numbers<[1], [0], [0], [1], [0, 0, 1, 1], [], []>, transpose_lhs_hint = false} : vector<24x288xf32>, vector<288x360xf32>, vector<24x360xf32> -> vector<24x360xf32>
    %add3A_380 = vector.broadcast %get3A_21 : vector<24x1xf32> to vector<24x360xf32>
    %add3A_381 = arith.addf %dot_general3A_379, %add3A_380 : vector<24x360xf32>
    %slice3A_382 = vector.extract_strided_slice %add3A_381 {offsets = [0, 0], sizes = [8, 360], strides = [1, 1]} : vector<24x360xf32> to vector<8x360xf32>
    %slice3A_383 = vector.extract_strided_slice %add3A_381 {offsets = [8, 0], sizes = [8, 360], strides = [1, 1]} : vector<24x360xf32> to vector<8x360xf32>
    %logistic3A_384 = arith.negf %slice3A_383 : vector<8x360xf32>
    %logistic3A_385 = math.exp %logistic3A_384 : vector<8x360xf32>
    %logistic3A_386 = arith.constant 1.000000e+00 : f32
    %logistic3A_387 = vector.broadcast %logistic3A_386 : f32 to vector<8x360xf32>
    %logistic3A_388 = arith.addf %logistic3A_387, %logistic3A_385 : vector<8x360xf32>
    %logistic3A_389 = arith.divf %logistic3A_387, %logistic3A_388 : vector<8x360xf32>
    %mul3A_390 = arith.mulf %slice3A_382, %logistic3A_389 : vector<8x360xf32>
    %slice3A_391 = vector.extract_strided_slice %add3A_381 {offsets = [16, 0], sizes = [8, 360], strides = [1, 1]} : vector<24x360xf32> to vector<8x360xf32>
    %add3A_392 = arith.addf %mul3A_390, %slice3A_391 : vector<8x360xf32>
    %max3A_393 = arith.constant 0.000000e+00 : f32
    %max3A_394 = vector.broadcast %max3A_393 : f32 to vector<8x360xf32>
    %max3A_395 = arith.maximumf %add3A_392, %max3A_394 : vector<8x360xf32>
    %concatenate3A_396 = tpu.concatenate %max3A_294, %max3A_303, %max3A_312 in 0 : vector<96x360xf32>, vector<96x360xf32>, vector<96x360xf32> -> vector<288x360xf32>
    %dot_general3A_397 = arith.constant dense<0.000000e+00> : vector<24x360xf32>
    %dot_general3A_398 = tpu.matmul %get3A_18, %concatenate3A_396, %dot_general3A_397 {dimension_numbers = #tpu.dot_dimension_numbers<[1], [0], [0], [1], [0, 0, 1, 1], [], []>, transpose_lhs_hint = false} : vector<24x288xf32>, vector<288x360xf32>, vector<24x360xf32> -> vector<24x360xf32>
    %add3A_399 = vector.broadcast %get3A_21 : vector<24x1xf32> to vector<24x360xf32>
    %add3A_400 = arith.addf %dot_general3A_398, %add3A_399 : vector<24x360xf32>
    %slice3A_401 = vector.extract_strided_slice %add3A_400 {offsets = [0, 0], sizes = [8, 360], strides = [1, 1]} : vector<24x360xf32> to vector<8x360xf32>
    %slice3A_402 = vector.extract_strided_slice %add3A_400 {offsets = [8, 0], sizes = [8, 360], strides = [1, 1]} : vector<24x360xf32> to vector<8x360xf32>
    %logistic3A_403 = arith.negf %slice3A_402 : vector<8x360xf32>
    %logistic3A_404 = math.exp %logistic3A_403 : vector<8x360xf32>
    %logistic3A_405 = arith.constant 1.000000e+00 : f32
    %logistic3A_406 = vector.broadcast %logistic3A_405 : f32 to vector<8x360xf32>
    %logistic3A_407 = arith.addf %logistic3A_406, %logistic3A_404 : vector<8x360xf32>
    %logistic3A_408 = arith.divf %logistic3A_406, %logistic3A_407 : vector<8x360xf32>
    %mul3A_409 = arith.mulf %slice3A_401, %logistic3A_408 : vector<8x360xf32>
    %slice3A_410 = vector.extract_strided_slice %add3A_400 {offsets = [16, 0], sizes = [8, 360], strides = [1, 1]} : vector<24x360xf32> to vector<8x360xf32>
    %add3A_411 = arith.addf %mul3A_409, %slice3A_410 : vector<8x360xf32>
    %max3A_412 = arith.constant 0.000000e+00 : f32
    %max3A_413 = vector.broadcast %max3A_412 : f32 to vector<8x360xf32>
    %max3A_414 = arith.maximumf %add3A_411, %max3A_413 : vector<8x360xf32>
    %concatenate3A_415 = tpu.concatenate %max3A_303, %max3A_312, %max3A_321 in 0 : vector<96x360xf32>, vector<96x360xf32>, vector<96x360xf32> -> vector<288x360xf32>
    %dot_general3A_416 = arith.constant dense<0.000000e+00> : vector<24x360xf32>
    %dot_general3A_417 = tpu.matmul %get3A_18, %concatenate3A_415, %dot_general3A_416 {dimension_numbers = #tpu.dot_dimension_numbers<[1], [0], [0], [1], [0, 0, 1, 1], [], []>, transpose_lhs_hint = false} : vector<24x288xf32>, vector<288x360xf32>, vector<24x360xf32> -> vector<24x360xf32>
    %add3A_418 = vector.broadcast %get3A_21 : vector<24x1xf32> to vector<24x360xf32>
    %add3A_419 = arith.addf %dot_general3A_417, %add3A_418 : vector<24x360xf32>
    %slice3A_420 = vector.extract_strided_slice %add3A_419 {offsets = [0, 0], sizes = [8, 360], strides = [1, 1]} : vector<24x360xf32> to vector<8x360xf32>
    %slice3A_421 = vector.extract_strided_slice %add3A_419 {offsets = [8, 0], sizes = [8, 360], strides = [1, 1]} : vector<24x360xf32> to vector<8x360xf32>
    %logistic3A_422 = arith.negf %slice3A_421 : vector<8x360xf32>
    %logistic3A_423 = math.exp %logistic3A_422 : vector<8x360xf32>
    %logistic3A_424 = arith.constant 1.000000e+00 : f32
    %logistic3A_425 = vector.broadcast %logistic3A_424 : f32 to vector<8x360xf32>
    %logistic3A_426 = arith.addf %logistic3A_425, %logistic3A_423 : vector<8x360xf32>
    %logistic3A_427 = arith.divf %logistic3A_425, %logistic3A_426 : vector<8x360xf32>
    %mul3A_428 = arith.mulf %slice3A_420, %logistic3A_427 : vector<8x360xf32>
    %slice3A_429 = vector.extract_strided_slice %add3A_419 {offsets = [16, 0], sizes = [8, 360], strides = [1, 1]} : vector<24x360xf32> to vector<8x360xf32>
    %add3A_430 = arith.addf %mul3A_428, %slice3A_429 : vector<8x360xf32>
    %max3A_431 = arith.constant 0.000000e+00 : f32
    %max3A_432 = vector.broadcast %max3A_431 : f32 to vector<8x360xf32>
    %max3A_433 = arith.maximumf %add3A_430, %max3A_432 : vector<8x360xf32>
    %concatenate3A_434 = tpu.concatenate %max3A_312, %max3A_321, %max3A_330 in 0 : vector<96x360xf32>, vector<96x360xf32>, vector<96x360xf32> -> vector<288x360xf32>
    %dot_general3A_435 = arith.constant dense<0.000000e+00> : vector<24x360xf32>
    %dot_general3A_436 = tpu.matmul %get3A_18, %concatenate3A_434, %dot_general3A_435 {dimension_numbers = #tpu.dot_dimension_numbers<[1], [0], [0], [1], [0, 0, 1, 1], [], []>, transpose_lhs_hint = false} : vector<24x288xf32>, vector<288x360xf32>, vector<24x360xf32> -> vector<24x360xf32>
    %add3A_437 = vector.broadcast %get3A_21 : vector<24x1xf32> to vector<24x360xf32>
    %add3A_438 = arith.addf %dot_general3A_436, %add3A_437 : vector<24x360xf32>
    %slice3A_439 = vector.extract_strided_slice %add3A_438 {offsets = [0, 0], sizes = [8, 360], strides = [1, 1]} : vector<24x360xf32> to vector<8x360xf32>
    %slice3A_440 = vector.extract_strided_slice %add3A_438 {offsets = [8, 0], sizes = [8, 360], strides = [1, 1]} : vector<24x360xf32> to vector<8x360xf32>
    %logistic3A_441 = arith.negf %slice3A_440 : vector<8x360xf32>
    %logistic3A_442 = math.exp %logistic3A_441 : vector<8x360xf32>
    %logistic3A_443 = arith.constant 1.000000e+00 : f32
    %logistic3A_444 = vector.broadcast %logistic3A_443 : f32 to vector<8x360xf32>
    %logistic3A_445 = arith.addf %logistic3A_444, %logistic3A_442 : vector<8x360xf32>
    %logistic3A_446 = arith.divf %logistic3A_444, %logistic3A_445 : vector<8x360xf32>
    %mul3A_447 = arith.mulf %slice3A_439, %logistic3A_446 : vector<8x360xf32>
    %slice3A_448 = vector.extract_strided_slice %add3A_438 {offsets = [16, 0], sizes = [8, 360], strides = [1, 1]} : vector<24x360xf32> to vector<8x360xf32>
    %add3A_449 = arith.addf %mul3A_447, %slice3A_448 : vector<8x360xf32>
    %max3A_450 = arith.constant 0.000000e+00 : f32
    %max3A_451 = vector.broadcast %max3A_450 : f32 to vector<8x360xf32>
    %max3A_452 = arith.maximumf %add3A_449, %max3A_451 : vector<8x360xf32>
    %concatenate3A_453 = tpu.concatenate %max3A_321, %max3A_330, %max3A_339 in 0 : vector<96x360xf32>, vector<96x360xf32>, vector<96x360xf32> -> vector<288x360xf32>
    %dot_general3A_454 = arith.constant dense<0.000000e+00> : vector<24x360xf32>
    %dot_general3A_455 = tpu.matmul %get3A_18, %concatenate3A_453, %dot_general3A_454 {dimension_numbers = #tpu.dot_dimension_numbers<[1], [0], [0], [1], [0, 0, 1, 1], [], []>, transpose_lhs_hint = false} : vector<24x288xf32>, vector<288x360xf32>, vector<24x360xf32> -> vector<24x360xf32>
    %add3A_456 = vector.broadcast %get3A_21 : vector<24x1xf32> to vector<24x360xf32>
    %add3A_457 = arith.addf %dot_general3A_455, %add3A_456 : vector<24x360xf32>
    %slice3A_458 = vector.extract_strided_slice %add3A_457 {offsets = [0, 0], sizes = [8, 360], strides = [1, 1]} : vector<24x360xf32> to vector<8x360xf32>
    %slice3A_459 = vector.extract_strided_slice %add3A_457 {offsets = [8, 0], sizes = [8, 360], strides = [1, 1]} : vector<24x360xf32> to vector<8x360xf32>
    %logistic3A_460 = arith.negf %slice3A_459 : vector<8x360xf32>
    %logistic3A_461 = math.exp %logistic3A_460 : vector<8x360xf32>
    %logistic3A_462 = arith.constant 1.000000e+00 : f32
    %logistic3A_463 = vector.broadcast %logistic3A_462 : f32 to vector<8x360xf32>
    %logistic3A_464 = arith.addf %logistic3A_463, %logistic3A_461 : vector<8x360xf32>
    %logistic3A_465 = arith.divf %logistic3A_463, %logistic3A_464 : vector<8x360xf32>
    %mul3A_466 = arith.mulf %slice3A_458, %logistic3A_465 : vector<8x360xf32>
    %slice3A_467 = vector.extract_strided_slice %add3A_457 {offsets = [16, 0], sizes = [8, 360], strides = [1, 1]} : vector<24x360xf32> to vector<8x360xf32>
    %add3A_468 = arith.addf %mul3A_466, %slice3A_467 : vector<8x360xf32>
    %max3A_469 = arith.constant 0.000000e+00 : f32
    %max3A_470 = vector.broadcast %max3A_469 : f32 to vector<8x360xf32>
    %max3A_471 = arith.maximumf %add3A_468, %max3A_470 : vector<8x360xf32>
    %concatenate3A_472 = tpu.concatenate %max3A_330, %max3A_339, %max3A_348 in 0 : vector<96x360xf32>, vector<96x360xf32>, vector<96x360xf32> -> vector<288x360xf32>
    %dot_general3A_473 = arith.constant dense<0.000000e+00> : vector<24x360xf32>
    %dot_general3A_474 = tpu.matmul %get3A_18, %concatenate3A_472, %dot_general3A_473 {dimension_numbers = #tpu.dot_dimension_numbers<[1], [0], [0], [1], [0, 0, 1, 1], [], []>, transpose_lhs_hint = false} : vector<24x288xf32>, vector<288x360xf32>, vector<24x360xf32> -> vector<24x360xf32>
    %add3A_475 = vector.broadcast %get3A_21 : vector<24x1xf32> to vector<24x360xf32>
    %add3A_476 = arith.addf %dot_general3A_474, %add3A_475 : vector<24x360xf32>
    %slice3A_477 = vector.extract_strided_slice %add3A_476 {offsets = [0, 0], sizes = [8, 360], strides = [1, 1]} : vector<24x360xf32> to vector<8x360xf32>
    %slice3A_478 = vector.extract_strided_slice %add3A_476 {offsets = [8, 0], sizes = [8, 360], strides = [1, 1]} : vector<24x360xf32> to vector<8x360xf32>
    %logistic3A_479 = arith.negf %slice3A_478 : vector<8x360xf32>
    %logistic3A_480 = math.exp %logistic3A_479 : vector<8x360xf32>
    %logistic3A_481 = arith.constant 1.000000e+00 : f32
    %logistic3A_482 = vector.broadcast %logistic3A_481 : f32 to vector<8x360xf32>
    %logistic3A_483 = arith.addf %logistic3A_482, %logistic3A_480 : vector<8x360xf32>
    %logistic3A_484 = arith.divf %logistic3A_482, %logistic3A_483 : vector<8x360xf32>
    %mul3A_485 = arith.mulf %slice3A_477, %logistic3A_484 : vector<8x360xf32>
    %slice3A_486 = vector.extract_strided_slice %add3A_476 {offsets = [16, 0], sizes = [8, 360], strides = [1, 1]} : vector<24x360xf32> to vector<8x360xf32>
    %add3A_487 = arith.addf %mul3A_485, %slice3A_486 : vector<8x360xf32>
    %max3A_488 = arith.constant 0.000000e+00 : f32
    %max3A_489 = vector.broadcast %max3A_488 : f32 to vector<8x360xf32>
    %max3A_490 = arith.maximumf %add3A_487, %max3A_489 : vector<8x360xf32>
    %concatenate3A_491 = tpu.concatenate %max3A_339, %max3A_348, %max3A_357 in 0 : vector<96x360xf32>, vector<96x360xf32>, vector<96x360xf32> -> vector<288x360xf32>
    %dot_general3A_492 = arith.constant dense<0.000000e+00> : vector<24x360xf32>
    %dot_general3A_493 = tpu.matmul %get3A_18, %concatenate3A_491, %dot_general3A_492 {dimension_numbers = #tpu.dot_dimension_numbers<[1], [0], [0], [1], [0, 0, 1, 1], [], []>, transpose_lhs_hint = false} : vector<24x288xf32>, vector<288x360xf32>, vector<24x360xf32> -> vector<24x360xf32>
    %add3A_494 = vector.broadcast %get3A_21 : vector<24x1xf32> to vector<24x360xf32>
    %add3A_495 = arith.addf %dot_general3A_493, %add3A_494 : vector<24x360xf32>
    %slice3A_496 = vector.extract_strided_slice %add3A_495 {offsets = [0, 0], sizes = [8, 360], strides = [1, 1]} : vector<24x360xf32> to vector<8x360xf32>
    %slice3A_497 = vector.extract_strided_slice %add3A_495 {offsets = [8, 0], sizes = [8, 360], strides = [1, 1]} : vector<24x360xf32> to vector<8x360xf32>
    %logistic3A_498 = arith.negf %slice3A_497 : vector<8x360xf32>
    %logistic3A_499 = math.exp %logistic3A_498 : vector<8x360xf32>
    %logistic3A_500 = arith.constant 1.000000e+00 : f32
    %logistic3A_501 = vector.broadcast %logistic3A_500 : f32 to vector<8x360xf32>
    %logistic3A_502 = arith.addf %logistic3A_501, %logistic3A_499 : vector<8x360xf32>
    %logistic3A_503 = arith.divf %logistic3A_501, %logistic3A_502 : vector<8x360xf32>
    %mul3A_504 = arith.mulf %slice3A_496, %logistic3A_503 : vector<8x360xf32>
    %slice3A_505 = vector.extract_strided_slice %add3A_495 {offsets = [16, 0], sizes = [8, 360], strides = [1, 1]} : vector<24x360xf32> to vector<8x360xf32>
    %add3A_506 = arith.addf %mul3A_504, %slice3A_505 : vector<8x360xf32>
    %max3A_507 = arith.constant 0.000000e+00 : f32
    %max3A_508 = vector.broadcast %max3A_507 : f32 to vector<8x360xf32>
    %max3A_509 = arith.maximumf %add3A_506, %max3A_508 : vector<8x360xf32>
    %swap3A = arith.constant 0 : index
    %swap3A_510 = arith.constant 0 : index
    %swap3A_511 = arith.constant 0 : index
    %swap3A_512 = vector.load %arg9[%swap3A, %swap3A_510, %swap3A_511] : memref<8x8x360xf32, #tpu.memory_space<vmem>>, vector<1x8x360xf32>
    %swap3A_513 = vector.shape_cast %swap3A_512 : vector<1x8x360xf32> to vector<8x360xf32>
    %swap3A_514 = vector.shape_cast %max3A_376 : vector<8x360xf32> to vector<1x8x360xf32>
    tpu.vector_store %arg9[%swap3A, %swap3A_510, %swap3A_511], %swap3A_514 {strides = array<i32>} : memref<8x8x360xf32, #tpu.memory_space<vmem>>, vector<1x8x360xf32>,
    %reduce_sum3A = arith.constant dense<0.000000e+00> : vector<360xf32>
    %reduce_sum3A_515 = vector.multi_reduction <add>, %max3A_376, %reduce_sum3A [0] : vector<8x360xf32> to vector<360xf32>
    %mul3A_516 = arith.mulf %max3A_376, %max3A_376 : vector<8x360xf32>
    %reduce_sum3A_517 = arith.constant dense<0.000000e+00> : vector<360xf32>
    %reduce_sum3A_518 = vector.multi_reduction <add>, %mul3A_516, %reduce_sum3A_517 [0] : vector<8x360xf32> to vector<360xf32>
    %swap3A_519 = arith.constant 1 : index
    %swap3A_520 = arith.constant 0 : index
    %swap3A_521 = arith.constant 0 : index
    %swap3A_522 = vector.load %arg9[%swap3A_519, %swap3A_520, %swap3A_521] : memref<8x8x360xf32, #tpu.memory_space<vmem>>, vector<1x8x360xf32>
    %swap3A_523 = vector.shape_cast %swap3A_522 : vector<1x8x360xf32> to vector<8x360xf32>
    %swap3A_524 = vector.shape_cast %max3A_395 : vector<8x360xf32> to vector<1x8x360xf32>
    tpu.vector_store %arg9[%swap3A_519, %swap3A_520, %swap3A_521], %swap3A_524 {strides = array<i32>} : memref<8x8x360xf32, #tpu.memory_space<vmem>>, vector<1x8x360xf32>,
    %reduce_sum3A_525 = arith.constant dense<0.000000e+00> : vector<360xf32>
    %reduce_sum3A_526 = vector.multi_reduction <add>, %max3A_395, %reduce_sum3A_525 [0] : vector<8x360xf32> to vector<360xf32>
    %mul3A_527 = arith.mulf %max3A_395, %max3A_395 : vector<8x360xf32>
    %reduce_sum3A_528 = arith.constant dense<0.000000e+00> : vector<360xf32>
    %reduce_sum3A_529 = vector.multi_reduction <add>, %mul3A_527, %reduce_sum3A_528 [0] : vector<8x360xf32> to vector<360xf32>
    %add3A_530 = arith.addf %reduce_sum3A_515, %reduce_sum3A_526 : vector<360xf32>
    %add3A_531 = arith.addf %reduce_sum3A_518, %reduce_sum3A_529 : vector<360xf32>
    %swap3A_532 = arith.constant 2 : index
    %swap3A_533 = arith.constant 0 : index
    %swap3A_534 = arith.constant 0 : index
    %swap3A_535 = vector.load %arg9[%swap3A_532, %swap3A_533, %swap3A_534] : memref<8x8x360xf32, #tpu.memory_space<vmem>>, vector<1x8x360xf32>
    %swap3A_536 = vector.shape_cast %swap3A_535 : vector<1x8x360xf32> to vector<8x360xf32>
    %swap3A_537 = vector.shape_cast %max3A_414 : vector<8x360xf32> to vector<1x8x360xf32>
    tpu.vector_store %arg9[%swap3A_532, %swap3A_533, %swap3A_534], %swap3A_537 {strides = array<i32>} : memref<8x8x360xf32, #tpu.memory_space<vmem>>, vector<1x8x360xf32>,
    %reduce_sum3A_538 = arith.constant dense<0.000000e+00> : vector<360xf32>
    %reduce_sum3A_539 = vector.multi_reduction <add>, %max3A_414, %reduce_sum3A_538 [0] : vector<8x360xf32> to vector<360xf32>
    %mul3A_540 = arith.mulf %max3A_414, %max3A_414 : vector<8x360xf32>
    %reduce_sum3A_541 = arith.constant dense<0.000000e+00> : vector<360xf32>
    %reduce_sum3A_542 = vector.multi_reduction <add>, %mul3A_540, %reduce_sum3A_541 [0] : vector<8x360xf32> to vector<360xf32>
    %add3A_543 = arith.addf %add3A_530, %reduce_sum3A_539 : vector<360xf32>
    %add3A_544 = arith.addf %add3A_531, %reduce_sum3A_542 : vector<360xf32>
    %swap3A_545 = arith.constant 3 : index
    %swap3A_546 = arith.constant 0 : index
    %swap3A_547 = arith.constant 0 : index
    %swap3A_548 = vector.load %arg9[%swap3A_545, %swap3A_546, %swap3A_547] : memref<8x8x360xf32, #tpu.memory_space<vmem>>, vector<1x8x360xf32>
    %swap3A_549 = vector.shape_cast %swap3A_548 : vector<1x8x360xf32> to vector<8x360xf32>
    %swap3A_550 = vector.shape_cast %max3A_433 : vector<8x360xf32> to vector<1x8x360xf32>
    tpu.vector_store %arg9[%swap3A_545, %swap3A_546, %swap3A_547], %swap3A_550 {strides = array<i32>} : memref<8x8x360xf32, #tpu.memory_space<vmem>>, vector<1x8x360xf32>,
    %reduce_sum3A_551 = arith.constant dense<0.000000e+00> : vector<360xf32>
    %reduce_sum3A_552 = vector.multi_reduction <add>, %max3A_433, %reduce_sum3A_551 [0] : vector<8x360xf32> to vector<360xf32>
    %mul3A_553 = arith.mulf %max3A_433, %max3A_433 : vector<8x360xf32>
    %reduce_sum3A_554 = arith.constant dense<0.000000e+00> : vector<360xf32>
    %reduce_sum3A_555 = vector.multi_reduction <add>, %mul3A_553, %reduce_sum3A_554 [0] : vector<8x360xf32> to vector<360xf32>
    %add3A_556 = arith.addf %add3A_543, %reduce_sum3A_552 : vector<360xf32>
    %add3A_557 = arith.addf %add3A_544, %reduce_sum3A_555 : vector<360xf32>
    %swap3A_558 = arith.constant 4 : index
    %swap3A_559 = arith.constant 0 : index
    %swap3A_560 = arith.constant 0 : index
    %swap3A_561 = vector.load %arg9[%swap3A_558, %swap3A_559, %swap3A_560] : memref<8x8x360xf32, #tpu.memory_space<vmem>>, vector<1x8x360xf32>
    %swap3A_562 = vector.shape_cast %swap3A_561 : vector<1x8x360xf32> to vector<8x360xf32>
    %swap3A_563 = vector.shape_cast %max3A_452 : vector<8x360xf32> to vector<1x8x360xf32>
    tpu.vector_store %arg9[%swap3A_558, %swap3A_559, %swap3A_560], %swap3A_563 {strides = array<i32>} : memref<8x8x360xf32, #tpu.memory_space<vmem>>, vector<1x8x360xf32>,
    %reduce_sum3A_564 = arith.constant dense<0.000000e+00> : vector<360xf32>
    %reduce_sum3A_565 = vector.multi_reduction <add>, %max3A_452, %reduce_sum3A_564 [0] : vector<8x360xf32> to vector<360xf32>
    %mul3A_566 = arith.mulf %max3A_452, %max3A_452 : vector<8x360xf32>
    %reduce_sum3A_567 = arith.constant dense<0.000000e+00> : vector<360xf32>
    %reduce_sum3A_568 = vector.multi_reduction <add>, %mul3A_566, %reduce_sum3A_567 [0] : vector<8x360xf32> to vector<360xf32>
    %add3A_569 = arith.addf %add3A_556, %reduce_sum3A_565 : vector<360xf32>
    %add3A_570 = arith.addf %add3A_557, %reduce_sum3A_568 : vector<360xf32>
    %swap3A_571 = arith.constant 5 : index
    %swap3A_572 = arith.constant 0 : index
    %swap3A_573 = arith.constant 0 : index
    %swap3A_574 = vector.load %arg9[%swap3A_571, %swap3A_572, %swap3A_573] : memref<8x8x360xf32, #tpu.memory_space<vmem>>, vector<1x8x360xf32>
    %swap3A_575 = vector.shape_cast %swap3A_574 : vector<1x8x360xf32> to vector<8x360xf32>
    %swap3A_576 = vector.shape_cast %max3A_471 : vector<8x360xf32> to vector<1x8x360xf32>
    tpu.vector_store %arg9[%swap3A_571, %swap3A_572, %swap3A_573], %swap3A_576 {strides = array<i32>} : memref<8x8x360xf32, #tpu.memory_space<vmem>>, vector<1x8x360xf32>,
    %reduce_sum3A_577 = arith.constant dense<0.000000e+00> : vector<360xf32>
    %reduce_sum3A_578 = vector.multi_reduction <add>, %max3A_471, %reduce_sum3A_577 [0] : vector<8x360xf32> to vector<360xf32>
    %mul3A_579 = arith.mulf %max3A_471, %max3A_471 : vector<8x360xf32>
    %reduce_sum3A_580 = arith.constant dense<0.000000e+00> : vector<360xf32>
    %reduce_sum3A_581 = vector.multi_reduction <add>, %mul3A_579, %reduce_sum3A_580 [0] : vector<8x360xf32> to vector<360xf32>
    %add3A_582 = arith.addf %add3A_569, %reduce_sum3A_578 : vector<360xf32>
    %add3A_583 = arith.addf %add3A_570, %reduce_sum3A_581 : vector<360xf32>
    %swap3A_584 = arith.constant 6 : index
    %swap3A_585 = arith.constant 0 : index
    %swap3A_586 = arith.constant 0 : index
    %swap3A_587 = vector.load %arg9[%swap3A_584, %swap3A_585, %swap3A_586] : memref<8x8x360xf32, #tpu.memory_space<vmem>>, vector<1x8x360xf32>
    %swap3A_588 = vector.shape_cast %swap3A_587 : vector<1x8x360xf32> to vector<8x360xf32>
    %swap3A_589 = vector.shape_cast %max3A_490 : vector<8x360xf32> to vector<1x8x360xf32>
    tpu.vector_store %arg9[%swap3A_584, %swap3A_585, %swap3A_586], %swap3A_589 {strides = array<i32>} : memref<8x8x360xf32, #tpu.memory_space<vmem>>, vector<1x8x360xf32>,
    %reduce_sum3A_590 = arith.constant dense<0.000000e+00> : vector<360xf32>
    %reduce_sum3A_591 = vector.multi_reduction <add>, %max3A_490, %reduce_sum3A_590 [0] : vector<8x360xf32> to vector<360xf32>
    %mul3A_592 = arith.mulf %max3A_490, %max3A_490 : vector<8x360xf32>
    %reduce_sum3A_593 = arith.constant dense<0.000000e+00> : vector<360xf32>
    %reduce_sum3A_594 = vector.multi_reduction <add>, %mul3A_592, %reduce_sum3A_593 [0] : vector<8x360xf32> to vector<360xf32>
    %add3A_595 = arith.addf %add3A_582, %reduce_sum3A_591 : vector<360xf32>
    %add3A_596 = arith.addf %add3A_583, %reduce_sum3A_594 : vector<360xf32>
    %swap3A_597 = arith.constant 7 : index
    %swap3A_598 = arith.constant 0 : index
    %swap3A_599 = arith.constant 0 : index
    %swap3A_600 = vector.load %arg9[%swap3A_597, %swap3A_598, %swap3A_599] : memref<8x8x360xf32, #tpu.memory_space<vmem>>, vector<1x8x360xf32>
    %swap3A_601 = vector.shape_cast %swap3A_600 : vector<1x8x360xf32> to vector<8x360xf32>
    %swap3A_602 = vector.shape_cast %max3A_509 : vector<8x360xf32> to vector<1x8x360xf32>
    tpu.vector_store %arg9[%swap3A_597, %swap3A_598, %swap3A_599], %swap3A_602 {strides = array<i32>} : memref<8x8x360xf32, #tpu.memory_space<vmem>>, vector<1x8x360xf32>,
    %reduce_sum3A_603 = arith.constant dense<0.000000e+00> : vector<360xf32>
    %reduce_sum3A_604 = vector.multi_reduction <add>, %max3A_509, %reduce_sum3A_603 [0] : vector<8x360xf32> to vector<360xf32>
    %mul3A_605 = arith.mulf %max3A_509, %max3A_509 : vector<8x360xf32>
    %reduce_sum3A_606 = arith.constant dense<0.000000e+00> : vector<360xf32>
    %reduce_sum3A_607 = vector.multi_reduction <add>, %mul3A_605, %reduce_sum3A_606 [0] : vector<8x360xf32> to vector<360xf32>
    %add3A_608 = arith.addf %add3A_595, %reduce_sum3A_604 : vector<360xf32>
    %add3A_609 = arith.addf %add3A_596, %reduce_sum3A_607 : vector<360xf32>
    %get3A_610 = arith.constant 0 : index
    %get3A_611 = arith.constant 0 : index
    %get3A_612 = vector.load %arg10[%get3A_610, %get3A_611] : memref<2x360xf32, #tpu.memory_space<vmem>>, vector<2x360xf32>
    %stack3A = vector.shape_cast %add3A_608 : vector<360xf32> to vector<1x360xf32>
    %stack3A_613 = vector.shape_cast %add3A_609 : vector<360xf32> to vector<1x360xf32>
    %stack3A_614 = tpu.concatenate %stack3A, %stack3A_613 in 0 : vector<1x360xf32>, vector<1x360xf32> -> vector<2x360xf32>
    %add3A_615 = arith.addf %get3A_612, %stack3A_614 : vector<2x360xf32>
    %swap3A_616 = arith.constant 0 : index
    %swap3A_617 = arith.constant 0 : index
    %swap3A_618 = vector.load %arg10[%swap3A_616, %swap3A_617] : memref<2x360xf32, #tpu.memory_space<vmem>>, vector<2x360xf32>
    tpu.vector_store %arg10[%swap3A_616, %swap3A_617], %add3A_615 {strides = array<i32>} : memref<2x360xf32, #tpu.memory_space<vmem>>, vector<2x360xf32>,
    return
  }
  func.func @transform_0(%arg0: i32) -> (i32, i32, i32) {
    %c0_i32 = arith.constant 0 : i32
    %c0_i32_0 = arith.constant 0 : i32
    %c0_i32_1 = arith.constant 0 : i32
    return %c0_i32, %arg0, %c0_i32_0 : i32, i32, i32
  }
  func.func @transform_1(%arg0: i32) -> (i32, i32) {
    %c0_i32 = arith.constant 0 : i32
    %c0_i32_0 = arith.constant 0 : i32
    %c0_i32_1 = arith.constant 0 : i32
    return %c0_i32, %c0_i32_0 : i32, i32
  }
  func.func @transform_2(%arg0: i32) -> (i32, i32) {
    %c0_i32 = arith.constant 0 : i32
    %c0_i32_0 = arith.constant 0 : i32
    %c0_i32_1 = arith.constant 0 : i32
    return %c0_i32, %c0_i32_0 : i32, i32
  }
  func.func @transform_3(%arg0: i32) -> (i32, i32) {
    %c0_i32 = arith.constant 0 : i32
    %c0_i32_0 = arith.constant 0 : i32
    %c0_i32_1 = arith.constant 0 : i32
    return %c0_i32, %c0_i32_0 : i32, i32
  }
  func.func @transform_4(%arg0: i32) -> (i32, i32) {
    %c0_i32 = arith.constant 0 : i32
    %c0_i32_0 = arith.constant 0 : i32
    %c0_i32_1 = arith.constant 0 : i32
    return %c0_i32, %c0_i32_0 : i32, i32
  }
  func.func @transform_5(%arg0: i32) -> (i32, i32) {
    %c0_i32 = arith.constant 0 : i32
    %c0_i32_0 = arith.constant 0 : i32
    %c0_i32_1 = arith.constant 0 : i32
    return %c0_i32, %c0_i32_0 : i32, i32
  }
  func.func @transform_6(%arg0: i32) -> (i32, i32) {
    %c0_i32 = arith.constant 0 : i32
    %c0_i32_0 = arith.constant 0 : i32
    %c0_i32_1 = arith.constant 0 : i32
    return %c0_i32, %c0_i32_0 : i32, i32
  }
  func.func @transform_7(%arg0: i32) -> (i32, i32) {
    %c0_i32 = arith.constant 0 : i32
    %c0_i32_0 = arith.constant 0 : i32
    %c0_i32_1 = arith.constant 0 : i32
    return %c0_i32, %c0_i32_0 : i32, i32
  }
  func.func @transform_8(%arg0: i32) -> (i32, i32, i32) {
    %c0_i32 = arith.constant 0 : i32
    %c0_i32_0 = arith.constant 0 : i32
    %c0_i32_1 = arith.constant 0 : i32
    return %c0_i32, %arg0, %c0_i32_0 : i32, i32, i32
  }
  func.func @transform_9(%arg0: i32) -> (i32, i32) {
    %c0_i32 = arith.constant 0 : i32
    %c0_i32_0 = arith.constant 0 : i32
    %c0_i32_1 = arith.constant 0 : i32
    return %c0_i32, %c0_i32_0 : i32, i32
  }
}

</mosaic_0001>

<sc_bundles>
// kernel: sc_build_lhat.3.cloned.1.call-start
scs
__scs_entry_jumppad:
0x0: {  	(pc) =	sbr.rel $0x88, $3  }
0x1: {  	(tag) =	ssettag $0x0;
	lr =	simm.s32 $0x1  }
0x2: {  	[smem:$0x3F7A] =	sst lr;
	_ =	strace $0xD0000000  }
0x3: {  	_ = 	snop  }
0x4: {  	_ = 	snop  }
0x5: {  	_ = 	snop  }
0x6: {  	_ = 	snop  }
0x7: {  	_ = 	snop  }
__scs_overlays_trampoline_lowered:
0x8: {  	[smem:$0x3F89] =	sst s0  }
0x9: {  	[smem:$0x3F8A] =	sst s1  }
0xa: {  	[smem:$0x3F8B] =	sst s2  }
0xb: {  	[smem:$0x3F8C] =	sst s3  }
0xc: {  	[smem:$0x3F8D] =	sst s4  }
0xd: {  	[smem:$0x3F8E] =	sst s5  }
0xe: {  	[smem:$0x3F8F] =	sst s6  }
0xf: {  	[smem:$0x3F90] =	sst s7  }
0x10: {  	[smem:$0x3F91] =	sst s8  }
0x11: {  	[smem:$0x3F92] =	sst s9;
	s0 =	simm.s32 @!p0 $0x0  }
0x12: {  	s1 =	sld [smem:$0x3F78];
	s0 =	simm.s32 @p0 $0x1  }
0x13: {  	[smem:$0x3F93] =	sst s0;
	s0 =	simm.s32 @!p1 $0x0  }
0x14: {  	s2 =	sld [smem:$0x3F77];
	s0 =	simm.s32 @p1 $0x1  }
0x15: {  	[smem:$0x3F94] =	sst s0;
	s0 =	simm.s32 @!p2 $0x0  }
0x16: {  	s3 =	sld [smem:$0x3FDB];
	s0 =	simm.s32 @p2 $0x1  }
0x17: {  	s4 =	simm.s32 $0x1BF5;
	[smem:$0x3F96] =	sst s0  }
0x18: {  	s0 =	sld [smem:$0x3F79];
	_ =	swait.ge [sflag:s4], $0x0  }
0x19: {  	s7 =	sld [smem:$0x3F7A]  }
0x1a: {  	s8 =	sadd.s32 $0xFFFFE003, lr  }
0x1b: {  	s9 =	sadd.s32 $0xFFFFFEF7, lr;
	s5 =	simm.s32 $0xFFFFFFFF;
	p2 =	slt.u32 s8, $0xFFFFF086  }
0x1c: {  	p1 =	slt.u32 s9, $0xF7A;
	s5 =	simm.s32 @!p2 $0x0  }
0x1d: {  	s5 =	simm.s32 @p1 $0x1;
	p0 =	seq.s32 s7, s2  }
0x1e: {  	s7 =	smul.u32 @!p0 $0xF7A, s2;
	p2 =	seq.s32 @!p0 s5, $0x0  }
0x1f: {  	s9 =	smul.u32 $0xF7A, s1;
	s8 =	simm.s32 @!p0 $0x1BF5;
	p2 =	por !p2, p0  }
0x20: {  	[sflag:s8] =	ssyncset.s32 @!p0 $0xFFFFF086;
	s6 =	sadd.s32 @!p0 s3, s7;
	s7 =	simm.s32 @!p0 $0x108  }
0x21: {  	s3 =	sadd.s32 s3, s9;
	s6 =	sadd.s32 @!p0 $0x88, s6;
	s7 =	simm.s32 @p2 $0x1082  }
0x22: {  	[simem:s7], [sflag:s8] =	dma.local @!p0 [hbm:s6], $0xF7A  }
0x23: {  	s9 =	sor.u32 $0xD0000000, s2;
	s6 =	simm.s32 $0x108;
	_ =	swait.ge @!p0 [sflag:s8], $0x0  }
0x24: {  	s3 =	sadd.s32 $0x88, s3;
	s6 =	simm.s32 @!p1 $0x1082;
	[sflag:s4] =	ssyncset.s32 $0xFFFFF086  }
0x25: {  	[simem:s6], [sflag:s4] =	dma.local [hbm:s3], $0xF7A  }
0x26: {  	[smem:$0x3F7A] =	sst s1;
	(tag) =	ssettag s2;
	_ =	strace s9  }
0x27: {  	s1 =	sld [smem:$0x3F8A]  }
0x28: {  	s2 =	sld [smem:$0x3F8B]  }
0x29: {  	s4 =	sld [smem:$0x3F8D]  }
0x2a: {  	p0 =	seq.s32 s5, $0x0;
	s5 =	sld [smem:$0x3F8E]  }
0x2b: {  	s6 =	sld [smem:$0x3F8F]  }
0x2c: {  	s7 =	sld [smem:$0x3F90]  }
0x2d: {  	s3 =	simm.s32 $0x108;
	s8 =	sld [smem:$0x3F91]  }
0x2e: {  	s3 =	simm.s32 @!p0 $0x1082;
	s9 =	sld [smem:$0x3F92]  }
0x2f: {  	lr =	sadd.s32 s0, s3;
	s0 =	sld [smem:$0x3F89]  }
0x30: {  	s3 =	sld [smem:$0x3F8C]  }
0x31: {  	[smem:$0x3F95] =	sst s10  }
0x32: {  	s10 =	sld [smem:$0x3F93];
	_ =	sdelay $0x3  }
0x33: {  	p0 =	seq.s32 s10, $0x1;
	s10 =	sld [smem:$0x3F95];
	_ =	sdelay $0x3  }
0x34: {  	[smem:$0x3F95] =	sst s10  }
0x35: {  	s10 =	sld [smem:$0x3F94];
	_ =	sdelay $0x3  }
0x36: {  	p1 =	seq.s32 s10, $0x1;
	s10 =	sld [smem:$0x3F95];
	_ =	sdelay $0x3  }
0x37: {  	[smem:$0x3F95] =	sst s10  }
0x38: {  	s10 =	sld [smem:$0x3F96]  }
0x39: {  	_ = 	snop;
	(pc) =	sbr.ind lr, $3  }
0x3a: {  	_ = 	snop  }
0x3b: {  	_ = 	snop  }
0x3c: {  	p2 =	seq.s32 s10, $0x1;
	s10 =	sld [smem:$0x3F95]  }
0x3d: {  	_ =	shalt  }
0x3e: {  	_ =	shalt  }
0x3f: {  	_ =	shalt  }
0x40: {  	_ =	shalt  }
0x41: {  	_ =	shalt  }
0x42: {  	_ =	shalt  }
0x43: {  	_ =	shalt  }
0x44: {  	_ =	shalt  }
0x45: {  	_ =	shalt  }
0x46: {  	_ =	shalt  }
0x47: {  	_ =	shalt  }
0x48: {  	_ =	shalt  }
0x49: {  	_ =	shalt  }
0x4a: {  	_ =	shalt  }
0x4b: {  	_ =	shalt  }
0x4c: {  	_ =	shalt  }
0x4d: {  	_ =	shalt  }
0x4e: {  	_ =	shalt  }
0x4f: {  	_ =	shalt  }
0x50: {  	_ =	shalt  }
0x51: {  	_ =	shalt  }
0x52: {  	_ =	shalt  }
0x53: {  	_ =	shalt  }
0x54: {  	_ =	shalt  }
0x55: {  	_ =	shalt  }
0x56: {  	_ =	shalt  }
0x57: {  	_ =	shalt  }
0x58: {  	_ =	shalt  }
0x59: {  	_ =	shalt  }
0x5a: {  	_ =	shalt  }
0x5b: {  	_ =	shalt  }
0x5c: {  	_ =	shalt  }
0x5d: {  	_ =	shalt  }
0x5e: {  	_ =	shalt  }
0x5f: {  	_ =	shalt  }
0x60: {  	_ =	shalt  }
0x61: {  	_ =	shalt  }
0x62: {  	_ =	shalt  }
0x63: {  	_ =	shalt  }
0x64: {  	_ =	shalt  }
0x65: {  	_ =	shalt  }
0x66: {  	_ =	shalt  }
0x67: {  	_ =	shalt  }
0x68: {  	_ =	shalt  }
0x69: {  	_ =	shalt  }
0x6a: {  	_ =	shalt  }
0x6b: {  	_ =	shalt  }
0x6c: {  	_ =	shalt  }
0x6d: {  	_ =	shalt  }
0x6e: {  	_ =	shalt  }
0x6f: {  	_ =	shalt  }
0x70: {  	_ =	shalt  }
0x71: {  	_ =	shalt  }
0x72: {  	_ =	shalt  }
0x73: {  	_ =	shalt  }
0x74: {  	_ =	shalt  }
0x75: {  	_ =	shalt  }
0x76: {  	_ =	shalt  }
0x77: {  	_ =	shalt  }
0x78: {  	_ =	shalt  }
0x79: {  	_ =	shalt  }
0x7a: {  	_ =	shalt  }
0x7b: {  	_ =	shalt  }
0x7c: {  	_ =	shalt  }
0x7d: {  	_ =	shalt  }
0x7e: {  	_ =	shalt  }
0x7f: {  	_ =	shalt  }
0x80: {  	_ =	shalt  }
0x81: {  	_ =	shalt  }
0x82: {  	_ =	shalt  }
0x83: {  	_ =	shalt  }
0x84: {  	_ =	shalt  }
0x85: {  	_ =	shalt  }
0x86: {  	_ =	shalt  }
0x87: {  	_ =	shalt  }
.Lfunc_end0:
.L_simem_size_0:
called_computation_lowered:
.L_overlay_start_0:
0x88: {  	s2 =	sld [smem:$0x3FD9]  }
0x89: {  	s3 =	sld [smem:$0x3FFE];
	_ =	sdelay $0x1  }
0x8a: {  	s1 =	srdreg.scid  }
0x8b: {  	s0 =	sand.u32 $0x1, s1  }
0x8c: {  	s18 =	sshll.u32 s0, $0xA;
	s2 =	sadd.s32 s3, s2  }
0x8d: {  	s2 =	sadd.s32 s2, s18  }
0x8e: {  	[smem:$0x3FA1] =	sst s2  }
0x8f: {  	_ = 	snop  }
0x90: {  	s2 =	sld [smem:$0x3FC8]  }
0x91: {  	s19 =	sld [smem:$0x3FA3]  }
0x92: {  	s4 =	sld [smem:$0x3FD0];
	(tm) =	ssettm $0x1  }
0x93: {  	s5 =	sld [smem:$0x3FFB];
	_ =	sdelay $0x3  }
0x94: {  	_ =	strace s5  }
0x95: {  	s5 =	sld [smem:$0x3FFC];
	_ =	sdelay $0x3  }
0x96: {  	_ =	strace s5  }
0x97: {  	s5 =	sld [smem:$0x3FFD];
	_ =	sdelay $0x3  }
0x98: {  	_ =	strace s5  }
0x99: {  	_ =	strace $0x8FFFFFFF  }
0x9a: {  	s20 =	sld [smem:$0x3FDB];
	_ =	sdelay $0x1  }
0x9b: {  	s6 =	simm.s32 $_scs_section_size  }
0x9c: {  	s7 =	simm.s32 $_size__tile_overlayer_lowered;
	s8 =	simm.s32 $_tile_overlayer_lowered  }
0x9d: {  	s23 =	simm.s32 $0x1BFF;
	s22 =	sshll.u32 s8, $0x1;
	s5 =	sadd.s32 s6, s20  }
0x9e: {  	s9 =	simm.s32 $0x0;
	s21 =	sshll.u32 s7, $0x1;
	s7 =	sadd.s32 s22, s5  }
0x9f: {  	[timem:s9], [sflag:s23] =	dma.local [hbm:s7], s21  }
0xa0: {  	_ =	swait.ge [sflag:s23], s21  }
0xa1: {  	s6 =	ssub.s32 $0x0, s21;
	[sflag:s23] =	ssyncset.done $0x0  }
0xa2: {  	[sflag:s23] =	ssyncadd.s32 s6;
	_ =	sdelay $0x1  }
0xa3: {  	s24 =	simm.s32 $0x1B8B  }
0xa4: {  	_ =	swait.ge [sflag:s24], $0x1  }
0xa5: {  	[sflag:s24] =	ssyncset.done $0x0  }
0xa6: {  	s25 =	simm.s32 $0x1B8E;
	[sflag:s24] =	ssyncadd.s32 $0xFFFFFFFF  }
0xa7: {  	s26 =	simm.s32 $execute0_lowered;
	[smem:$0x3FD2] =	sst s25  }
0xa8: {  	s6 =	sshll.u32 s26, $0x1;
	_ =	strace $0x80000046;
	[dreg:$0x1] =	wrdreg $0xFFFFFFFF  }
0xa9: {  	s28 =	simm.s32 $_size_execute0_lowered;
	s5 =	sadd.s32 s5, s6;
	[dreg:$0x0] =	wrdreg $0x0  }
0xaa: {  	s6 =	sshll.u32 s28, $0x1;
	[dreg:$0x2] =	wrdreg s5  }
0xab: {  	[dreg:$0x3] =	wrdreg s6  }
0xac: {  	[dreg:$0x4] =	wrdreg $0xC0  }
0xad: {  	_ =	task [dreg:s9], $0x5FFFF  }
0xae: {  	[dreg:$0x1] =	wrdreg $0xFFFFFFFF  }
0xaf: {  	[dreg:$0x0] =	wrdreg $0x60  }
0xb0: {  	[dreg:$0x2] =	wrdreg s19  }
0xb1: {  	[dreg:$0x3] =	wrdreg s2  }
0xb2: {  	[dreg:$0x4] =	wrdreg s4  }
0xb3: {  	[dreg:$0x5] =	wrdreg $0x9  }
0xb4: {  	_ =	task.clear_ibuf [dreg:s9], $0x6FFFF;
	_ =	strace $0x90000046  }
0xb5: {  	s29 =	simm.s32 $0x9;
	_ =	strace $0x80000048  }
0xb6: {  	_ =	swait.ge [sflag:s29], $0x1  }
0xb7: {  	[sflag:s29] =	ssyncadd.s32 $0xFFFFFFFF  }
0xb8: {  	_ =	strace $0x90000048  }
0xb9: {  	_ =	sfence  }
0xba: {  	s30 =	sld [smem:$0x0];
	_ =	sdelay $0x2  }
0xbb: {  	s31 =	sshll.u32 s1, $0xD;
	s1 =	sshrl.u32 s1, $0x2  }
0xbc: {  	s3 =	sand.u32 $0x4000, s31;
	s1 =	sadd.s32 s1, s30  }
0xbd: {  	s0 =	sor.u32 s3, s0;
	s1 =	sshll.u32 s1, $0x11  }
0xbe: {  	s0 =	sor.u32 s1, s0  }
0xbf: {  	s0 =	sadd.s32 $0x8F2B, s0  }
0xc0: {  	[sflag:s0] =	ssyncadd.remote.s32 $0x1  }
0xc1: {  	_ =	sfence.sel $0xFFFF  }
0xc2: {  	[dreg:$0x0] =	wrdreg $0xFFFFFFFF;
	(pc) =	sbr.abs _section_cstart, $3  }
0xc3: {  	[dreg:$0x1] =	wrdreg $0xFFFFFFFF  }
0xc4: {  	_ =	task.clear_ibuf [dreg:s9], $0x2FFFF;
	_ =	strace $0x9FFFFFFF  }
0xc5: {  	(tm) =	ssettm $0x7FFFFFFF  }
tec
execute0_lowered:
.L_overlay_start_1:
0x0: {  	(tag) =	ssettag $0x1  }
0x1: {  	s1 =	rddreg [dreg:$0x0]  }
0x2: {  	s3 =	rddreg [dreg:$0x1]  }
0x3: {  	s6 =	rddreg [dreg:$0x2]  }
0x4: {  	s0 =	rddreg [dreg:$0x3]  }
0x5: {  	s5 =	srdreg.scid;
	s2 =	stileid.u32  }
0x6: {  	s4 =	simm.s32 $0x0;
	s10 =	simm.s32 $0x1;
	s11 =	simm.s32 $0x2D00  }
0x7: {  	s13 =	simm.s32 $0x8700;
	s14 =	simm.s32 $0x9E00;
	s15 =	simm.s32 $0x9F80  }
0x8: {  	s16 =	simm.s32 $0x0;
	s5 =	sand.u32 $0x1, s5;
	s7 =	sshll.u32 s2, $0x1  }
0x9: {  	[smem:$0x7FF] =	sst s4;
	s8 =	ssub.s32 $0x2, s5;
	s5 =	sor.u32 s5, s7  }
0xa: {  	p0 =	seq.s32 s2, $0xF;
	_ =	strace $0x80000047;
	s9 =	smul.u32 $0x21C, s5  }
0xb: {  	s31 =	sshrl.u32 s8, $0x1;
	s12 =	smul.u32 $0xC, s5;
	s5 =	sadd.s32 $0x10, s1  }
0xc: {  	v3 =	vlaneseq.u32;
	v1 =	vimm.f32 $0.0e+00;
	s7 =	ssub.s32 s8, s31;
	s8 =	simm.s32 $0x80;
	s6 =	sadd.s32 s6, s9  }
0xd: {  	v2 =	vmul.u32 $0x170, v3;
	v3 =	vmul.u32 $0x10E0, v3;
	s7 =	smax.u32 s7, $0x1;
	s9 =	simm.s32 $0x100;
	v0 =	vmov s12;
	s12 =	simm.s32 $0x5A00  }
.LBB2_1:
0xe: {  	[tilespmem:s4], [sflag:$0x1] =	stream.strided.gather [hbm4b:s1+s8], $0x2D00, s9, s8, $0x38;
	[tilespmem:$0x1BE80] =	vst v63  }
0xf: {  	_ =	swait.ge [sflag:s10], $0x2D00  }
0x10: {  	[sflag:s10] =	ssyncset.done $0x0  }
0x11: {  	[sflag:s10] =	ssyncadd.s32 $0xFFFFD300  }
0x12: {  	[tilespmem:s11], [sflag:$0x1] =	stream.strided.gather [hbm4b:s5+s8], $0x2D00, s9, s8, $0x38;
	[tilespmem:$0x1BE80] =	vst v63  }
0x13: {  	_ =	swait.ge [sflag:s10], $0x2D00  }
0x14: {  	[sflag:s10] =	ssyncset.done $0x0  }
0x15: {  	[sflag:s10] =	ssyncadd.s32 $0xFFFFD300  }
0x16: {  	[tilespmem:s12], [sflag:$0x1] =	stream.linear.gather [hbm4b:s3+s4], $0x2D00, $0x38;
	[tilespmem:$0x1BE80] =	vst v63  }
0x17: {  	_ =	swait.ge [sflag:s10], $0x2D00  }
0x18: {  	[sflag:s10] =	ssyncset.done $0x0  }
0x19: {  	s18 =	simm.s32 $0x0;
	s17 =	simm.s32 $0x200;
	[sflag:s10] =	ssyncadd.s32 $0xFFFFD300  }
.LBB2_2:
0x1a: {  	p1 =	sne.s32 s17, $0x5A00;
	[tilespmem:s18+$0x8770] =	vst v1  }
0x1b: {  	[tilespmem:s18+$0x8700] =	vst v1  }
0x1c: {  	[tilespmem:s18+$0x8710] =	vst v1  }
.Ltmp0:
0x1d: {  	[tilespmem:s18+$0x8720] =	vst v1;
	(pc) =	sbr.rel @p1 .LBB2_2-.Ltmp0, $4  }
0x1e: {  	[tilespmem:s18+$0x8730] =	vst v1  }
0x1f: {  	[tilespmem:s18+$0x8740] =	vst v1  }
0x20: {  	[tilespmem:s18+$0x8750] =	vst v1  }
0x21: {  	[tilespmem:s18+$0x8760] =	vst v1;
	s18 =	sshra.s32 s17, $0x2;
	s17 =	sadd.s32 $0x200, s17  }
0x22: {  	[tilespmem:s18+$0x8770] =	vst v1  }
0x23: {  	[tilespmem:s18+$0x8700] =	vst v1  }
0x24: {  	[tilespmem:s18+$0x8710] =	vst v1  }
0x25: {  	[tilespmem:s18+$0x8720] =	vst v1  }
0x26: {  	[tilespmem:s18+$0x8730] =	vst v1  }
0x27: {  	[tilespmem:s18+$0x8740] =	vst v1  }
0x28: {  	[tilespmem:s18+$0x8750] =	vst v1  }
0x29: {  	s17 =	simm.s32 $0x0;
	[tilespmem:s18+$0x8760] =	vst v1;
	s18 =	simm.s32 $0x0;
	s19 =	simm.s32 $0x200  }
.LBB2_4:
0x2a: {  	p1 =	sne.s32 s19, $0x43600;
	[tilespmem:s18+$0x9FF0] =	vst v1  }
0x2b: {  	[tilespmem:s18+$0x9F80] =	vst v1  }
0x2c: {  	[tilespmem:s18+$0x9F90] =	vst v1  }
.Ltmp1:
0x2d: {  	[tilespmem:s18+$0x9FA0] =	vst v1;
	(pc) =	sbr.rel @p1 .LBB2_4-.Ltmp1, $4  }
0x2e: {  	[tilespmem:s18+$0x9FB0] =	vst v1  }
0x2f: {  	[tilespmem:s18+$0x9FC0] =	vst v1  }
0x30: {  	[tilespmem:s18+$0x9FD0] =	vst v1  }
0x31: {  	[tilespmem:s18+$0x9FE0] =	vst v1;
	s18 =	sshra.s32 s19, $0x2;
	s19 =	sadd.s32 $0x200, s19  }
0x32: {  	[tilespmem:s18+$0x9FF0] =	vst v1  }
0x33: {  	[tilespmem:s18+$0x9F80] =	vst v1  }
0x34: {  	[tilespmem:s18+$0x9F90] =	vst v1  }
0x35: {  	[tilespmem:s18+$0x9FA0] =	vst v1  }
0x36: {  	[tilespmem:s18+$0x9FB0] =	vst v1  }
0x37: {  	[tilespmem:s18+$0x9FC0] =	vst v1  }
0x38: {  	[tilespmem:s18+$0x9FD0] =	vst v1  }
0x39: {  	[tilespmem:s18+$0x9FE0] =	vst v1  }
.LBB2_6:
0x3a: {  	s18 =	sshra.s32 s17, $0x2  }
0x3b: {  	v4 =	vld [tilespmem:s18+$0x0];
	_ =	sdelay $0x4  }
0x3c: {  	v5 =	vld [tilespmem:s18+$0x5A00];
	v4 =	vadd.s32 v2, v4;
	_ =	sdelay $0x4  }
0x3d: {  	[tilespmem:v4+s13+$0x0] =	vst.idx.add.f32.msk $0xffff, v5  }
0x3e: {  	v4 =	vld [tilespmem:s18+$0x10];
	_ =	sdelay $0x4  }
0x3f: {  	v5 =	vld [tilespmem:s18+$0x5A10];
	v4 =	vadd.s32 v2, v4;
	_ =	sdelay $0x4  }
0x40: {  	[tilespmem:v4+s13+$0x0] =	vst.idx.add.f32.msk $0xffff, v5  }
0x41: {  	v4 =	vld [tilespmem:s18+$0x20];
	_ =	sdelay $0x4  }
0x42: {  	v5 =	vld [tilespmem:s18+$0x5A20];
	v4 =	vadd.s32 v2, v4;
	_ =	sdelay $0x4  }
0x43: {  	[tilespmem:v4+s13+$0x0] =	vst.idx.add.f32.msk $0xffff, v5  }
0x44: {  	v4 =	vld [tilespmem:s18+$0x30];
	_ =	sdelay $0x4  }
0x45: {  	p1 =	sne.s32 s17, $0xB300;
	v5 =	vld [tilespmem:s18+$0x5A30];
	v4 =	vadd.s32 v2, v4  }
.Ltmp2:
0x46: {  	_ = 	snop;
	(pc) =	sbr.rel @p1 .LBB2_6-.Ltmp2, $2  }
0x47: {  	_ =	sdelay $0x2  }
0x48: {  	s17 =	sadd.s32 $0x100, s17;
	[tilespmem:v4+s13+$0x0] =	vst.idx.add.f32.msk $0xffff, v5  }
0x49: {  	s18 =	simm.s32 $0x93F0  }
0x4a: {  	v4 =	vld [tilespmem:s18+$0xFFFFF480]  }
0x4b: {  	v5 =	vld [tilespmem:s18+$0xFFFFF310];
	_ =	sdelay $0x1  }
0x4c: {  	v6 =	vld [tilespmem:s18+$0xFFFFF5F0];
	_ =	sdelay $0x1  }
0x4d: {  	v7 =	vld [tilespmem:s18+$0xFFFFF760]  }
0x4e: {  	v4 =	vadd.f32 v4, v5  }
0x4f: {  	v5 =	vld [tilespmem:s18+$0xFFFFF8D0]  }
0x50: {  	v4 =	vadd.f32 v6, v4  }
0x51: {  	v6 =	vld [tilespmem:s18+$0xFFFFFA40]  }
0x52: {  	v4 =	vadd.f32 v7, v4  }
0x53: {  	v7 =	vld [tilespmem:s18+$0xFFFFFBB0]  }
0x54: {  	v4 =	vadd.f32 v5, v4  }
0x55: {  	s17 =	simm.s32 $0x0;
	v5 =	vld [tilespmem:s18+$0xFFFFFD20]  }
0x56: {  	s19 =	sand.u32 $0x1F0, s17;
	v4 =	vadd.f32 v6, v4  }
0x57: {  	v6 =	vld [tilespmem:s19+$0x9280]  }
0x58: {  	v4 =	vadd.f32 v7, v4  }
0x59: {  	v7 =	vld [tilespmem:s18+$0x0]  }
0x5a: {  	v4 =	vadd.f32 v5, v4  }
0x5b: {  	v5 =	vld [tilespmem:s18+$0x170]  }
0x5c: {  	v4 =	vadd.f32 v6, v4  }
0x5d: {  	v6 =	vld [tilespmem:s18+$0x2E0]  }
0x5e: {  	v4 =	vadd.f32 v7, v4  }
0x5f: {  	v7 =	vld [tilespmem:s18+$0x450]  }
0x60: {  	v4 =	vadd.f32 v5, v4  }
0x61: {  	v5 =	vld [tilespmem:s18+$0x5C0]  }
0x62: {  	v4 =	vadd.f32 v6, v4  }
0x63: {  	v6 =	vld [tilespmem:s18+$0x730]  }
0x64: {  	v4 =	vadd.f32 v7, v4  }
0x65: {  	v7 =	vld [tilespmem:s18+$0x8A0]  }
0x66: {  	v4 =	vadd.f32 v5, v4;
	_ =	sdelay $0x1  }
0x67: {  	v4 =	vadd.f32 v6, v4;
	_ =	sdelay $0x1  }
0x68: {  	v4 =	vadd.f32 v7, v4;
	_ =	sdelay $0x1  }
0x69: {  	v5 =	vshra.s32 v4, $0x1;
	v6 =	vmul.f32 $5.000000000e-01, v4  }
0x6a: {  	v5 =	vsub.s32 $0x5F3759DF, v5  }
0x6b: {  	v7 =	vmul.f32 v5, v6;
	_ =	sdelay $0x1  }
0x6c: {  	v7 =	vmul.f32 v5, v7;
	_ =	sdelay $0x1  }
0x6d: {  	v7 =	vsub.f32 $1.500000000e+00, v7;
	_ =	sdelay $0x1  }
0x6e: {  	v5 =	vmul.f32 v5, v7;
	_ =	sdelay $0x1  }
0x6f: {  	v7 =	vmul.f32 v5, v6;
	_ =	sdelay $0x1  }
0x70: {  	v7 =	vmul.f32 v7, v5;
	_ =	sdelay $0x1  }
0x71: {  	v7 =	vsub.f32 $1.500000000e+00, v7;
	_ =	sdelay $0x1  }
0x72: {  	v5 =	vmul.f32 v7, v5;
	_ =	sdelay $0x1  }
0x73: {  	v7 =	vmul.f32 v5, v6;
	_ =	sdelay $0x1  }
0x74: {  	v7 =	vmul.f32 v7, v5;
	_ =	sdelay $0x1  }
0x75: {  	v7 =	vsub.f32 $1.500000000e+00, v7;
	_ =	sdelay $0x1  }
0x76: {  	v5 =	vmul.f32 v7, v5;
	_ =	sdelay $0x1  }
0x77: {  	v6 =	vmul.f32 v5, v6;
	_ =	sdelay $0x1  }
0x78: {  	v6 =	vmul.f32 v6, v5;
	_ =	sdelay $0x1  }
0x79: {  	v6 =	vsub.f32 $1.500000000e+00, v6;
	_ =	sdelay $0x1  }
0x7a: {  	v5 =	vmul.f32 v6, v5  }
0x7b: {  	vm0 =	vgt.f32 v4, $0.0e+00  }
0x7c: {  	s18 =	simm.s32 $0x9E00;
	v4 =	vnsel vm0, $0x0, v5  }
0x7d: {  	s19 =	simm.s32 $0x9400;
	[tilespmem:s18+$0x0] =	vst v4  }
0x7e: {  	v4 =	vld [tilespmem:s19+$0xFFFFF480]  }
0x7f: {  	s20 =	simm.s32 $0x10;
	s21 =	simm.s32 $0x20;
	v5 =	vld [tilespmem:s19+$0xFFFFF310]  }
.LBB2_8:
0x80: {  	p1 =	sne.s32 s21, $0x160  }
0x81: {  	v6 =	vld [tilespmem:s19+$0xFFFFF5F0];
	_ =	sdelay $0x1  }
0x82: {  	v7 =	vld [tilespmem:s19+$0xFFFFF760]  }
0x83: {  	v4 =	vadd.f32 v4, v5  }
0x84: {  	v5 =	vld [tilespmem:s19+$0xFFFFF8D0]  }
0x85: {  	v4 =	vadd.f32 v6, v4  }
0x86: {  	v6 =	vld [tilespmem:s19+$0xFFFFFA40]  }
0x87: {  	v4 =	vadd.f32 v7, v4  }
0x88: {  	v7 =	vld [tilespmem:s19+$0xFFFFFBB0]  }
0x89: {  	v4 =	vadd.f32 v5, v4  }
0x8a: {  	v5 =	vld [tilespmem:s19+$0xFFFFFD20]  }
0x8b: {  	s22 =	sand.u32 $0x1F0, s20;
	s20 =	smov.u32 s21;
	v4 =	vadd.f32 v6, v4  }
0x8c: {  	v6 =	vld [tilespmem:s22+$0x9280]  }
0x8d: {  	v4 =	vadd.f32 v7, v4  }
0x8e: {  	v7 =	vld [tilespmem:s19+$0x0]  }
0x8f: {  	v4 =	vadd.f32 v5, v4  }
0x90: {  	v5 =	vld [tilespmem:s19+$0x170]  }
0x91: {  	v4 =	vadd.f32 v6, v4  }
0x92: {  	v6 =	vld [tilespmem:s19+$0x2E0]  }
0x93: {  	v4 =	vadd.f32 v7, v4  }
0x94: {  	v7 =	vld [tilespmem:s19+$0x450]  }
0x95: {  	v4 =	vadd.f32 v5, v4  }
0x96: {  	v5 =	vld [tilespmem:s19+$0x5C0]  }
0x97: {  	v4 =	vadd.f32 v6, v4  }
0x98: {  	v6 =	vld [tilespmem:s19+$0x730]  }
0x99: {  	v4 =	vadd.f32 v7, v4  }
0x9a: {  	v7 =	vld [tilespmem:s19+$0x8A0]  }
0x9b: {  	v4 =	vadd.f32 v5, v4;
	_ =	sdelay $0x1  }
0x9c: {  	v4 =	vadd.f32 v6, v4;
	_ =	sdelay $0x1  }
0x9d: {  	v4 =	vadd.f32 v7, v4;
	_ =	sdelay $0x1  }
0x9e: {  	v5 =	vshra.s32 v4, $0x1;
	v6 =	vmul.f32 $5.000000000e-01, v4  }
0x9f: {  	v5 =	vsub.s32 $0x5F3759DF, v5  }
0xa0: {  	v7 =	vmul.f32 v5, v6;
	_ =	sdelay $0x1  }
0xa1: {  	v7 =	vmul.f32 v5, v7;
	_ =	sdelay $0x1  }
0xa2: {  	v7 =	vsub.f32 $1.500000000e+00, v7;
	_ =	sdelay $0x1  }
0xa3: {  	v5 =	vmul.f32 v5, v7;
	_ =	sdelay $0x1  }
0xa4: {  	v7 =	vmul.f32 v5, v6;
	_ =	sdelay $0x1  }
0xa5: {  	v7 =	vmul.f32 v7, v5;
	_ =	sdelay $0x1  }
0xa6: {  	v7 =	vsub.f32 $1.500000000e+00, v7;
	_ =	sdelay $0x1  }
0xa7: {  	v5 =	vmul.f32 v7, v5;
	_ =	sdelay $0x1  }
0xa8: {  	v7 =	vmul.f32 v5, v6;
	_ =	sdelay $0x1  }
0xa9: {  	v7 =	vmul.f32 v7, v5;
	_ =	sdelay $0x1  }
0xaa: {  	v7 =	vsub.f32 $1.500000000e+00, v7;
	_ =	sdelay $0x1  }
0xab: {  	v5 =	vmul.f32 v7, v5;
	_ =	sdelay $0x1  }
0xac: {  	v6 =	vmul.f32 v5, v6;
	_ =	sdelay $0x1  }
0xad: {  	v6 =	vmul.f32 v6, v5;
	_ =	sdelay $0x1  }
0xae: {  	v6 =	vsub.f32 $1.500000000e+00, v6;
	_ =	sdelay $0x1  }
0xaf: {  	v5 =	vmul.f32 v6, v5  }
.Ltmp3:
0xb0: {  	vm0 =	vgt.f32 v4, $0.0e+00;
	(pc) =	sbr.rel @p1 .LBB2_8-.Ltmp3, $4  }
0xb1: {  	s18 =	sadd.s32 $0x10, s18;
	v4 =	vnsel vm0, $0x0, v5  }
0xb2: {  	s19 =	sadd.s32 $0x10, s19;
	[tilespmem:s18+$0x0] =	vst v4  }
0xb3: {  	v4 =	vld [tilespmem:s19+$0xFFFFF480]  }
0xb4: {  	s21 =	sadd.s32 $0x10, s21;
	v5 =	vld [tilespmem:s19+$0xFFFFF310]  }
0xb5: {  	_ = 	snop  }
0xb6: {  	v6 =	vld [tilespmem:s19+$0xFFFFF5F0];
	_ =	sdelay $0x1  }
0xb7: {  	v7 =	vld [tilespmem:s19+$0xFFFFF760]  }
0xb8: {  	v4 =	vadd.f32 v4, v5  }
0xb9: {  	v5 =	vld [tilespmem:s19+$0xFFFFF8D0]  }
0xba: {  	v4 =	vadd.f32 v6, v4  }
0xbb: {  	v54 =	vld [tilespmem:s19+$0xFFFFFA40]  }
0xbc: {  	v4 =	vadd.f32 v7, v4  }
0xbd: {  	v55 =	vld [tilespmem:s19+$0xFFFFFBB0]  }
0xbe: {  	v4 =	vadd.f32 v5, v4  }
0xbf: {  	v5 =	vld [tilespmem:s19+$0xFFFFFD20]  }
0xc0: {  	s20 =	sand.u32 $0x1F0, s20;
	v4 =	vadd.f32 v54, v4  }
0xc1: {  	v56 =	vld [tilespmem:s20+$0x9280]  }
0xc2: {  	v4 =	vadd.f32 v55, v4  }
0xc3: {  	v57 =	vld [tilespmem:s19+$0x0]  }
0xc4: {  	v4 =	vadd.f32 v5, v4  }
0xc5: {  	v5 =	vld [tilespmem:s19+$0x170]  }
0xc6: {  	v4 =	vadd.f32 v56, v4  }
0xc7: {  	v58 =	vld [tilespmem:s19+$0x2E0]  }
0xc8: {  	v4 =	vadd.f32 v57, v4  }
0xc9: {  	v59 =	vld [tilespmem:s19+$0x450]  }
0xca: {  	v4 =	vadd.f32 v5, v4  }
0xcb: {  	v5 =	vld [tilespmem:s19+$0x5C0]  }
0xcc: {  	v4 =	vadd.f32 v58, v4  }
0xcd: {  	v60 =	vld [tilespmem:s19+$0x730]  }
0xce: {  	v4 =	vadd.f32 v59, v4  }
0xcf: {  	v61 =	vld [tilespmem:s19+$0x8A0]  }
0xd0: {  	v4 =	vadd.f32 v5, v4;
	_ =	sdelay $0x1  }
0xd1: {  	v4 =	vadd.f32 v60, v4;
	_ =	sdelay $0x1  }
0xd2: {  	v4 =	vadd.f32 v61, v4;
	_ =	sdelay $0x1  }
0xd3: {  	v5 =	vshra.s32 v4, $0x1;
	v62 =	vmul.f32 $5.000000000e-01, v4  }
0xd4: {  	v5 =	vsub.s32 $0x5F3759DF, v5  }
0xd5: {  	v63 =	vmul.f32 v5, v62;
	_ =	sdelay $0x1  }
0xd6: {  	v7 =	vmul.f32 v5, v63;
	_ =	sdelay $0x1  }
0xd7: {  	v7 =	vsub.f32 $1.500000000e+00, v7;
	_ =	sdelay $0x1  }
0xd8: {  	v5 =	vmul.f32 v5, v7;
	_ =	sdelay $0x1  }
0xd9: {  	v7 =	vmul.f32 v5, v62;
	_ =	sdelay $0x1  }
0xda: {  	v7 =	vmul.f32 v7, v5;
	_ =	sdelay $0x1  }
0xdb: {  	v7 =	vsub.f32 $1.500000000e+00, v7;
	_ =	sdelay $0x1  }
0xdc: {  	v5 =	vmul.f32 v7, v5;
	_ =	sdelay $0x1  }
0xdd: {  	v7 =	vmul.f32 v5, v62;
	_ =	sdelay $0x1  }
0xde: {  	v7 =	vmul.f32 v7, v5;
	_ =	sdelay $0x1  }
0xdf: {  	v7 =	vsub.f32 $1.500000000e+00, v7;
	_ =	sdelay $0x1  }
0xe0: {  	v5 =	vmul.f32 v7, v5;
	_ =	sdelay $0x1  }
0xe1: {  	v6 =	vmul.f32 v5, v62;
	_ =	sdelay $0x1  }
0xe2: {  	v6 =	vmul.f32 v6, v5;
	_ =	sdelay $0x1  }
0xe3: {  	v6 =	vsub.f32 $1.500000000e+00, v6;
	_ =	sdelay $0x1  }
0xe4: {  	v5 =	vmul.f32 v6, v5  }
0xe5: {  	vm0 =	vgt.f32 v4, $0.0e+00  }
0xe6: {  	s18 =	sadd.s32 $0x10, s18;
	v4 =	vnsel vm0, $0x0, v5  }
0xe7: {  	[tilespmem:s18+$0x0] =	vst v4  }
.LBB2_10:
0xe8: {  	s18 =	sshra.s32 s17, $0x2  }
0xe9: {  	v4 =	vld [tilespmem:s18+$0x0];
	_ =	sdelay $0x1  }
0xea: {  	v5 =	vld [tilespmem:s18+$0x2D00];
	_ =	sdelay $0x4  }
0xeb: {  	v6 =	vld [tilespmem:s18+$0x5A00]  }
0xec: {  	v7 =	vld.idx.msk [tilespmem:v4+s14+$0x0], $0xffff  }
0xed: {  	v8 =	vsub.s32 v5, v0  }
0xee: {  	v9 =	vmul.u32 $0x168, v8;
	v5 =	vld.idx.msk [tilespmem:v5+s14+$0x0], $0xffff;
	_ =	sdelay $0x1  }
0xef: {  	v4 =	vadd.s32 v9, v4  }
0xf0: {  	vm0 =	vlt.u32 v8, $0xC;
	v4 =	vadd.s32 v3, v4;
	v6 =	vmul.f32 v7, v6  }
0xf1: {  	v4 =	vnsel vm0, $0x0, v4  }
0xf2: {  	v5 =	vmul.f32 v5, v6;
	_ =	sdelay $0x1  }
0xf3: {  	v5 =	vsub.f32 $0.0e+00, v5;
	_ =	sdelay $0x1  }
0xf4: {  	[tilespmem:v4+s15+$0x0] =	vst.idx.add.f32.msk vm0, v5  }
0xf5: {  	v4 =	vld [tilespmem:s18+$0x10];
	_ =	sdelay $0x1  }
0xf6: {  	v5 =	vld [tilespmem:s18+$0x2D10];
	_ =	sdelay $0x4  }
0xf7: {  	v52 =	vld [tilespmem:s18+$0x5A10]  }
0xf8: {  	v53 =	vld.idx.msk [tilespmem:v4+s14+$0x0], $0xffff  }
0xf9: {  	v54 =	vsub.s32 v5, v0  }
0xfa: {  	v55 =	vmul.u32 $0x168, v54;
	v5 =	vld.idx.msk [tilespmem:v5+s14+$0x0], $0xffff;
	_ =	sdelay $0x1  }
0xfb: {  	v4 =	vadd.s32 v55, v4  }
0xfc: {  	vm13 =	vlt.u32 v54, $0xC;
	v4 =	vadd.s32 v3, v4;
	v6 =	vmul.f32 v53, v52  }
0xfd: {  	v4 =	vnsel vm13, $0x0, v4  }
0xfe: {  	v5 =	vmul.f32 v5, v6;
	_ =	sdelay $0x1  }
0xff: {  	v5 =	vsub.f32 $0.0e+00, v5;
	_ =	sdelay $0x1  }
0x100: {  	[tilespmem:v4+s15+$0x0] =	vst.idx.add.f32.msk vm13, v5  }
0x101: {  	v4 =	vld [tilespmem:s18+$0x20];
	_ =	sdelay $0x1  }
0x102: {  	v5 =	vld [tilespmem:s18+$0x2D20];
	_ =	sdelay $0x4  }
0x103: {  	v56 =	vld [tilespmem:s18+$0x5A20]  }
0x104: {  	v57 =	vld.idx.msk [tilespmem:v4+s14+$0x0], $0xffff  }
0x105: {  	v58 =	vsub.s32 v5, v0  }
0x106: {  	v59 =	vmul.u32 $0x168, v58;
	v5 =	vld.idx.msk [tilespmem:v5+s14+$0x0], $0xffff;
	_ =	sdelay $0x1  }
0x107: {  	v4 =	vadd.s32 v59, v4  }
0x108: {  	vm14 =	vlt.u32 v58, $0xC;
	v4 =	vadd.s32 v3, v4;
	v6 =	vmul.f32 v57, v56  }
0x109: {  	v4 =	vnsel vm14, $0x0, v4  }
0x10a: {  	v5 =	vmul.f32 v5, v6;
	_ =	sdelay $0x1  }
0x10b: {  	v5 =	vsub.f32 $0.0e+00, v5;
	_ =	sdelay $0x1  }
0x10c: {  	[tilespmem:v4+s15+$0x0] =	vst.idx.add.f32.msk vm14, v5  }
0x10d: {  	v4 =	vld [tilespmem:s18+$0x30];
	_ =	sdelay $0x1  }
0x10e: {  	v5 =	vld [tilespmem:s18+$0x2D30];
	_ =	sdelay $0x4  }
0x10f: {  	v60 =	vld [tilespmem:s18+$0x5A30]  }
0x110: {  	v61 =	vld.idx.msk [tilespmem:v4+s14+$0x0], $0xffff  }
0x111: {  	v62 =	vsub.s32 v5, v0  }
0x112: {  	v63 =	vmul.u32 $0x168, v62;
	v5 =	vld.idx.msk [tilespmem:v5+s14+$0x0], $0xffff;
	_ =	sdelay $0x1  }
0x113: {  	v4 =	vadd.s32 v63, v4  }
0x114: {  	vm15 =	vlt.u32 v62, $0xC;
	v4 =	vadd.s32 v3, v4;
	v6 =	vmul.f32 v61, v60  }
0x115: {  	p1 =	sne.s32 s17, $0xB300;
	v4 =	vnsel vm15, $0x0, v4  }
.Ltmp4:
0x116: {  	v5 =	vmul.f32 v5, v6;
	(pc) =	sbr.rel @p1 .LBB2_10-.Ltmp4, $3  }
0x117: {  	_ = 	snop  }
0x118: {  	v5 =	vsub.f32 $0.0e+00, v5;
	_ =	sdelay $0x1  }
0x119: {  	s17 =	sadd.s32 $0x100, s17;
	[tilespmem:v4+s15+$0x0] =	vst.idx.add.f32.msk vm15, v5  }
0x11a: {  	s17 =	simm.s32 $0x0  }
0x11b: {  	v4 =	vld [tilespmem:s17+$0x9F80]  }
0x11c: {  	v5 =	vld [tilespmem:s17+$0xB060];
	_ =	sdelay $0x1  }
0x11d: {  	v6 =	vld [tilespmem:s17+$0xC140];
	_ =	sdelay $0x1  }
0x11e: {  	s18 =	simm.s32 $0x0;
	v7 =	vld [tilespmem:s17+$0xD220]  }
0x11f: {  	s19 =	sand.u32 $0x1FF0, s18;
	v4 =	vadd.f32 v5, v4  }
0x120: {  	v5 =	vld [tilespmem:s19+$0xE300]  }
0x121: {  	v4 =	vadd.f32 v6, v4  }
0x122: {  	v6 =	vld [tilespmem:s17+$0xF3E0]  }
0x123: {  	v4 =	vadd.f32 v7, v4  }
0x124: {  	v7 =	vld [tilespmem:s17+$0x104C0]  }
0x125: {  	v4 =	vadd.f32 v5, v4  }
0x126: {  	v5 =	vld [tilespmem:s17+$0x115A0]  }
0x127: {  	v4 =	vadd.f32 v6, v4  }
0x128: {  	v6 =	vld [tilespmem:s19+$0x12680]  }
0x129: {  	v4 =	vadd.f32 v7, v4  }
0x12a: {  	v7 =	vld [tilespmem:s17+$0x13760]  }
0x12b: {  	v4 =	vadd.f32 v5, v4  }
0x12c: {  	v5 =	vld [tilespmem:s17+$0x14840]  }
0x12d: {  	v4 =	vadd.f32 v6, v4  }
0x12e: {  	v6 =	vld [tilespmem:s17+$0x15920]  }
0x12f: {  	v4 =	vadd.f32 v7, v4  }
0x130: {  	v7 =	vld [tilespmem:s19+$0x16A00]  }
0x131: {  	v4 =	vadd.f32 v5, v4  }
0x132: {  	v8 =	vld [tilespmem:s17+$0x17AE0]  }
0x133: {  	v4 =	vadd.f32 v6, v4  }
0x134: {  	v5 =	vld [tilespmem:s17+$0x18BC0]  }
0x135: {  	v7 =	vadd.f32 v7, v4  }
0x136: {  	s20 =	simm.s32 $0x10;
	v6 =	vld [tilespmem:s17+$0x19CA0]  }
0x137: {  	s19 =	simm.s32 $0x80;
	v4 =	vld [tilespmem:s20+$0x9F80];
	v7 =	vadd.f32 v8, v7  }
.LBB2_12:
0x138: {  	p1 =	sne.s32 s19, $0x4340;
	v8 =	vld [tilespmem:s20+$0xB060]  }
0x139: {  	v5 =	vadd.f32 v5, v7  }
0x13a: {  	v7 =	vld [tilespmem:s20+$0xC140]  }
0x13b: {  	v5 =	vadd.f32 v6, v5  }
0x13c: {  	s18 =	sadd.s32 $0x10, s18;
	v6 =	vld [tilespmem:s20+$0xD220]  }
0x13d: {  	s21 =	sand.u32 $0x1FF0, s18;
	v4 =	vadd.f32 v8, v4;
	[tilespmem:s17+$0x1AD80] =	vst v5;
	s17 =	smov.u32 s20  }
0x13e: {  	v5 =	vld [tilespmem:s21+$0xE300]  }
0x13f: {  	v4 =	vadd.f32 v7, v4  }
0x140: {  	v7 =	vld [tilespmem:s17+$0xF3E0]  }
0x141: {  	v4 =	vadd.f32 v6, v4  }
0x142: {  	v6 =	vld [tilespmem:s17+$0x104C0]  }
0x143: {  	v4 =	vadd.f32 v5, v4  }
0x144: {  	v5 =	vld [tilespmem:s17+$0x115A0]  }
0x145: {  	v4 =	vadd.f32 v7, v4  }
0x146: {  	v7 =	vld [tilespmem:s21+$0x12680]  }
0x147: {  	v4 =	vadd.f32 v6, v4  }
0x148: {  	v6 =	vld [tilespmem:s17+$0x13760]  }
0x149: {  	v4 =	vadd.f32 v5, v4  }
0x14a: {  	v5 =	vld [tilespmem:s17+$0x14840]  }
0x14b: {  	v4 =	vadd.f32 v7, v4  }
0x14c: {  	v7 =	vld [tilespmem:s17+$0x15920]  }
0x14d: {  	v4 =	vadd.f32 v6, v4  }
0x14e: {  	v6 =	vld [tilespmem:s21+$0x16A00]  }
0x14f: {  	v4 =	vadd.f32 v5, v4  }
0x150: {  	v8 =	vld [tilespmem:s17+$0x17AE0]  }
.Ltmp5:
0x151: {  	v4 =	vadd.f32 v7, v4;
	(pc) =	sbr.rel @p1 .LBB2_12-.Ltmp5, $4  }
0x152: {  	v5 =	vld [tilespmem:s17+$0x18BC0]  }
0x153: {  	v7 =	vadd.f32 v6, v4  }
0x154: {  	s20 =	sshra.s32 s19, $0x2;
	v6 =	vld [tilespmem:s17+$0x19CA0]  }
0x155: {  	s19 =	sadd.s32 $0x40, s19;
	v4 =	vld [tilespmem:s20+$0x9F80];
	v7 =	vadd.f32 v8, v7  }
0x156: {  	v8 =	vld [tilespmem:s20+$0xB060]  }
0x157: {  	v5 =	vadd.f32 v5, v7  }
0x158: {  	v54 =	vld [tilespmem:s20+$0xC140]  }
0x159: {  	v5 =	vadd.f32 v6, v5  }
0x15a: {  	v55 =	vld [tilespmem:s20+$0xD220];
	s18 =	sadd.s32 $0x10, s18  }
0x15b: {  	s18 =	sand.u32 $0x1FF0, s18;
	v4 =	vadd.f32 v8, v4;
	[tilespmem:s17+$0x1AD80] =	vst v5  }
0x15c: {  	v5 =	vld [tilespmem:s18+$0xE300]  }
0x15d: {  	v4 =	vadd.f32 v54, v4  }
0x15e: {  	v56 =	vld [tilespmem:s20+$0xF3E0]  }
0x15f: {  	v4 =	vadd.f32 v55, v4  }
0x160: {  	v57 =	vld [tilespmem:s20+$0x104C0]  }
0x161: {  	v4 =	vadd.f32 v5, v4  }
0x162: {  	v5 =	vld [tilespmem:s20+$0x115A0]  }
0x163: {  	v4 =	vadd.f32 v56, v4  }
0x164: {  	v58 =	vld [tilespmem:s18+$0x12680]  }
0x165: {  	v4 =	vadd.f32 v57, v4  }
0x166: {  	v59 =	vld [tilespmem:s20+$0x13760]  }
0x167: {  	v4 =	vadd.f32 v5, v4  }
0x168: {  	v5 =	vld [tilespmem:s20+$0x14840]  }
0x169: {  	v4 =	vadd.f32 v58, v4  }
0x16a: {  	v60 =	vld [tilespmem:s20+$0x15920]  }
0x16b: {  	v4 =	vadd.f32 v59, v4  }
0x16c: {  	v61 =	vld [tilespmem:s18+$0x16A00]  }
0x16d: {  	v4 =	vadd.f32 v5, v4  }
0x16e: {  	v5 =	vld [tilespmem:s20+$0x17AE0]  }
0x16f: {  	v4 =	vadd.f32 v60, v4  }
0x170: {  	v62 =	vld [tilespmem:s20+$0x18BC0]  }
0x171: {  	v4 =	vadd.f32 v61, v4  }
0x172: {  	v63 =	vld [tilespmem:s20+$0x19CA0]  }
0x173: {  	v4 =	vadd.f32 v5, v4;
	_ =	sdelay $0x1  }
0x174: {  	v4 =	vadd.f32 v62, v4;
	_ =	sdelay $0x1  }
0x175: {  	v4 =	vadd.f32 v63, v4  }
0x176: {  	s16 =	sadd.s32 $0x1, s16  }
0x177: {  	p1 =	sne.s32 s16, s7;
	s17 =	simm.s32 @!p0 $0x0;
	s18 =	simm.s32 @!p0 $0x1AD80;
	[tilespmem:s20+$0x1AD80] =	vst v4  }
0x178: {  	[hbm4b:s6+s17] =	stream.linear.scatter @!p0 [tilespmem:s18], [sflag:$0x1], $0x10E0, $0x38;
	[tilespmem:$0x1BE80] =	vst v63  }
.Ltmp6:
0x179: {  	_ = 	snop;
	(pc) =	sbr.rel @p1 .LBB2_1-.Ltmp6, $4  }
0x17a: {  	s17 =	simm.s32 @!p0 $0x1  }
0x17b: {  	_ =	swait.ge @!p0 [sflag:s17], $0x10E0  }
0x17c: {  	[sflag:s17] =	ssyncset.done @!p0 $0x0  }
0x17d: {  	[sflag:s17] =	ssyncadd.s32 @!p0 $0xFFFFEF20  }
0x17e: {  	_ =	sfence.sel $0x180000  }
0x17f: {  	[bflag:$0x0] =	sbarrier.arrive $0xFFFF  }
0x180: {  	p0 =	sne.s32 s2, $0x0;
	_ =	strace $0x90000047  }
0x181: {  	s0 =	sadd.s32 @!p0 $0x100000, s0;
	[bflag:$0x2] =	sbarrier.arrive $0xFFFF  }
0x182: {  	[sflag:s0] =	ssyncadd.tile.s32 @!p0 $0x1;
	_ =	shalt  }
.Lfunc_end2:
_tile_overlayer_lowered:
.L_overlay_start_2:
0x183: {  	(tag) =	ssettag $0x2  }
0x184: {  	s0 =	rddreg [dreg:$0x0];
	s2 =	stileid.u32  }
0x185: {  	s1 =	rddreg [dreg:$0x1];
	p0 =	sne.s32 s2, $0x0  }
0x186: {  	s3 =	rddreg [dreg:$0x2];
	[bflag:$0x3] =	sbarrier.arrive $0xFFFF;
	s2 =	simm.s32 @!p0 $0x1C01  }
0x187: {  	[timem:s3], [sflag:s2] =	dma.local @!p0 [hbm:s0], s1  }
0x188: {  	s0 =	simm.s32 @!p0 $0x1  }
0x189: {  	_ =	swait.ge @!p0 [sflag:s0], s1  }
0x18a: {  	s1 =	ssub.s32 @!p0 $0x0, s1;
	[sflag:s0] =	ssyncset.done @!p0 $0x0  }
0x18b: {  	[sflag:s0] =	ssyncadd.s32 @!p0 s1  }
0x18c: {  	[bflag:$0x3] =	sbarrier.arrive $0xFFFF  }
0x18d: {  	_ =	shalt  }

</sc_bundles>
